<compile_context>
chip_gen: v7x
topology: tpu7x:2x2x1
jax: 0.10.2.dev20260603
libtpu: 0.0.44.dev20260713+nightly
codegen_flags: <defaults>
</compile_context>

<pallas_src>
import functools

import jax
import jax.numpy as jnp
from jax import lax
from jax.experimental import pallas as pl
from jax.experimental.pallas import tpu as pltpu
from jax.experimental.pallas import tpu_sc as plsc

N_NODES = 10000
N_EDGES = 160000
FEATS = 256

NC = 2
NS = 16
NW = NC * NS
L = 16
RPT = 312
ACC_ROWS = 320
CHUNK = 80
STEP = CHUNK - 8
FG = FEATS // L
OFF_WIN = 336
OFF_PAD = 10048
_BITS = (256, 128, 64, 32, 16, 8, 4, 2, 1)


def _matmul_body(x_ref, w_ref, o_ref):
    o_ref[...] = jnp.dot(x_ref[...], w_ref[...],
                         preferred_element_type=jnp.float32)


def _dense_transform(x, w):
    m_blk = 1000
    return pl.pallas_call(
        _matmul_body,
        grid=(N_NODES // m_blk,),
        in_specs=[
            pl.BlockSpec((m_blk, FEATS), lambda i: (i, 0)),
            pl.BlockSpec((FEATS, FEATS), lambda i: (0, 0)),
        ],
        out_specs=pl.BlockSpec((m_blk, FEATS), lambda i: (i, 0)),
        out_shape=jax.ShapeDtypeStruct((N_NODES, FEATS), jnp.float32),
    )(x, w)


def _splat(vec_ref, pos):
    return plsc.load_gather(vec_ref, [jnp.full((L,), pos, jnp.int32)])[0]


def _chunk_base(lo):
    return pl.multiple_of((jnp.minimum(lo, N_EDGES - CHUNK) // 8) * 8, 8)


def _agg_body(h_hbm, off_hbm, cols_hbm, vals_hbm, bias_hbm, out_hbm,
              offs_w, colsv2, valsv2, rowv, rows2, biasb, acc,
              sem_c, sem_g, sem_g2, sem_v):
    c = lax.axis_index("c")
    s = lax.axis_index("s")
    w = s * NC + c

    r0 = pl.multiple_of(w * RPT + 8 * jnp.minimum(w, 2), 8)
    rows = jnp.where(w < 2, RPT + 8, RPT)
    r1 = r0 + rows
    pltpu.sync_copy(off_hbm.at[pl.ds(r0, OFF_WIN)], offs_w)
    e0 = offs_w[pl.ds(0, L)][0]
    e1 = _splat(offs_w, rows)

    pltpu.sync_copy(bias_hbm, biasb)
    bvecs = [biasb[pl.ds(j * L, L)] for j in range(FG)]

    def init_body(i, carry):
        for j in range(FG):
            acc[i, pl.ds(j * L, L)] = bvecs[j]
        return carry

    lax.fori_loop(0, ACC_ROWS, init_body, 0)

    cnt = e1 - e0
    nch = (cnt + STEP - 1) // STEP

    @pl.when(nch > 0)
    def _():
        base0 = _chunk_base(e0)
        pltpu.sync_copy(cols_hbm.at[pl.ds(base0, CHUNK)], colsv2.at[0])
        pltpu.sync_copy(vals_hbm.at[pl.ds(base0, CHUNK)], valsv2.at[0])
        pltpu.async_copy(h_hbm.at[colsv2.at[0, pl.ds(0, CHUNK // 2)]],
                         rows2.at[0, pl.ds(0, CHUNK // 2)], sem_g)
        pltpu.async_copy(
            h_hbm.at[colsv2.at[0, pl.ds(CHUNK // 2, CHUNK // 2)]],
            rows2.at[0, pl.ds(CHUNK // 2, CHUNK // 2)], sem_g2)

    @pl.when(nch > 1)
    def _():
        base1 = _chunk_base(e0 + STEP)
        pltpu.async_copy(cols_hbm.at[pl.ds(base1, CHUNK)],
                         colsv2.at[1], sem_c)

    def chunk_body(i, carry):
        buf = lax.rem(i, 2)
        nbuf = 1 - buf
        lo = e0 + i * STEP
        base = _chunk_base(lo)
        nlo = lo + STEP
        nbase = _chunk_base(nlo)
        n2base = _chunk_base(nlo + STEP)
        have_next = i + 1 < nch

        @pl.when(have_next)
        def _():
            pltpu.make_async_copy(cols_hbm.at[pl.ds(nbase, CHUNK)],
                                  colsv2.at[nbuf], sem_c).wait()
            pltpu.async_copy(
                h_hbm.at[colsv2.at[nbuf, pl.ds(0, CHUNK // 2)]],
                rows2.at[nbuf, pl.ds(0, CHUNK // 2)], sem_g)
            pltpu.async_copy(
                h_hbm.at[colsv2.at[nbuf, pl.ds(CHUNK // 2, CHUNK // 2)]],
                rows2.at[nbuf, pl.ds(CHUNK // 2, CHUNK // 2)], sem_g2)
            pltpu.async_copy(vals_hbm.at[pl.ds(nbase, CHUNK)],
                             valsv2.at[nbuf], sem_v)

        hi = jnp.minimum(nlo, e1)

        def bin_body(g):
            goff = pl.multiple_of(g * L, L)
            e_vec = base + goff + lax.iota(jnp.int32, L)
            keep = (e_vec >= lo) & (e_vec < hi)
            r = jnp.full((L,), r0, jnp.int32)
            for bit in _BITS:
                cand = r + bit
                ov = plsc.load_gather(
                    offs_w, [jnp.minimum(cand - r0, OFF_WIN - 1)])
                ok = (ov <= e_vec) & (cand < r1)
                r = jnp.where(ok, cand, r)
            rowv[pl.ds(goff, L)] = r - r0
            vv = valsv2[buf, pl.ds(goff, L)]
            valsv2[buf, pl.ds(goff, L)] = jnp.where(keep, vv, 0.0)

        plsc.parallel_loop(0, CHUNK // L, 1, unroll=CHUNK // L)(bin_body)

        pltpu.make_async_copy(
            h_hbm.at[colsv2.at[buf, pl.ds(0, CHUNK // 2)]],
            rows2.at[buf, pl.ds(0, CHUNK // 2)], sem_g).wait()
        pltpu.make_async_copy(
            h_hbm.at[colsv2.at[buf, pl.ds(CHUNK // 2, CHUNK // 2)]],
            rows2.at[buf, pl.ds(CHUNK // 2, CHUNK // 2)], sem_g2).wait()

        @pl.when(i + 2 < nch)
        def _():
            pltpu.async_copy(cols_hbm.at[pl.ds(n2base, CHUNK)],
                             colsv2.at[buf], sem_c)

        lanes = lax.iota(jnp.int32, L)
        bufv = jnp.full((L,), buf, jnp.int32)

        def edge_body(k):
            kv = jnp.full((L,), k, jnp.int32)
            rl = plsc.load_gather(rowv, [kv])
            val = plsc.load_gather(valsv2, [bufv, kv])
            for j in range(FG):
                col = lanes + (j * L)
                v = rows2[buf, k, pl.ds(j * L, L)]
                plsc.addupdate_scatter(acc, [rl, col], v * val)

        plsc.parallel_loop(0, CHUNK, 1, unroll=4)(edge_body)

        @pl.when(have_next)
        def _():
            pltpu.make_async_copy(vals_hbm.at[pl.ds(nbase, CHUNK)],
                                  valsv2.at[nbuf], sem_v).wait()

        return carry

    lax.fori_loop(0, nch, chunk_body, 0)

    nblk = (rows + 15) // 16

    def out_body(jb, carry):
        start = pl.multiple_of(jnp.minimum(jb * 16, rows - 16), 8)
        pltpu.sync_copy(acc.at[pl.ds(start, 16)],
                        out_hbm.at[pl.ds(r0 + start, 16)])
        return carry

    lax.fori_loop(0, nblk, out_body, 0)


def _sc_aggregate(h, off_pad, cols, vals, bias):
    mesh = plsc.VectorSubcoreMesh(core_axis_name="c", subcore_axis_name="s")
    kfn = functools.partial(
        pl.kernel,
        out_type=jax.ShapeDtypeStruct((N_NODES, FEATS), jnp.float32),
        mesh=mesh,
        scratch_types=[
            pltpu.VMEM((OFF_WIN,), jnp.int32),
            pltpu.VMEM((2, CHUNK), jnp.int32),
            pltpu.VMEM((2, CHUNK), jnp.float32),
            pltpu.VMEM((CHUNK,), jnp.int32),
            pltpu.VMEM((2, CHUNK, FEATS), jnp.float32),
            pltpu.VMEM((FEATS,), jnp.float32),
            pltpu.VMEM((ACC_ROWS, FEATS), jnp.float32),
            pltpu.SemaphoreType.DMA,
            pltpu.SemaphoreType.DMA,
            pltpu.SemaphoreType.DMA,
            pltpu.SemaphoreType.DMA,
        ],
        compiler_params=pltpu.CompilerParams(needs_layout_passes=False),
    )(_agg_body)
    return kfn(h, off_pad, cols, vals, bias)


def kernel(input_dense, offset_graph, cols_graph, vals_graph, weights, bias):
    h = _dense_transform(input_dense, weights)
    off = offset_graph.astype(jnp.int32)
    off_pad = jnp.concatenate(
        [off, jnp.full((OFF_PAD - N_NODES - 1,), N_EDGES, jnp.int32)])
    return _sc_aggregate(h, off_pad, cols_graph.astype(jnp.int32),
                         vals_graph, bias)

# --- scband reference (transcript-rebuilt; emitter-appended) ---
"""Pipeline reference for scband-gcn-12661563589059 (READ-ONLY COPY).

The authoritative reference and input builder live on the scoring server;
editing this copy changes nothing except your own understanding.
"""

import jax, jax.numpy as jnp
import numpy as np

N_NODES = 10000
N_EDGES = 160000
IN_FEATS = 256
OUT_FEATS = 256


def setup_inputs(seed: int = 0) -> dict:
    key = jax.random.key(seed)
    k1, k2, k3, k4, k5 = jax.random.split(key, 5)
    input_dense = jax.random.normal(k1, (N_NODES, IN_FEATS), dtype=jnp.float32)
    # CSR row offsets: sorted, clamped so offsets[0]=0 and offsets[-1]=N_EDGES
    offset_graph = jnp.sort(jax.random.randint(k2, (N_NODES + 1,), 0, N_EDGES, dtype=jnp.int64))
    offset_graph = offset_graph.at[0].set(0).at[-1].set(N_EDGES)
    cols_graph = jax.random.randint(k3, (N_EDGES,), 0, N_NODES, dtype=jnp.int64)
    vals_graph = jax.random.uniform(k4, (N_EDGES,), dtype=jnp.float32)
    # Xavier-uniform weights, zero bias (matches reset_parameters)
    limit = float(np.sqrt(6.0 / (IN_FEATS + OUT_FEATS)))
    weights = jax.random.uniform(k5, (IN_FEATS, OUT_FEATS), dtype=jnp.float32, minval=-limit, maxval=limit)
    bias = jnp.zeros((OUT_FEATS,), dtype=jnp.float32)
    return {
        "input_dense": input_dense,
        "offset_graph": offset_graph,
        "cols_graph": cols_graph,
        "vals_graph": vals_graph,
        "weights": weights,
        "bias": bias,
    }


def reference(input_dense, offset_graph, cols_graph, vals_graph, weights, bias):
    # GCN layer with CSR sparse adjacency: out = A @ (X @ W) + b
    N = input_dense.shape[0]
    E = cols_graph.shape[0]
    # Dense transform first (A @ (X W) == (A X) W)
    h = input_dense @ weights  # [N, out_feats]
    # Expand CSR offsets into per-edge row (destination) ids
    row_ids = jnp.searchsorted(offset_graph, jnp.arange(E, dtype=offset_graph.dtype), side="right") - 1
    row_ids = jnp.clip(row_ids, 0, N - 1)
    # Gather neighbor features, scale by edge values, scatter-add to rows
    gathered = jnp.take(h, cols_graph, axis=0) * vals_graph[:, None]  # [E, out_feats]
    out = jax.ops.segment_sum(gathered, row_ids, num_segments=N)
    return out + bias[None, :]

if __name__ == "__main__":
    import jax
    _d = setup_inputs()
    print(jax.jit(kernel)(*tuple(_d.values())))

</pallas_src>

<mosaic_0001>
#map = affine_map<(d0, d1) -> (0, 0)>
#map1 = affine_map<(d0, d1) -> (0)>
module attributes {stable_mosaic.version = 14 : i64} {
  func.func @_agg_body(%arg0: i32, %arg1: i32, %arg2: memref<10000x256xf32, #tpu.memory_space<hbm>>, %arg3: memref<10048xi32, #tpu.memory_space<hbm>>, %arg4: memref<160000xi32, #tpu.memory_space<hbm>>, %arg5: memref<160000xf32, #tpu.memory_space<hbm>>, %arg6: memref<256xf32, #tpu.memory_space<hbm>>, %arg7: memref<10000x256xf32, #tpu.memory_space<hbm>>, %arg8: memref<336xi32, #tpu.memory_space<vmem>>, %arg9: memref<2x80xi32, #tpu.memory_space<vmem>>, %arg10: memref<2x80xf32, #tpu.memory_space<vmem>>, %arg11: memref<80xi32, #tpu.memory_space<vmem>>, %arg12: memref<2x80x256xf32, #tpu.memory_space<vmem>>, %arg13: memref<256xf32, #tpu.memory_space<vmem>>, %arg14: memref<320x256xf32, #tpu.memory_space<vmem>>, %arg15: memref<!tpu.dma_semaphore, #tpu.memory_space<semaphore_mem>>, %arg16: memref<!tpu.dma_semaphore, #tpu.memory_space<semaphore_mem>>, %arg17: memref<!tpu.dma_semaphore, #tpu.memory_space<semaphore_mem>>, %arg18: memref<!tpu.dma_semaphore, #tpu.memory_space<semaphore_mem>>) attributes {dimension_semantics = [#tpu.dimension_semantics<core_parallel>, #tpu.dimension_semantics<subcore_parallel>], iteration_bounds = array<i64: 2, 16>, scalar_prefetch = 0 : i64, scratch_operands = 11 : i64, tpu.core_type = #tpu.core_type<sc_vector_subcore>, window_params = [{transform_indices = #map}, {transform_indices = #map1}, {transform_indices = #map1}, {transform_indices = #map1}, {transform_indices = #map1}, {transform_indices = #map}]} {
    %mul3A = arith.constant 2 : i32
    %mul3A_0 = arith.muli %arg1, %mul3A : i32
    %add3A = arith.addi %mul3A_0, %arg0 : i32
    %mul3A_1 = arith.constant 312 : i32
    %mul3A_2 = arith.muli %add3A, %mul3A_1 : i32
    %min3A = arith.constant 2 : i32
    %min3A_3 = arith.minsi %add3A, %min3A : i32
    %mul3A_4 = arith.constant 8 : i32
    %mul3A_5 = arith.muli %mul3A_4, %min3A_3 : i32
    %add3A_6 = arith.addi %mul3A_2, %mul3A_5 : i32
    %multiple_of3A = tpu.assume_multiple %add3A_6, 8 : i32
    %lt3A = arith.constant 2 : i32
    %lt3A_7 = arith.cmpi slt, %add3A, %lt3A : i32
    %jit3A = arith.constant 320 : i32
    %jit3A_8 = arith.constant 312 : i32
    %select_n3A = arith.select %lt3A_7, %jit3A, %jit3A_8 : i32
    %add3A_9 = arith.addi %multiple_of3A, %select_n3A : i32
    "tpu.region"() ({
      %run_scoped3A = tpu.sem_alloc : memref<!tpu.dma_semaphore, #tpu.memory_space<semaphore_mem>>
      %dma_start3A = tpu.memref_slice %arg3[%multiple_of3A] : memref<10048xi32, #tpu.memory_space<hbm>> -> memref<336xi32, #tpu.memory_space<hbm>>
      %dma_start3A_125 = tpu.memref_slice %arg3[%multiple_of3A] : memref<10048xi32, #tpu.memory_space<hbm>> -> memref<336xi32, #tpu.memory_space<hbm>>
      tpu.enqueue_dma source(%dma_start3A_125 : memref<336xi32, #tpu.memory_space<hbm>>) target(%arg8 : memref<336xi32, #tpu.memory_space<vmem>>) target_semaphore(%run_scoped3A : memref<!tpu.dma_semaphore, #tpu.memory_space<semaphore_mem>>)
      %dma_wait3A = tpu.memref_slice %arg3[%multiple_of3A] : memref<10048xi32, #tpu.memory_space<hbm>> -> memref<336xi32, #tpu.memory_space<hbm>>
      %dma_wait3A_126 = tpu.memref_slice %arg3[%multiple_of3A] : memref<10048xi32, #tpu.memory_space<hbm>> -> memref<336xi32, #tpu.memory_space<hbm>>
      tpu.wait_dma2 semaphore(%run_scoped3A : memref<!tpu.dma_semaphore, #tpu.memory_space<semaphore_mem>>) src(%dma_wait3A_126 : memref<336xi32, #tpu.memory_space<hbm>>) dst(%arg8 : memref<336xi32, #tpu.memory_space<vmem>>)
      tpu.yield
    }) : () -> ()
    %get3A = arith.constant 0 : index
    %get3A_10 = tpu.vector_load %arg8[%get3A] {strides = array<i32>} : memref<336xi32, #tpu.memory_space<vmem>>, vector<16xi32>,
    %slice3A = vector.extract_strided_slice %get3A_10 {offsets = [0], sizes = [1], strides = [1]} : vector<16xi32> to vector<1xi32>
    %squeeze3A = vector.extract %slice3A[0] : i32 from vector<1xi32>
    %broadcast_in_dim3A = vector.broadcast %select_n3A : i32 to vector<16xi32>
    %gather3A = tpu.vector_load_idx %arg8[%broadcast_in_dim3A] : memref<336xi32, #tpu.memory_space<vmem>>[vector<16xi32>], vector<16xi32>,
    %slice3A_11 = vector.extract_strided_slice %gather3A {offsets = [0], sizes = [1], strides = [1]} : vector<16xi32> to vector<1xi32>
    %squeeze3A_12 = vector.extract %slice3A_11[0] : i32 from vector<1xi32>
    "tpu.region"() ({
      %run_scoped3A = tpu.sem_alloc : memref<!tpu.dma_semaphore, #tpu.memory_space<semaphore_mem>>
      tpu.enqueue_dma source(%arg6 : memref<256xf32, #tpu.memory_space<hbm>>) target(%arg13 : memref<256xf32, #tpu.memory_space<vmem>>) target_semaphore(%run_scoped3A : memref<!tpu.dma_semaphore, #tpu.memory_space<semaphore_mem>>)
      tpu.wait_dma2 semaphore(%run_scoped3A : memref<!tpu.dma_semaphore, #tpu.memory_space<semaphore_mem>>) src(%arg6 : memref<256xf32, #tpu.memory_space<hbm>>) dst(%arg13 : memref<256xf32, #tpu.memory_space<vmem>>)
      tpu.yield
    }) : () -> ()
    %get3A_13 = arith.constant 0 : index
    %get3A_14 = tpu.vector_load %arg13[%get3A_13] {strides = array<i32>} : memref<256xf32, #tpu.memory_space<vmem>>, vector<16xf32>,
    %get3A_15 = arith.constant 16 : index
    %get3A_16 = tpu.vector_load %arg13[%get3A_15] {strides = array<i32>} : memref<256xf32, #tpu.memory_space<vmem>>, vector<16xf32>,
    %get3A_17 = arith.constant 32 : index
    %get3A_18 = tpu.vector_load %arg13[%get3A_17] {strides = array<i32>} : memref<256xf32, #tpu.memory_space<vmem>>, vector<16xf32>,
    %get3A_19 = arith.constant 48 : index
    %get3A_20 = tpu.vector_load %arg13[%get3A_19] {strides = array<i32>} : memref<256xf32, #tpu.memory_space<vmem>>, vector<16xf32>,
    %get3A_21 = arith.constant 64 : index
    %get3A_22 = tpu.vector_load %arg13[%get3A_21] {strides = array<i32>} : memref<256xf32, #tpu.memory_space<vmem>>, vector<16xf32>,
    %get3A_23 = arith.constant 80 : index
    %get3A_24 = tpu.vector_load %arg13[%get3A_23] {strides = array<i32>} : memref<256xf32, #tpu.memory_space<vmem>>, vector<16xf32>,
    %get3A_25 = arith.constant 96 : index
    %get3A_26 = tpu.vector_load %arg13[%get3A_25] {strides = array<i32>} : memref<256xf32, #tpu.memory_space<vmem>>, vector<16xf32>,
    %get3A_27 = arith.constant 112 : index
    %get3A_28 = tpu.vector_load %arg13[%get3A_27] {strides = array<i32>} : memref<256xf32, #tpu.memory_space<vmem>>, vector<16xf32>,
    %get3A_29 = arith.constant 128 : index
    %get3A_30 = tpu.vector_load %arg13[%get3A_29] {strides = array<i32>} : memref<256xf32, #tpu.memory_space<vmem>>, vector<16xf32>,
    %get3A_31 = arith.constant 144 : index
    %get3A_32 = tpu.vector_load %arg13[%get3A_31] {strides = array<i32>} : memref<256xf32, #tpu.memory_space<vmem>>, vector<16xf32>,
    %get3A_33 = arith.constant 160 : index
    %get3A_34 = tpu.vector_load %arg13[%get3A_33] {strides = array<i32>} : memref<256xf32, #tpu.memory_space<vmem>>, vector<16xf32>,
    %get3A_35 = arith.constant 176 : index
    %get3A_36 = tpu.vector_load %arg13[%get3A_35] {strides = array<i32>} : memref<256xf32, #tpu.memory_space<vmem>>, vector<16xf32>,
    %get3A_37 = arith.constant 192 : index
    %get3A_38 = tpu.vector_load %arg13[%get3A_37] {strides = array<i32>} : memref<256xf32, #tpu.memory_space<vmem>>, vector<16xf32>,
    %get3A_39 = arith.constant 208 : index
    %get3A_40 = tpu.vector_load %arg13[%get3A_39] {strides = array<i32>} : memref<256xf32, #tpu.memory_space<vmem>>, vector<16xf32>,
    %get3A_41 = arith.constant 224 : index
    %get3A_42 = tpu.vector_load %arg13[%get3A_41] {strides = array<i32>} : memref<256xf32, #tpu.memory_space<vmem>>, vector<16xf32>,
    %get3A_43 = arith.constant 240 : index
    %get3A_44 = tpu.vector_load %arg13[%get3A_43] {strides = array<i32>} : memref<256xf32, #tpu.memory_space<vmem>>, vector<16xf32>,
    %scan3A = arith.constant 0 : i32
    %scan3A_45 = arith.constant 0 : i32
    %scan3A_46 = arith.constant 320 : i32
    %scan3A_47 = arith.addi %scan3A_45, %scan3A_46 : i32
    %scan3A_48 = arith.constant 1 : i32
    scf.for %scan3A_125 = %scan3A_45 to %scan3A_47 step %scan3A_48  : i32 {
      %swap3A = arith.index_cast %scan3A_125 : i32 to index
      %swap3A_126 = arith.constant 0 : index
      %swap3A_127 = tpu.vector_load %arg14[%swap3A, %swap3A_126] {strides = array<i32>} : memref<320x256xf32, #tpu.memory_space<vmem>>, vector<16xf32>,
      tpu.vector_store %arg14[%swap3A, %swap3A_126], %get3A_14 {strides = array<i32>} : memref<320x256xf32, #tpu.memory_space<vmem>>, vector<16xf32>,
      %swap3A_128 = arith.index_cast %scan3A_125 : i32 to index
      %swap3A_129 = arith.constant 16 : index
      %swap3A_130 = tpu.vector_load %arg14[%swap3A_128, %swap3A_129] {strides = array<i32>} : memref<320x256xf32, #tpu.memory_space<vmem>>, vector<16xf32>,
      tpu.vector_store %arg14[%swap3A_128, %swap3A_129], %get3A_16 {strides = array<i32>} : memref<320x256xf32, #tpu.memory_space<vmem>>, vector<16xf32>,
      %swap3A_131 = arith.index_cast %scan3A_125 : i32 to index
      %swap3A_132 = arith.constant 32 : index
      %swap3A_133 = tpu.vector_load %arg14[%swap3A_131, %swap3A_132] {strides = array<i32>} : memref<320x256xf32, #tpu.memory_space<vmem>>, vector<16xf32>,
      tpu.vector_store %arg14[%swap3A_131, %swap3A_132], %get3A_18 {strides = array<i32>} : memref<320x256xf32, #tpu.memory_space<vmem>>, vector<16xf32>,
      %swap3A_134 = arith.index_cast %scan3A_125 : i32 to index
      %swap3A_135 = arith.constant 48 : index
      %swap3A_136 = tpu.vector_load %arg14[%swap3A_134, %swap3A_135] {strides = array<i32>} : memref<320x256xf32, #tpu.memory_space<vmem>>, vector<16xf32>,
      tpu.vector_store %arg14[%swap3A_134, %swap3A_135], %get3A_20 {strides = array<i32>} : memref<320x256xf32, #tpu.memory_space<vmem>>, vector<16xf32>,
      %swap3A_137 = arith.index_cast %scan3A_125 : i32 to index
      %swap3A_138 = arith.constant 64 : index
      %swap3A_139 = tpu.vector_load %arg14[%swap3A_137, %swap3A_138] {strides = array<i32>} : memref<320x256xf32, #tpu.memory_space<vmem>>, vector<16xf32>,
      tpu.vector_store %arg14[%swap3A_137, %swap3A_138], %get3A_22 {strides = array<i32>} : memref<320x256xf32, #tpu.memory_space<vmem>>, vector<16xf32>,
      %swap3A_140 = arith.index_cast %scan3A_125 : i32 to index
      %swap3A_141 = arith.constant 80 : index
      %swap3A_142 = tpu.vector_load %arg14[%swap3A_140, %swap3A_141] {strides = array<i32>} : memref<320x256xf32, #tpu.memory_space<vmem>>, vector<16xf32>,
      tpu.vector_store %arg14[%swap3A_140, %swap3A_141], %get3A_24 {strides = array<i32>} : memref<320x256xf32, #tpu.memory_space<vmem>>, vector<16xf32>,
      %swap3A_143 = arith.index_cast %scan3A_125 : i32 to index
      %swap3A_144 = arith.constant 96 : index
      %swap3A_145 = tpu.vector_load %arg14[%swap3A_143, %swap3A_144] {strides = array<i32>} : memref<320x256xf32, #tpu.memory_space<vmem>>, vector<16xf32>,
      tpu.vector_store %arg14[%swap3A_143, %swap3A_144], %get3A_26 {strides = array<i32>} : memref<320x256xf32, #tpu.memory_space<vmem>>, vector<16xf32>,
      %swap3A_146 = arith.index_cast %scan3A_125 : i32 to index
      %swap3A_147 = arith.constant 112 : index
      %swap3A_148 = tpu.vector_load %arg14[%swap3A_146, %swap3A_147] {strides = array<i32>} : memref<320x256xf32, #tpu.memory_space<vmem>>, vector<16xf32>,
      tpu.vector_store %arg14[%swap3A_146, %swap3A_147], %get3A_28 {strides = array<i32>} : memref<320x256xf32, #tpu.memory_space<vmem>>, vector<16xf32>,
      %swap3A_149 = arith.index_cast %scan3A_125 : i32 to index
      %swap3A_150 = arith.constant 128 : index
      %swap3A_151 = tpu.vector_load %arg14[%swap3A_149, %swap3A_150] {strides = array<i32>} : memref<320x256xf32, #tpu.memory_space<vmem>>, vector<16xf32>,
      tpu.vector_store %arg14[%swap3A_149, %swap3A_150], %get3A_30 {strides = array<i32>} : memref<320x256xf32, #tpu.memory_space<vmem>>, vector<16xf32>,
      %swap3A_152 = arith.index_cast %scan3A_125 : i32 to index
      %swap3A_153 = arith.constant 144 : index
      %swap3A_154 = tpu.vector_load %arg14[%swap3A_152, %swap3A_153] {strides = array<i32>} : memref<320x256xf32, #tpu.memory_space<vmem>>, vector<16xf32>,
      tpu.vector_store %arg14[%swap3A_152, %swap3A_153], %get3A_32 {strides = array<i32>} : memref<320x256xf32, #tpu.memory_space<vmem>>, vector<16xf32>,
      %swap3A_155 = arith.index_cast %scan3A_125 : i32 to index
      %swap3A_156 = arith.constant 160 : index
      %swap3A_157 = tpu.vector_load %arg14[%swap3A_155, %swap3A_156] {strides = array<i32>} : memref<320x256xf32, #tpu.memory_space<vmem>>, vector<16xf32>,
      tpu.vector_store %arg14[%swap3A_155, %swap3A_156], %get3A_34 {strides = array<i32>} : memref<320x256xf32, #tpu.memory_space<vmem>>, vector<16xf32>,
      %swap3A_158 = arith.index_cast %scan3A_125 : i32 to index
      %swap3A_159 = arith.constant 176 : index
      %swap3A_160 = tpu.vector_load %arg14[%swap3A_158, %swap3A_159] {strides = array<i32>} : memref<320x256xf32, #tpu.memory_space<vmem>>, vector<16xf32>,
      tpu.vector_store %arg14[%swap3A_158, %swap3A_159], %get3A_36 {strides = array<i32>} : memref<320x256xf32, #tpu.memory_space<vmem>>, vector<16xf32>,
      %swap3A_161 = arith.index_cast %scan3A_125 : i32 to index
      %swap3A_162 = arith.constant 192 : index
      %swap3A_163 = tpu.vector_load %arg14[%swap3A_161, %swap3A_162] {strides = array<i32>} : memref<320x256xf32, #tpu.memory_space<vmem>>, vector<16xf32>,
      tpu.vector_store %arg14[%swap3A_161, %swap3A_162], %get3A_38 {strides = array<i32>} : memref<320x256xf32, #tpu.memory_space<vmem>>, vector<16xf32>,
      %swap3A_164 = arith.index_cast %scan3A_125 : i32 to index
      %swap3A_165 = arith.constant 208 : index
      %swap3A_166 = tpu.vector_load %arg14[%swap3A_164, %swap3A_165] {strides = array<i32>} : memref<320x256xf32, #tpu.memory_space<vmem>>, vector<16xf32>,
      tpu.vector_store %arg14[%swap3A_164, %swap3A_165], %get3A_40 {strides = array<i32>} : memref<320x256xf32, #tpu.memory_space<vmem>>, vector<16xf32>,
      %swap3A_167 = arith.index_cast %scan3A_125 : i32 to index
      %swap3A_168 = arith.constant 224 : index
      %swap3A_169 = tpu.vector_load %arg14[%swap3A_167, %swap3A_168] {strides = array<i32>} : memref<320x256xf32, #tpu.memory_space<vmem>>, vector<16xf32>,
      tpu.vector_store %arg14[%swap3A_167, %swap3A_168], %get3A_42 {strides = array<i32>} : memref<320x256xf32, #tpu.memory_space<vmem>>, vector<16xf32>,
      %swap3A_170 = arith.index_cast %scan3A_125 : i32 to index
      %swap3A_171 = arith.constant 240 : index
      %swap3A_172 = tpu.vector_load %arg14[%swap3A_170, %swap3A_171] {strides = array<i32>} : memref<320x256xf32, #tpu.memory_space<vmem>>, vector<16xf32>,
      tpu.vector_store %arg14[%swap3A_170, %swap3A_171], %get3A_44 {strides = array<i32>} : memref<320x256xf32, #tpu.memory_space<vmem>>, vector<16xf32>,
    }
    %scan3A_49 = arith.constant 320 : i32
    %sub3A = arith.subi %squeeze3A_12, %squeeze3A : i32
    %add3A_50 = arith.constant 72 : i32
    %add3A_51 = arith.addi %sub3A, %add3A_50 : i32
    %sub3A_52 = arith.constant 1 : i32
    %sub3A_53 = arith.subi %add3A_51, %sub3A_52 : i32
    %jit3A_54 = arith.constant 72 : i32
    %div3A = arith.divsi %sub3A_53, %jit3A_54 : i32
    %sign3A = arith.constant 0 : i32
    %sign3A_55 = arith.cmpi sgt, %sub3A_53, %sign3A : i32
    %sign3A_56 = arith.extui %sign3A_55 : i1 to i32
    %sign3A_57 = arith.constant 0 : i32
    %sign3A_58 = arith.cmpi slt, %sub3A_53, %sign3A_57 : i32
    %sign3A_59 = arith.extui %sign3A_58 : i1 to i32
    %sign3A_60 = arith.subi %sign3A_56, %sign3A_59 : i32
    %sign3A_61 = arith.constant 0 : i32
    %sign3A_62 = arith.cmpi sgt, %jit3A_54, %sign3A_61 : i32
    %sign3A_63 = arith.extui %sign3A_62 : i1 to i32
    %sign3A_64 = arith.constant 0 : i32
    %sign3A_65 = arith.cmpi slt, %jit3A_54, %sign3A_64 : i32
    %sign3A_66 = arith.extui %sign3A_65 : i1 to i32
    %sign3A_67 = arith.subi %sign3A_63, %sign3A_66 : i32
    %ne3A = arith.cmpi ne, %sign3A_60, %sign3A_67 : i32
    %rem3A = arith.remsi %sub3A_53, %jit3A_54 : i32
    %ne3A_68 = arith.constant 0 : i32
    %ne3A_69 = arith.cmpi ne, %rem3A, %ne3A_68 : i32
    %and3A = arith.andi %ne3A, %ne3A_69 : i1
    %sub3A_70 = arith.constant 1 : i32
    %sub3A_71 = arith.subi %div3A, %sub3A_70 : i32
    %select_n3A_72 = arith.select %and3A, %sub3A_71, %div3A : i32
    %gt3A = arith.constant 0 : i32
    %gt3A_73 = arith.cmpi sgt, %select_n3A_72, %gt3A : i32
    %convert_element_type3A = arith.extui %gt3A_73 : i1 to i32
    %cond3A = arith.constant 0 : i32
    %cond3A_74 = arith.cmpi ne, %convert_element_type3A, %cond3A : i32
    scf.if %cond3A_74 {
      %min3A_125 = arith.constant 159920 : i32
      %min3A_126 = arith.minsi %squeeze3A, %min3A_125 : i32
      %jit3A_127 = arith.constant 8 : i32
      %div3A_128 = arith.divsi %min3A_126, %jit3A_127 : i32
      %sign3A_129 = arith.constant 0 : i32
      %sign3A_130 = arith.cmpi sgt, %min3A_126, %sign3A_129 : i32
      %sign3A_131 = arith.extui %sign3A_130 : i1 to i32
      %sign3A_132 = arith.constant 0 : i32
      %sign3A_133 = arith.cmpi slt, %min3A_126, %sign3A_132 : i32
      %sign3A_134 = arith.extui %sign3A_133 : i1 to i32
      %sign3A_135 = arith.subi %sign3A_131, %sign3A_134 : i32
      %sign3A_136 = arith.constant 0 : i32
      %sign3A_137 = arith.cmpi sgt, %jit3A_127, %sign3A_136 : i32
      %sign3A_138 = arith.extui %sign3A_137 : i1 to i32
      %sign3A_139 = arith.constant 0 : i32
      %sign3A_140 = arith.cmpi slt, %jit3A_127, %sign3A_139 : i32
      %sign3A_141 = arith.extui %sign3A_140 : i1 to i32
      %sign3A_142 = arith.subi %sign3A_138, %sign3A_141 : i32
      %ne3A_143 = arith.cmpi ne, %sign3A_135, %sign3A_142 : i32
      %rem3A_144 = arith.remsi %min3A_126, %jit3A_127 : i32
      %ne3A_145 = arith.constant 0 : i32
      %ne3A_146 = arith.cmpi ne, %rem3A_144, %ne3A_145 : i32
      %and3A_147 = arith.andi %ne3A_143, %ne3A_146 : i1
      %sub3A_148 = arith.constant 1 : i32
      %sub3A_149 = arith.subi %div3A_128, %sub3A_148 : i32
      %select_n3A_150 = arith.select %and3A_147, %sub3A_149, %div3A_128 : i32
      %mul3A_151 = arith.constant 8 : i32
      %mul3A_152 = arith.muli %select_n3A_150, %mul3A_151 : i32
      %multiple_of3A_153 = tpu.assume_multiple %mul3A_152, 8 : i32
      %run_scoped3A = arith.constant 0 : i32
      "tpu.region"() ({
        %run_scoped3A_178 = tpu.sem_alloc : memref<!tpu.dma_semaphore, #tpu.memory_space<semaphore_mem>>
        %dma_start3A_179 = arith.constant 0 : i32
        %dma_start3A_180 = tpu.memref_slice %arg9[%run_scoped3A, %dma_start3A_179] : memref<2x80xi32, #tpu.memory_space<vmem>> -> memref<1x80xi32, #tpu.memory_space<vmem>>
        %dma_start3A_181 = tpu.memref_squeeze %dma_start3A_180 : memref<1x80xi32, #tpu.memory_space<vmem>> -> memref<80xi32, #tpu.memory_space<vmem>>
        %dma_start3A_182 = tpu.memref_slice %arg4[%multiple_of3A_153] : memref<160000xi32, #tpu.memory_space<hbm>> -> memref<80xi32, #tpu.memory_space<hbm>>
        %dma_start3A_183 = arith.constant 0 : i32
        %dma_start3A_184 = tpu.memref_slice %arg9[%run_scoped3A, %dma_start3A_183] : memref<2x80xi32, #tpu.memory_space<vmem>> -> memref<1x80xi32, #tpu.memory_space<vmem>>
        %dma_start3A_185 = tpu.memref_squeeze %dma_start3A_184 : memref<1x80xi32, #tpu.memory_space<vmem>> -> memref<80xi32, #tpu.memory_space<vmem>>
        %dma_start3A_186 = tpu.memref_slice %arg4[%multiple_of3A_153] : memref<160000xi32, #tpu.memory_space<hbm>> -> memref<80xi32, #tpu.memory_space<hbm>>
        tpu.enqueue_dma source(%dma_start3A_186 : memref<80xi32, #tpu.memory_space<hbm>>) target(%dma_start3A_185 : memref<80xi32, #tpu.memory_space<vmem>>) target_semaphore(%run_scoped3A_178 : memref<!tpu.dma_semaphore, #tpu.memory_space<semaphore_mem>>)
        %dma_wait3A = arith.constant 0 : i32
        %dma_wait3A_187 = tpu.memref_slice %arg9[%run_scoped3A, %dma_wait3A] : memref<2x80xi32, #tpu.memory_space<vmem>> -> memref<1x80xi32, #tpu.memory_space<vmem>>
        %dma_wait3A_188 = tpu.memref_squeeze %dma_wait3A_187 : memref<1x80xi32, #tpu.memory_space<vmem>> -> memref<80xi32, #tpu.memory_space<vmem>>
        %dma_wait3A_189 = tpu.memref_slice %arg4[%multiple_of3A_153] : memref<160000xi32, #tpu.memory_space<hbm>> -> memref<80xi32, #tpu.memory_space<hbm>>
        %dma_wait3A_190 = arith.constant 0 : i32
        %dma_wait3A_191 = tpu.memref_slice %arg9[%run_scoped3A, %dma_wait3A_190] : memref<2x80xi32, #tpu.memory_space<vmem>> -> memref<1x80xi32, #tpu.memory_space<vmem>>
        %dma_wait3A_192 = tpu.memref_squeeze %dma_wait3A_191 : memref<1x80xi32, #tpu.memory_space<vmem>> -> memref<80xi32, #tpu.memory_space<vmem>>
        %dma_wait3A_193 = tpu.memref_slice %arg4[%multiple_of3A_153] : memref<160000xi32, #tpu.memory_space<hbm>> -> memref<80xi32, #tpu.memory_space<hbm>>
        tpu.wait_dma2 semaphore(%run_scoped3A_178 : memref<!tpu.dma_semaphore, #tpu.memory_space<semaphore_mem>>) src(%dma_wait3A_193 : memref<80xi32, #tpu.memory_space<hbm>>) dst(%dma_wait3A_192 : memref<80xi32, #tpu.memory_space<vmem>>)
        tpu.yield
      }) : () -> ()
      %run_scoped3A_154 = arith.constant 0 : i32
      "tpu.region"() ({
        %run_scoped3A_178 = tpu.sem_alloc : memref<!tpu.dma_semaphore, #tpu.memory_space<semaphore_mem>>
        %dma_start3A_179 = arith.constant 0 : i32
        %dma_start3A_180 = tpu.memref_slice %arg10[%run_scoped3A_154, %dma_start3A_179] : memref<2x80xf32, #tpu.memory_space<vmem>> -> memref<1x80xf32, #tpu.memory_space<vmem>>
        %dma_start3A_181 = tpu.memref_squeeze %dma_start3A_180 : memref<1x80xf32, #tpu.memory_space<vmem>> -> memref<80xf32, #tpu.memory_space<vmem>>
        %dma_start3A_182 = tpu.memref_slice %arg5[%multiple_of3A_153] : memref<160000xf32, #tpu.memory_space<hbm>> -> memref<80xf32, #tpu.memory_space<hbm>>
        %dma_start3A_183 = arith.constant 0 : i32
        %dma_start3A_184 = tpu.memref_slice %arg10[%run_scoped3A_154, %dma_start3A_183] : memref<2x80xf32, #tpu.memory_space<vmem>> -> memref<1x80xf32, #tpu.memory_space<vmem>>
        %dma_start3A_185 = tpu.memref_squeeze %dma_start3A_184 : memref<1x80xf32, #tpu.memory_space<vmem>> -> memref<80xf32, #tpu.memory_space<vmem>>
        %dma_start3A_186 = tpu.memref_slice %arg5[%multiple_of3A_153] : memref<160000xf32, #tpu.memory_space<hbm>> -> memref<80xf32, #tpu.memory_space<hbm>>
        tpu.enqueue_dma source(%dma_start3A_186 : memref<80xf32, #tpu.memory_space<hbm>>) target(%dma_start3A_185 : memref<80xf32, #tpu.memory_space<vmem>>) target_semaphore(%run_scoped3A_178 : memref<!tpu.dma_semaphore, #tpu.memory_space<semaphore_mem>>)
        %dma_wait3A = arith.constant 0 : i32
        %dma_wait3A_187 = tpu.memref_slice %arg10[%run_scoped3A_154, %dma_wait3A] : memref<2x80xf32, #tpu.memory_space<vmem>> -> memref<1x80xf32, #tpu.memory_space<vmem>>
        %dma_wait3A_188 = tpu.memref_squeeze %dma_wait3A_187 : memref<1x80xf32, #tpu.memory_space<vmem>> -> memref<80xf32, #tpu.memory_space<vmem>>
        %dma_wait3A_189 = tpu.memref_slice %arg5[%multiple_of3A_153] : memref<160000xf32, #tpu.memory_space<hbm>> -> memref<80xf32, #tpu.memory_space<hbm>>
        %dma_wait3A_190 = arith.constant 0 : i32
        %dma_wait3A_191 = tpu.memref_slice %arg10[%run_scoped3A_154, %dma_wait3A_190] : memref<2x80xf32, #tpu.memory_space<vmem>> -> memref<1x80xf32, #tpu.memory_space<vmem>>
        %dma_wait3A_192 = tpu.memref_squeeze %dma_wait3A_191 : memref<1x80xf32, #tpu.memory_space<vmem>> -> memref<80xf32, #tpu.memory_space<vmem>>
        %dma_wait3A_193 = tpu.memref_slice %arg5[%multiple_of3A_153] : memref<160000xf32, #tpu.memory_space<hbm>> -> memref<80xf32, #tpu.memory_space<hbm>>
        tpu.wait_dma2 semaphore(%run_scoped3A_178 : memref<!tpu.dma_semaphore, #tpu.memory_space<semaphore_mem>>) src(%dma_wait3A_193 : memref<80xf32, #tpu.memory_space<hbm>>) dst(%dma_wait3A_192 : memref<80xf32, #tpu.memory_space<vmem>>)
        tpu.yield
      }) : () -> ()
      %dma_start3A = arith.constant 0 : i32
      %dma_start3A_155 = arith.constant 0 : i32
      %dma_start3A_156 = arith.constant 0 : i32
      %dma_start3A_157 = arith.constant 0 : i32
      %dma_start3A_158 = tpu.memref_slice %arg12[%dma_start3A_155, %dma_start3A_156, %dma_start3A_157] : memref<2x80x256xf32, #tpu.memory_space<vmem>> -> memref<1x40x256xf32, #tpu.memory_space<vmem>>
      %dma_start3A_159 = tpu.memref_squeeze %dma_start3A_158 : memref<1x40x256xf32, #tpu.memory_space<vmem>> -> memref<40x256xf32, #tpu.memory_space<vmem>>
      %dma_start3A_160 = arith.constant 0 : i32
      %dma_start3A_161 = tpu.memref_slice %arg9[%dma_start3A, %dma_start3A_160] : memref<2x80xi32, #tpu.memory_space<vmem>> -> memref<1x40xi32, #tpu.memory_space<vmem>>
      %dma_start3A_162 = tpu.memref_squeeze %dma_start3A_161 : memref<1x40xi32, #tpu.memory_space<vmem>> -> memref<40xi32, #tpu.memory_space<vmem>>
      %dma_start3A_163 = arith.constant 0 : i32
      %dma_start3A_164 = arith.constant 0 : i32
      %dma_start3A_165 = tpu.memref_slice %arg2[%dma_start3A_163, %dma_start3A_164] : memref<10000x256xf32, #tpu.memory_space<hbm>> -> memref<10000x256xf32, #tpu.memory_space<hbm>>
      tpu.enqueue_indirect_dma source(%dma_start3A_165 : memref<10000x256xf32, #tpu.memory_space<hbm>>) target(%dma_start3A_159 : memref<40x256xf32, #tpu.memory_space<vmem>>) offsets(%dma_start3A_162 : memref<40xi32, #tpu.memory_space<vmem>>) semaphore(%arg16 : memref<!tpu.dma_semaphore, #tpu.memory_space<semaphore_mem>>)
      %dma_start3A_166 = arith.constant 0 : i32
      %dma_start3A_167 = arith.constant 0 : i32
      %dma_start3A_168 = arith.constant 40 : i32
      %dma_start3A_169 = arith.constant 0 : i32
      %dma_start3A_170 = tpu.memref_slice %arg12[%dma_start3A_167, %dma_start3A_168, %dma_start3A_169] : memref<2x80x256xf32, #tpu.memory_space<vmem>> -> memref<1x40x256xf32, #tpu.memory_space<vmem>>
      %dma_start3A_171 = tpu.memref_squeeze %dma_start3A_170 : memref<1x40x256xf32, #tpu.memory_space<vmem>> -> memref<40x256xf32, #tpu.memory_space<vmem>>
      %dma_start3A_172 = arith.constant 40 : i32
      %dma_start3A_173 = tpu.memref_slice %arg9[%dma_start3A_166, %dma_start3A_172] : memref<2x80xi32, #tpu.memory_space<vmem>> -> memref<1x40xi32, #tpu.memory_space<vmem>>
      %dma_start3A_174 = tpu.memref_squeeze %dma_start3A_173 : memref<1x40xi32, #tpu.memory_space<vmem>> -> memref<40xi32, #tpu.memory_space<vmem>>
      %dma_start3A_175 = arith.constant 0 : i32
      %dma_start3A_176 = arith.constant 0 : i32
      %dma_start3A_177 = tpu.memref_slice %arg2[%dma_start3A_175, %dma_start3A_176] : memref<10000x256xf32, #tpu.memory_space<hbm>> -> memref<10000x256xf32, #tpu.memory_space<hbm>>
      tpu.enqueue_indirect_dma source(%dma_start3A_177 : memref<10000x256xf32, #tpu.memory_space<hbm>>) target(%dma_start3A_171 : memref<40x256xf32, #tpu.memory_space<vmem>>) offsets(%dma_start3A_174 : memref<40xi32, #tpu.memory_space<vmem>>) semaphore(%arg17 : memref<!tpu.dma_semaphore, #tpu.memory_space<semaphore_mem>>)
    } else {
    }
    %gt3A_75 = arith.constant 1 : i32
    %gt3A_76 = arith.cmpi sgt, %select_n3A_72, %gt3A_75 : i32
    %convert_element_type3A_77 = arith.extui %gt3A_76 : i1 to i32
    %cond3A_78 = arith.constant 0 : i32
    %cond3A_79 = arith.cmpi ne, %convert_element_type3A_77, %cond3A_78 : i32
    scf.if %cond3A_79 {
      %add3A_125 = arith.constant 72 : i32
      %add3A_126 = arith.addi %squeeze3A, %add3A_125 : i32
      %min3A_127 = arith.constant 159920 : i32
      %min3A_128 = arith.minsi %add3A_126, %min3A_127 : i32
      %jit3A_129 = arith.constant 8 : i32
      %div3A_130 = arith.divsi %min3A_128, %jit3A_129 : i32
      %sign3A_131 = arith.constant 0 : i32
      %sign3A_132 = arith.cmpi sgt, %min3A_128, %sign3A_131 : i32
      %sign3A_133 = arith.extui %sign3A_132 : i1 to i32
      %sign3A_134 = arith.constant 0 : i32
      %sign3A_135 = arith.cmpi slt, %min3A_128, %sign3A_134 : i32
      %sign3A_136 = arith.extui %sign3A_135 : i1 to i32
      %sign3A_137 = arith.subi %sign3A_133, %sign3A_136 : i32
      %sign3A_138 = arith.constant 0 : i32
      %sign3A_139 = arith.cmpi sgt, %jit3A_129, %sign3A_138 : i32
      %sign3A_140 = arith.extui %sign3A_139 : i1 to i32
      %sign3A_141 = arith.constant 0 : i32
      %sign3A_142 = arith.cmpi slt, %jit3A_129, %sign3A_141 : i32
      %sign3A_143 = arith.extui %sign3A_142 : i1 to i32
      %sign3A_144 = arith.subi %sign3A_140, %sign3A_143 : i32
      %ne3A_145 = arith.cmpi ne, %sign3A_137, %sign3A_144 : i32
      %rem3A_146 = arith.remsi %min3A_128, %jit3A_129 : i32
      %ne3A_147 = arith.constant 0 : i32
      %ne3A_148 = arith.cmpi ne, %rem3A_146, %ne3A_147 : i32
      %and3A_149 = arith.andi %ne3A_145, %ne3A_148 : i1
      %sub3A_150 = arith.constant 1 : i32
      %sub3A_151 = arith.subi %div3A_130, %sub3A_150 : i32
      %select_n3A_152 = arith.select %and3A_149, %sub3A_151, %div3A_130 : i32
      %mul3A_153 = arith.constant 8 : i32
      %mul3A_154 = arith.muli %select_n3A_152, %mul3A_153 : i32
      %multiple_of3A_155 = tpu.assume_multiple %mul3A_154, 8 : i32
      %dma_start3A = arith.constant 1 : i32
      %dma_start3A_156 = arith.constant 0 : i32
      %dma_start3A_157 = tpu.memref_slice %arg9[%dma_start3A, %dma_start3A_156] : memref<2x80xi32, #tpu.memory_space<vmem>> -> memref<1x80xi32, #tpu.memory_space<vmem>>
      %dma_start3A_158 = tpu.memref_squeeze %dma_start3A_157 : memref<1x80xi32, #tpu.memory_space<vmem>> -> memref<80xi32, #tpu.memory_space<vmem>>
      %dma_start3A_159 = tpu.memref_slice %arg4[%multiple_of3A_155] : memref<160000xi32, #tpu.memory_space<hbm>> -> memref<80xi32, #tpu.memory_space<hbm>>
      %dma_start3A_160 = arith.constant 0 : i32
      %dma_start3A_161 = tpu.memref_slice %arg9[%dma_start3A, %dma_start3A_160] : memref<2x80xi32, #tpu.memory_space<vmem>> -> memref<1x80xi32, #tpu.memory_space<vmem>>
      %dma_start3A_162 = tpu.memref_squeeze %dma_start3A_161 : memref<1x80xi32, #tpu.memory_space<vmem>> -> memref<80xi32, #tpu.memory_space<vmem>>
      %dma_start3A_163 = tpu.memref_slice %arg4[%multiple_of3A_155] : memref<160000xi32, #tpu.memory_space<hbm>> -> memref<80xi32, #tpu.memory_space<hbm>>
      tpu.enqueue_dma source(%dma_start3A_163 : memref<80xi32, #tpu.memory_space<hbm>>) target(%dma_start3A_162 : memref<80xi32, #tpu.memory_space<vmem>>) target_semaphore(%arg15 : memref<!tpu.dma_semaphore, #tpu.memory_space<semaphore_mem>>)
    } else {
    }
    %while3A = arith.constant 0 : i32
    %while3A_80 = arith.constant 0 : i32
    %while3A_81 = arith.subi %select_n3A_72, %while3A_80 : i32
    %while3A_82 = arith.addi %while3A_80, %while3A_81 : i32
    %while3A_83 = arith.constant 1 : i32
    %while3A_84 = arith.divsi %while3A_81, %while3A_83 : i32
    %while3A_85 = arith.muli %while3A_84, %while3A_83 : i32
    %while3A_86 = arith.addi %while3A_80, %while3A_85 : i32
    %while3A_87 = arith.constant 1 : i32
    scf.for %while3A_125 = %while3A_80 to %while3A_86 step %while3A_87  : i32 {
      %rem3A_126 = arith.constant 2 : i32
      %rem3A_127 = arith.remsi %while3A_125, %rem3A_126 : i32
      %sub3A_128 = arith.constant 1 : i32
      %sub3A_129 = arith.subi %sub3A_128, %rem3A_127 : i32
      %mul3A_130 = arith.constant 72 : i32
      %mul3A_131 = arith.muli %while3A_125, %mul3A_130 : i32
      %add3A_132 = arith.addi %squeeze3A, %mul3A_131 : i32
      %min3A_133 = arith.constant 159920 : i32
      %min3A_134 = arith.minsi %add3A_132, %min3A_133 : i32
      %jit3A_135 = arith.constant 8 : i32
      %div3A_136 = arith.divsi %min3A_134, %jit3A_135 : i32
      %sign3A_137 = arith.constant 0 : i32
      %sign3A_138 = arith.cmpi sgt, %min3A_134, %sign3A_137 : i32
      %sign3A_139 = arith.extui %sign3A_138 : i1 to i32
      %sign3A_140 = arith.constant 0 : i32
      %sign3A_141 = arith.cmpi slt, %min3A_134, %sign3A_140 : i32
      %sign3A_142 = arith.extui %sign3A_141 : i1 to i32
      %sign3A_143 = arith.subi %sign3A_139, %sign3A_142 : i32
      %sign3A_144 = arith.constant 0 : i32
      %sign3A_145 = arith.cmpi sgt, %jit3A_135, %sign3A_144 : i32
      %sign3A_146 = arith.extui %sign3A_145 : i1 to i32
      %sign3A_147 = arith.constant 0 : i32
      %sign3A_148 = arith.cmpi slt, %jit3A_135, %sign3A_147 : i32
      %sign3A_149 = arith.extui %sign3A_148 : i1 to i32
      %sign3A_150 = arith.subi %sign3A_146, %sign3A_149 : i32
      %ne3A_151 = arith.cmpi ne, %sign3A_143, %sign3A_150 : i32
      %rem3A_152 = arith.remsi %min3A_134, %jit3A_135 : i32
      %ne3A_153 = arith.constant 0 : i32
      %ne3A_154 = arith.cmpi ne, %rem3A_152, %ne3A_153 : i32
      %and3A_155 = arith.andi %ne3A_151, %ne3A_154 : i1
      %sub3A_156 = arith.constant 1 : i32
      %sub3A_157 = arith.subi %div3A_136, %sub3A_156 : i32
      %select_n3A_158 = arith.select %and3A_155, %sub3A_157, %div3A_136 : i32
      %mul3A_159 = arith.constant 8 : i32
      %mul3A_160 = arith.muli %select_n3A_158, %mul3A_159 : i32
      %multiple_of3A_161 = tpu.assume_multiple %mul3A_160, 8 : i32
      %add3A_162 = arith.constant 72 : i32
      %add3A_163 = arith.addi %add3A_132, %add3A_162 : i32
      %min3A_164 = arith.constant 159920 : i32
      %min3A_165 = arith.minsi %add3A_163, %min3A_164 : i32
      %jit3A_166 = arith.constant 8 : i32
      %div3A_167 = arith.divsi %min3A_165, %jit3A_166 : i32
      %sign3A_168 = arith.constant 0 : i32
      %sign3A_169 = arith.cmpi sgt, %min3A_165, %sign3A_168 : i32
      %sign3A_170 = arith.extui %sign3A_169 : i1 to i32
      %sign3A_171 = arith.constant 0 : i32
      %sign3A_172 = arith.cmpi slt, %min3A_165, %sign3A_171 : i32
      %sign3A_173 = arith.extui %sign3A_172 : i1 to i32
      %sign3A_174 = arith.subi %sign3A_170, %sign3A_173 : i32
      %sign3A_175 = arith.constant 0 : i32
      %sign3A_176 = arith.cmpi sgt, %jit3A_166, %sign3A_175 : i32
      %sign3A_177 = arith.extui %sign3A_176 : i1 to i32
      %sign3A_178 = arith.constant 0 : i32
      %sign3A_179 = arith.cmpi slt, %jit3A_166, %sign3A_178 : i32
      %sign3A_180 = arith.extui %sign3A_179 : i1 to i32
      %sign3A_181 = arith.subi %sign3A_177, %sign3A_180 : i32
      %ne3A_182 = arith.cmpi ne, %sign3A_174, %sign3A_181 : i32
      %rem3A_183 = arith.remsi %min3A_165, %jit3A_166 : i32
      %ne3A_184 = arith.constant 0 : i32
      %ne3A_185 = arith.cmpi ne, %rem3A_183, %ne3A_184 : i32
      %and3A_186 = arith.andi %ne3A_182, %ne3A_185 : i1
      %sub3A_187 = arith.constant 1 : i32
      %sub3A_188 = arith.subi %div3A_167, %sub3A_187 : i32
      %select_n3A_189 = arith.select %and3A_186, %sub3A_188, %div3A_167 : i32
      %mul3A_190 = arith.constant 8 : i32
      %mul3A_191 = arith.muli %select_n3A_189, %mul3A_190 : i32
      %multiple_of3A_192 = tpu.assume_multiple %mul3A_191, 8 : i32
      %add3A_193 = arith.constant 72 : i32
      %add3A_194 = arith.addi %add3A_163, %add3A_193 : i32
      %min3A_195 = arith.constant 159920 : i32
      %min3A_196 = arith.minsi %add3A_194, %min3A_195 : i32
      %jit3A_197 = arith.constant 8 : i32
      %div3A_198 = arith.divsi %min3A_196, %jit3A_197 : i32
      %sign3A_199 = arith.constant 0 : i32
      %sign3A_200 = arith.cmpi sgt, %min3A_196, %sign3A_199 : i32
      %sign3A_201 = arith.extui %sign3A_200 : i1 to i32
      %sign3A_202 = arith.constant 0 : i32
      %sign3A_203 = arith.cmpi slt, %min3A_196, %sign3A_202 : i32
      %sign3A_204 = arith.extui %sign3A_203 : i1 to i32
      %sign3A_205 = arith.subi %sign3A_201, %sign3A_204 : i32
      %sign3A_206 = arith.constant 0 : i32
      %sign3A_207 = arith.cmpi sgt, %jit3A_197, %sign3A_206 : i32
      %sign3A_208 = arith.extui %sign3A_207 : i1 to i32
      %sign3A_209 = arith.constant 0 : i32
      %sign3A_210 = arith.cmpi slt, %jit3A_197, %sign3A_209 : i32
      %sign3A_211 = arith.extui %sign3A_210 : i1 to i32
      %sign3A_212 = arith.subi %sign3A_208, %sign3A_211 : i32
      %ne3A_213 = arith.cmpi ne, %sign3A_205, %sign3A_212 : i32
      %rem3A_214 = arith.remsi %min3A_196, %jit3A_197 : i32
      %ne3A_215 = arith.constant 0 : i32
      %ne3A_216 = arith.cmpi ne, %rem3A_214, %ne3A_215 : i32
      %and3A_217 = arith.andi %ne3A_213, %ne3A_216 : i1
      %sub3A_218 = arith.constant 1 : i32
      %sub3A_219 = arith.subi %div3A_198, %sub3A_218 : i32
      %select_n3A_220 = arith.select %and3A_217, %sub3A_219, %div3A_198 : i32
      %mul3A_221 = arith.constant 8 : i32
      %mul3A_222 = arith.muli %select_n3A_220, %mul3A_221 : i32
      %multiple_of3A_223 = tpu.assume_multiple %mul3A_222, 8 : i32
      %add3A_224 = arith.constant 1 : i32
      %add3A_225 = arith.addi %while3A_125, %add3A_224 : i32
      %lt3A_226 = arith.cmpi slt, %add3A_225, %select_n3A_72 : i32
      %convert_element_type3A_227 = arith.extui %lt3A_226 : i1 to i32
      %cond3A_228 = arith.constant 0 : i32
      %cond3A_229 = arith.cmpi ne, %convert_element_type3A_227, %cond3A_228 : i32
      scf.if %cond3A_229 {
        %dma_wait3A_265 = arith.constant 0 : i32
        %dma_wait3A_266 = tpu.memref_slice %arg9[%sub3A_129, %dma_wait3A_265] : memref<2x80xi32, #tpu.memory_space<vmem>> -> memref<1x80xi32, #tpu.memory_space<vmem>>
        %dma_wait3A_267 = tpu.memref_squeeze %dma_wait3A_266 : memref<1x80xi32, #tpu.memory_space<vmem>> -> memref<80xi32, #tpu.memory_space<vmem>>
        %dma_wait3A_268 = tpu.memref_slice %arg4[%multiple_of3A_192] : memref<160000xi32, #tpu.memory_space<hbm>> -> memref<80xi32, #tpu.memory_space<hbm>>
        %dma_wait3A_269 = arith.constant 0 : i32
        %dma_wait3A_270 = tpu.memref_slice %arg9[%sub3A_129, %dma_wait3A_269] : memref<2x80xi32, #tpu.memory_space<vmem>> -> memref<1x80xi32, #tpu.memory_space<vmem>>
        %dma_wait3A_271 = tpu.memref_squeeze %dma_wait3A_270 : memref<1x80xi32, #tpu.memory_space<vmem>> -> memref<80xi32, #tpu.memory_space<vmem>>
        %dma_wait3A_272 = tpu.memref_slice %arg4[%multiple_of3A_192] : memref<160000xi32, #tpu.memory_space<hbm>> -> memref<80xi32, #tpu.memory_space<hbm>>
        tpu.wait_dma2 semaphore(%arg15 : memref<!tpu.dma_semaphore, #tpu.memory_space<semaphore_mem>>) src(%dma_wait3A_272 : memref<80xi32, #tpu.memory_space<hbm>>) dst(%dma_wait3A_271 : memref<80xi32, #tpu.memory_space<vmem>>)
        %dma_start3A = arith.constant 0 : i32
        %dma_start3A_273 = arith.constant 0 : i32
        %dma_start3A_274 = tpu.memref_slice %arg12[%sub3A_129, %dma_start3A, %dma_start3A_273] : memref<2x80x256xf32, #tpu.memory_space<vmem>> -> memref<1x40x256xf32, #tpu.memory_space<vmem>>
        %dma_start3A_275 = tpu.memref_squeeze %dma_start3A_274 : memref<1x40x256xf32, #tpu.memory_space<vmem>> -> memref<40x256xf32, #tpu.memory_space<vmem>>
        %dma_start3A_276 = arith.constant 0 : i32
        %dma_start3A_277 = tpu.memref_slice %arg9[%sub3A_129, %dma_start3A_276] : memref<2x80xi32, #tpu.memory_space<vmem>> -> memref<1x40xi32, #tpu.memory_space<vmem>>
        %dma_start3A_278 = tpu.memref_squeeze %dma_start3A_277 : memref<1x40xi32, #tpu.memory_space<vmem>> -> memref<40xi32, #tpu.memory_space<vmem>>
        %dma_start3A_279 = arith.constant 0 : i32
        %dma_start3A_280 = arith.constant 0 : i32
        %dma_start3A_281 = tpu.memref_slice %arg2[%dma_start3A_279, %dma_start3A_280] : memref<10000x256xf32, #tpu.memory_space<hbm>> -> memref<10000x256xf32, #tpu.memory_space<hbm>>
        tpu.enqueue_indirect_dma source(%dma_start3A_281 : memref<10000x256xf32, #tpu.memory_space<hbm>>) target(%dma_start3A_275 : memref<40x256xf32, #tpu.memory_space<vmem>>) offsets(%dma_start3A_278 : memref<40xi32, #tpu.memory_space<vmem>>) semaphore(%arg16 : memref<!tpu.dma_semaphore, #tpu.memory_space<semaphore_mem>>)
        %dma_start3A_282 = arith.constant 40 : i32
        %dma_start3A_283 = arith.constant 0 : i32
        %dma_start3A_284 = tpu.memref_slice %arg12[%sub3A_129, %dma_start3A_282, %dma_start3A_283] : memref<2x80x256xf32, #tpu.memory_space<vmem>> -> memref<1x40x256xf32, #tpu.memory_space<vmem>>
        %dma_start3A_285 = tpu.memref_squeeze %dma_start3A_284 : memref<1x40x256xf32, #tpu.memory_space<vmem>> -> memref<40x256xf32, #tpu.memory_space<vmem>>
        %dma_start3A_286 = arith.constant 40 : i32
        %dma_start3A_287 = tpu.memref_slice %arg9[%sub3A_129, %dma_start3A_286] : memref<2x80xi32, #tpu.memory_space<vmem>> -> memref<1x40xi32, #tpu.memory_space<vmem>>
        %dma_start3A_288 = tpu.memref_squeeze %dma_start3A_287 : memref<1x40xi32, #tpu.memory_space<vmem>> -> memref<40xi32, #tpu.memory_space<vmem>>
        %dma_start3A_289 = arith.constant 0 : i32
        %dma_start3A_290 = arith.constant 0 : i32
        %dma_start3A_291 = tpu.memref_slice %arg2[%dma_start3A_289, %dma_start3A_290] : memref<10000x256xf32, #tpu.memory_space<hbm>> -> memref<10000x256xf32, #tpu.memory_space<hbm>>
        tpu.enqueue_indirect_dma source(%dma_start3A_291 : memref<10000x256xf32, #tpu.memory_space<hbm>>) target(%dma_start3A_285 : memref<40x256xf32, #tpu.memory_space<vmem>>) offsets(%dma_start3A_288 : memref<40xi32, #tpu.memory_space<vmem>>) semaphore(%arg17 : memref<!tpu.dma_semaphore, #tpu.memory_space<semaphore_mem>>)
        %dma_start3A_292 = arith.constant 0 : i32
        %dma_start3A_293 = tpu.memref_slice %arg10[%sub3A_129, %dma_start3A_292] : memref<2x80xf32, #tpu.memory_space<vmem>> -> memref<1x80xf32, #tpu.memory_space<vmem>>
        %dma_start3A_294 = tpu.memref_squeeze %dma_start3A_293 : memref<1x80xf32, #tpu.memory_space<vmem>> -> memref<80xf32, #tpu.memory_space<vmem>>
        %dma_start3A_295 = tpu.memref_slice %arg5[%multiple_of3A_192] : memref<160000xf32, #tpu.memory_space<hbm>> -> memref<80xf32, #tpu.memory_space<hbm>>
        %dma_start3A_296 = arith.constant 0 : i32
        %dma_start3A_297 = tpu.memref_slice %arg10[%sub3A_129, %dma_start3A_296] : memref<2x80xf32, #tpu.memory_space<vmem>> -> memref<1x80xf32, #tpu.memory_space<vmem>>
        %dma_start3A_298 = tpu.memref_squeeze %dma_start3A_297 : memref<1x80xf32, #tpu.memory_space<vmem>> -> memref<80xf32, #tpu.memory_space<vmem>>
        %dma_start3A_299 = tpu.memref_slice %arg5[%multiple_of3A_192] : memref<160000xf32, #tpu.memory_space<hbm>> -> memref<80xf32, #tpu.memory_space<hbm>>
        tpu.enqueue_dma source(%dma_start3A_299 : memref<80xf32, #tpu.memory_space<hbm>>) target(%dma_start3A_298 : memref<80xf32, #tpu.memory_space<vmem>>) target_semaphore(%arg18 : memref<!tpu.dma_semaphore, #tpu.memory_space<semaphore_mem>>)
      } else {
      }
      %min3A_230 = arith.minsi %add3A_163, %squeeze3A_12 : i32
      %parallel_loop3A = arith.constant 0 : i32
      %parallel_loop3A_231 = arith.constant 5 : i32
      %parallel_loop3A_232 = arith.constant 1 : i32
      scf.for %parallel_loop3A_265 = %parallel_loop3A to %parallel_loop3A_231 step %parallel_loop3A_232  : i32 {
        %parallel_loop3A_266 = arith.constant 16 : i32
        %parallel_loop3A_267 = arith.muli %parallel_loop3A_265, %parallel_loop3A_266 : i32
        %parallel_loop3A_268 = tpu.assume_multiple %parallel_loop3A_267, 16 : i32
        %parallel_loop3A_269 = arith.addi %multiple_of3A_161, %parallel_loop3A_268 : i32
        %parallel_loop3A_270 = tpu.iota {dimensions = array<i32: 0>} : vector<16xi32>
        %parallel_loop3A_271 = vector.broadcast %parallel_loop3A_269 : i32 to vector<16xi32>
        %parallel_loop3A_272 = arith.addi %parallel_loop3A_271, %parallel_loop3A_270 : vector<16xi32>
        %parallel_loop3A_273 = vector.broadcast %add3A_132 : i32 to vector<16xi32>
        %parallel_loop3A_274 = arith.cmpi sge, %parallel_loop3A_272, %parallel_loop3A_273 : vector<16xi32>
        %parallel_loop3A_275 = vector.broadcast %min3A_230 : i32 to vector<16xi32>
        %parallel_loop3A_276 = arith.cmpi slt, %parallel_loop3A_272, %parallel_loop3A_275 : vector<16xi32>
        %parallel_loop3A_277 = arith.andi %parallel_loop3A_274, %parallel_loop3A_276 : vector<16xi1>
        %parallel_loop3A_278 = vector.broadcast %multiple_of3A : i32 to vector<16xi32>
        %parallel_loop3A_279 = arith.constant 256 : i32
        %parallel_loop3A_280 = vector.broadcast %parallel_loop3A_279 : i32 to vector<16xi32>
        %parallel_loop3A_281 = arith.addi %parallel_loop3A_278, %parallel_loop3A_280 : vector<16xi32>
        %parallel_loop3A_282 = vector.broadcast %multiple_of3A : i32 to vector<16xi32>
        %parallel_loop3A_283 = arith.subi %parallel_loop3A_281, %parallel_loop3A_282 : vector<16xi32>
        %parallel_loop3A_284 = arith.constant 335 : i32
        %parallel_loop3A_285 = vector.broadcast %parallel_loop3A_284 : i32 to vector<16xi32>
        %parallel_loop3A_286 = arith.minsi %parallel_loop3A_283, %parallel_loop3A_285 : vector<16xi32>
        %parallel_loop3A_287 = tpu.vector_load_idx %arg8[%parallel_loop3A_286] : memref<336xi32, #tpu.memory_space<vmem>>[vector<16xi32>], vector<16xi32>,
        %parallel_loop3A_288 = arith.cmpi sle, %parallel_loop3A_287, %parallel_loop3A_272 : vector<16xi32>
        %parallel_loop3A_289 = vector.broadcast %add3A_9 : i32 to vector<16xi32>
        %parallel_loop3A_290 = arith.cmpi slt, %parallel_loop3A_281, %parallel_loop3A_289 : vector<16xi32>
        %parallel_loop3A_291 = arith.andi %parallel_loop3A_288, %parallel_loop3A_290 : vector<16xi1>
        %parallel_loop3A_292 = arith.select %parallel_loop3A_291, %parallel_loop3A_281, %parallel_loop3A_278 : vector<16xi1>, vector<16xi32>
        %parallel_loop3A_293 = arith.constant 128 : i32
        %parallel_loop3A_294 = vector.broadcast %parallel_loop3A_293 : i32 to vector<16xi32>
        %parallel_loop3A_295 = arith.addi %parallel_loop3A_292, %parallel_loop3A_294 : vector<16xi32>
        %parallel_loop3A_296 = vector.broadcast %multiple_of3A : i32 to vector<16xi32>
        %parallel_loop3A_297 = arith.subi %parallel_loop3A_295, %parallel_loop3A_296 : vector<16xi32>
        %parallel_loop3A_298 = arith.constant 335 : i32
        %parallel_loop3A_299 = vector.broadcast %parallel_loop3A_298 : i32 to vector<16xi32>
        %parallel_loop3A_300 = arith.minsi %parallel_loop3A_297, %parallel_loop3A_299 : vector<16xi32>
        %parallel_loop3A_301 = tpu.vector_load_idx %arg8[%parallel_loop3A_300] : memref<336xi32, #tpu.memory_space<vmem>>[vector<16xi32>], vector<16xi32>,
        %parallel_loop3A_302 = arith.cmpi sle, %parallel_loop3A_301, %parallel_loop3A_272 : vector<16xi32>
        %parallel_loop3A_303 = vector.broadcast %add3A_9 : i32 to vector<16xi32>
        %parallel_loop3A_304 = arith.cmpi slt, %parallel_loop3A_295, %parallel_loop3A_303 : vector<16xi32>
        %parallel_loop3A_305 = arith.andi %parallel_loop3A_302, %parallel_loop3A_304 : vector<16xi1>
        %parallel_loop3A_306 = arith.select %parallel_loop3A_305, %parallel_loop3A_295, %parallel_loop3A_292 : vector<16xi1>, vector<16xi32>
        %parallel_loop3A_307 = arith.constant 64 : i32
        %parallel_loop3A_308 = vector.broadcast %parallel_loop3A_307 : i32 to vector<16xi32>
        %parallel_loop3A_309 = arith.addi %parallel_loop3A_306, %parallel_loop3A_308 : vector<16xi32>
        %parallel_loop3A_310 = vector.broadcast %multiple_of3A : i32 to vector<16xi32>
        %parallel_loop3A_311 = arith.subi %parallel_loop3A_309, %parallel_loop3A_310 : vector<16xi32>
        %parallel_loop3A_312 = arith.constant 335 : i32
        %parallel_loop3A_313 = vector.broadcast %parallel_loop3A_312 : i32 to vector<16xi32>
        %parallel_loop3A_314 = arith.minsi %parallel_loop3A_311, %parallel_loop3A_313 : vector<16xi32>
        %parallel_loop3A_315 = tpu.vector_load_idx %arg8[%parallel_loop3A_314] : memref<336xi32, #tpu.memory_space<vmem>>[vector<16xi32>], vector<16xi32>,
        %parallel_loop3A_316 = arith.cmpi sle, %parallel_loop3A_315, %parallel_loop3A_272 : vector<16xi32>
        %parallel_loop3A_317 = vector.broadcast %add3A_9 : i32 to vector<16xi32>
        %parallel_loop3A_318 = arith.cmpi slt, %parallel_loop3A_309, %parallel_loop3A_317 : vector<16xi32>
        %parallel_loop3A_319 = arith.andi %parallel_loop3A_316, %parallel_loop3A_318 : vector<16xi1>
        %parallel_loop3A_320 = arith.select %parallel_loop3A_319, %parallel_loop3A_309, %parallel_loop3A_306 : vector<16xi1>, vector<16xi32>
        %parallel_loop3A_321 = arith.constant 32 : i32
        %parallel_loop3A_322 = vector.broadcast %parallel_loop3A_321 : i32 to vector<16xi32>
        %parallel_loop3A_323 = arith.addi %parallel_loop3A_320, %parallel_loop3A_322 : vector<16xi32>
        %parallel_loop3A_324 = vector.broadcast %multiple_of3A : i32 to vector<16xi32>
        %parallel_loop3A_325 = arith.subi %parallel_loop3A_323, %parallel_loop3A_324 : vector<16xi32>
        %parallel_loop3A_326 = arith.constant 335 : i32
        %parallel_loop3A_327 = vector.broadcast %parallel_loop3A_326 : i32 to vector<16xi32>
        %parallel_loop3A_328 = arith.minsi %parallel_loop3A_325, %parallel_loop3A_327 : vector<16xi32>
        %parallel_loop3A_329 = tpu.vector_load_idx %arg8[%parallel_loop3A_328] : memref<336xi32, #tpu.memory_space<vmem>>[vector<16xi32>], vector<16xi32>,
        %parallel_loop3A_330 = arith.cmpi sle, %parallel_loop3A_329, %parallel_loop3A_272 : vector<16xi32>
        %parallel_loop3A_331 = vector.broadcast %add3A_9 : i32 to vector<16xi32>
        %parallel_loop3A_332 = arith.cmpi slt, %parallel_loop3A_323, %parallel_loop3A_331 : vector<16xi32>
        %parallel_loop3A_333 = arith.andi %parallel_loop3A_330, %parallel_loop3A_332 : vector<16xi1>
        %parallel_loop3A_334 = arith.select %parallel_loop3A_333, %parallel_loop3A_323, %parallel_loop3A_320 : vector<16xi1>, vector<16xi32>
        %parallel_loop3A_335 = arith.constant 16 : i32
        %parallel_loop3A_336 = vector.broadcast %parallel_loop3A_335 : i32 to vector<16xi32>
        %parallel_loop3A_337 = arith.addi %parallel_loop3A_334, %parallel_loop3A_336 : vector<16xi32>
        %parallel_loop3A_338 = vector.broadcast %multiple_of3A : i32 to vector<16xi32>
        %parallel_loop3A_339 = arith.subi %parallel_loop3A_337, %parallel_loop3A_338 : vector<16xi32>
        %parallel_loop3A_340 = arith.constant 335 : i32
        %parallel_loop3A_341 = vector.broadcast %parallel_loop3A_340 : i32 to vector<16xi32>
        %parallel_loop3A_342 = arith.minsi %parallel_loop3A_339, %parallel_loop3A_341 : vector<16xi32>
        %parallel_loop3A_343 = tpu.vector_load_idx %arg8[%parallel_loop3A_342] : memref<336xi32, #tpu.memory_space<vmem>>[vector<16xi32>], vector<16xi32>,
        %parallel_loop3A_344 = arith.cmpi sle, %parallel_loop3A_343, %parallel_loop3A_272 : vector<16xi32>
        %parallel_loop3A_345 = vector.broadcast %add3A_9 : i32 to vector<16xi32>
        %parallel_loop3A_346 = arith.cmpi slt, %parallel_loop3A_337, %parallel_loop3A_345 : vector<16xi32>
        %parallel_loop3A_347 = arith.andi %parallel_loop3A_344, %parallel_loop3A_346 : vector<16xi1>
        %parallel_loop3A_348 = arith.select %parallel_loop3A_347, %parallel_loop3A_337, %parallel_loop3A_334 : vector<16xi1>, vector<16xi32>
        %parallel_loop3A_349 = arith.constant 8 : i32
        %parallel_loop3A_350 = vector.broadcast %parallel_loop3A_349 : i32 to vector<16xi32>
        %parallel_loop3A_351 = arith.addi %parallel_loop3A_348, %parallel_loop3A_350 : vector<16xi32>
        %parallel_loop3A_352 = vector.broadcast %multiple_of3A : i32 to vector<16xi32>
        %parallel_loop3A_353 = arith.subi %parallel_loop3A_351, %parallel_loop3A_352 : vector<16xi32>
        %parallel_loop3A_354 = arith.constant 335 : i32
        %parallel_loop3A_355 = vector.broadcast %parallel_loop3A_354 : i32 to vector<16xi32>
        %parallel_loop3A_356 = arith.minsi %parallel_loop3A_353, %parallel_loop3A_355 : vector<16xi32>
        %parallel_loop3A_357 = tpu.vector_load_idx %arg8[%parallel_loop3A_356] : memref<336xi32, #tpu.memory_space<vmem>>[vector<16xi32>], vector<16xi32>,
        %parallel_loop3A_358 = arith.cmpi sle, %parallel_loop3A_357, %parallel_loop3A_272 : vector<16xi32>
        %parallel_loop3A_359 = vector.broadcast %add3A_9 : i32 to vector<16xi32>
        %parallel_loop3A_360 = arith.cmpi slt, %parallel_loop3A_351, %parallel_loop3A_359 : vector<16xi32>
        %parallel_loop3A_361 = arith.andi %parallel_loop3A_358, %parallel_loop3A_360 : vector<16xi1>
        %parallel_loop3A_362 = arith.select %parallel_loop3A_361, %parallel_loop3A_351, %parallel_loop3A_348 : vector<16xi1>, vector<16xi32>
        %parallel_loop3A_363 = arith.constant 4 : i32
        %parallel_loop3A_364 = vector.broadcast %parallel_loop3A_363 : i32 to vector<16xi32>
        %parallel_loop3A_365 = arith.addi %parallel_loop3A_362, %parallel_loop3A_364 : vector<16xi32>
        %parallel_loop3A_366 = vector.broadcast %multiple_of3A : i32 to vector<16xi32>
        %parallel_loop3A_367 = arith.subi %parallel_loop3A_365, %parallel_loop3A_366 : vector<16xi32>
        %parallel_loop3A_368 = arith.constant 335 : i32
        %parallel_loop3A_369 = vector.broadcast %parallel_loop3A_368 : i32 to vector<16xi32>
        %parallel_loop3A_370 = arith.minsi %parallel_loop3A_367, %parallel_loop3A_369 : vector<16xi32>
        %parallel_loop3A_371 = tpu.vector_load_idx %arg8[%parallel_loop3A_370] : memref<336xi32, #tpu.memory_space<vmem>>[vector<16xi32>], vector<16xi32>,
        %parallel_loop3A_372 = arith.cmpi sle, %parallel_loop3A_371, %parallel_loop3A_272 : vector<16xi32>
        %parallel_loop3A_373 = vector.broadcast %add3A_9 : i32 to vector<16xi32>
        %parallel_loop3A_374 = arith.cmpi slt, %parallel_loop3A_365, %parallel_loop3A_373 : vector<16xi32>
        %parallel_loop3A_375 = arith.andi %parallel_loop3A_372, %parallel_loop3A_374 : vector<16xi1>
        %parallel_loop3A_376 = arith.select %parallel_loop3A_375, %parallel_loop3A_365, %parallel_loop3A_362 : vector<16xi1>, vector<16xi32>
        %parallel_loop3A_377 = arith.constant 2 : i32
        %parallel_loop3A_378 = vector.broadcast %parallel_loop3A_377 : i32 to vector<16xi32>
        %parallel_loop3A_379 = arith.addi %parallel_loop3A_376, %parallel_loop3A_378 : vector<16xi32>
        %parallel_loop3A_380 = vector.broadcast %multiple_of3A : i32 to vector<16xi32>
        %parallel_loop3A_381 = arith.subi %parallel_loop3A_379, %parallel_loop3A_380 : vector<16xi32>
        %parallel_loop3A_382 = arith.constant 335 : i32
        %parallel_loop3A_383 = vector.broadcast %parallel_loop3A_382 : i32 to vector<16xi32>
        %parallel_loop3A_384 = arith.minsi %parallel_loop3A_381, %parallel_loop3A_383 : vector<16xi32>
        %parallel_loop3A_385 = tpu.vector_load_idx %arg8[%parallel_loop3A_384] : memref<336xi32, #tpu.memory_space<vmem>>[vector<16xi32>], vector<16xi32>,
        %parallel_loop3A_386 = arith.cmpi sle, %parallel_loop3A_385, %parallel_loop3A_272 : vector<16xi32>
        %parallel_loop3A_387 = vector.broadcast %add3A_9 : i32 to vector<16xi32>
        %parallel_loop3A_388 = arith.cmpi slt, %parallel_loop3A_379, %parallel_loop3A_387 : vector<16xi32>
        %parallel_loop3A_389 = arith.andi %parallel_loop3A_386, %parallel_loop3A_388 : vector<16xi1>
        %parallel_loop3A_390 = arith.select %parallel_loop3A_389, %parallel_loop3A_379, %parallel_loop3A_376 : vector<16xi1>, vector<16xi32>
        %parallel_loop3A_391 = arith.constant 1 : i32
        %parallel_loop3A_392 = vector.broadcast %parallel_loop3A_391 : i32 to vector<16xi32>
        %parallel_loop3A_393 = arith.addi %parallel_loop3A_390, %parallel_loop3A_392 : vector<16xi32>
        %parallel_loop3A_394 = vector.broadcast %multiple_of3A : i32 to vector<16xi32>
        %parallel_loop3A_395 = arith.subi %parallel_loop3A_393, %parallel_loop3A_394 : vector<16xi32>
        %parallel_loop3A_396 = arith.constant 335 : i32
        %parallel_loop3A_397 = vector.broadcast %parallel_loop3A_396 : i32 to vector<16xi32>
        %parallel_loop3A_398 = arith.minsi %parallel_loop3A_395, %parallel_loop3A_397 : vector<16xi32>
        %parallel_loop3A_399 = tpu.vector_load_idx %arg8[%parallel_loop3A_398] : memref<336xi32, #tpu.memory_space<vmem>>[vector<16xi32>], vector<16xi32>,
        %parallel_loop3A_400 = arith.cmpi sle, %parallel_loop3A_399, %parallel_loop3A_272 : vector<16xi32>
        %parallel_loop3A_401 = vector.broadcast %add3A_9 : i32 to vector<16xi32>
        %parallel_loop3A_402 = arith.cmpi slt, %parallel_loop3A_393, %parallel_loop3A_401 : vector<16xi32>
        %parallel_loop3A_403 = arith.andi %parallel_loop3A_400, %parallel_loop3A_402 : vector<16xi1>
        %parallel_loop3A_404 = arith.select %parallel_loop3A_403, %parallel_loop3A_393, %parallel_loop3A_390 : vector<16xi1>, vector<16xi32>
        %parallel_loop3A_405 = vector.broadcast %multiple_of3A : i32 to vector<16xi32>
        %parallel_loop3A_406 = arith.subi %parallel_loop3A_404, %parallel_loop3A_405 : vector<16xi32>
        %parallel_loop3A_407 = arith.index_cast %parallel_loop3A_268 : i32 to index
        %parallel_loop3A_408 = tpu.vector_load %arg11[%parallel_loop3A_407] {strides = array<i32>} : memref<80xi32, #tpu.memory_space<vmem>>, vector<16xi32>,
        tpu.vector_store %arg11[%parallel_loop3A_407], %parallel_loop3A_406 {strides = array<i32>} : memref<80xi32, #tpu.memory_space<vmem>>, vector<16xi32>,
        %parallel_loop3A_409 = arith.index_cast %rem3A_127 : i32 to index
        %parallel_loop3A_410 = arith.index_cast %parallel_loop3A_268 : i32 to index
        %parallel_loop3A_411 = tpu.vector_load %arg10[%parallel_loop3A_409, %parallel_loop3A_410] {strides = array<i32>} : memref<2x80xf32, #tpu.memory_space<vmem>>, vector<16xf32>,
        %parallel_loop3A_412 = arith.constant 0.000000e+00 : f32
        %parallel_loop3A_413 = vector.broadcast %parallel_loop3A_412 : f32 to vector<16xf32>
        %parallel_loop3A_414 = arith.select %parallel_loop3A_277, %parallel_loop3A_411, %parallel_loop3A_413 : vector<16xi1>, vector<16xf32>
        %parallel_loop3A_415 = arith.index_cast %rem3A_127 : i32 to index
        %parallel_loop3A_416 = arith.index_cast %parallel_loop3A_268 : i32 to index
        %parallel_loop3A_417 = tpu.vector_load %arg10[%parallel_loop3A_415, %parallel_loop3A_416] {strides = array<i32>} : memref<2x80xf32, #tpu.memory_space<vmem>>, vector<16xf32>,
        tpu.vector_store %arg10[%parallel_loop3A_415, %parallel_loop3A_416], %parallel_loop3A_414 {strides = array<i32>} : memref<2x80xf32, #tpu.memory_space<vmem>>, vector<16xf32>,
      } {sc.loop_unroll_factor = 5 : i64, sc.parallel_access}
      %dma_wait3A = arith.constant 0 : i32
      %dma_wait3A_233 = arith.constant 0 : i32
      %dma_wait3A_234 = tpu.memref_slice %arg12[%rem3A_127, %dma_wait3A, %dma_wait3A_233] : memref<2x80x256xf32, #tpu.memory_space<vmem>> -> memref<1x40x256xf32, #tpu.memory_space<vmem>>
      %dma_wait3A_235 = tpu.memref_squeeze %dma_wait3A_234 : memref<1x40x256xf32, #tpu.memory_space<vmem>> -> memref<40x256xf32, #tpu.memory_space<vmem>>
      %dma_wait3A_236 = arith.constant 0 : i32
      %dma_wait3A_237 = tpu.memref_slice %arg9[%rem3A_127, %dma_wait3A_236] : memref<2x80xi32, #tpu.memory_space<vmem>> -> memref<1x40xi32, #tpu.memory_space<vmem>>
      %dma_wait3A_238 = tpu.memref_squeeze %dma_wait3A_237 : memref<1x40xi32, #tpu.memory_space<vmem>> -> memref<40xi32, #tpu.memory_space<vmem>>
      %dma_wait3A_239 = arith.constant 0 : i32
      %dma_wait3A_240 = arith.constant 0 : i32
      %dma_wait3A_241 = tpu.memref_slice %arg2[%dma_wait3A_239, %dma_wait3A_240] : memref<10000x256xf32, #tpu.memory_space<hbm>> -> memref<10000x256xf32, #tpu.memory_space<hbm>>
      tpu.wait_indirect_dma semaphore(%arg16 : memref<!tpu.dma_semaphore, #tpu.memory_space<semaphore_mem>>) src(%dma_wait3A_241 : memref<10000x256xf32, #tpu.memory_space<hbm>>) dst(%dma_wait3A_235 : memref<40x256xf32, #tpu.memory_space<vmem>>)
      %dma_wait3A_242 = arith.constant 40 : i32
      %dma_wait3A_243 = arith.constant 0 : i32
      %dma_wait3A_244 = tpu.memref_slice %arg12[%rem3A_127, %dma_wait3A_242, %dma_wait3A_243] : memref<2x80x256xf32, #tpu.memory_space<vmem>> -> memref<1x40x256xf32, #tpu.memory_space<vmem>>
      %dma_wait3A_245 = tpu.memref_squeeze %dma_wait3A_244 : memref<1x40x256xf32, #tpu.memory_space<vmem>> -> memref<40x256xf32, #tpu.memory_space<vmem>>
      %dma_wait3A_246 = arith.constant 40 : i32
      %dma_wait3A_247 = tpu.memref_slice %arg9[%rem3A_127, %dma_wait3A_246] : memref<2x80xi32, #tpu.memory_space<vmem>> -> memref<1x40xi32, #tpu.memory_space<vmem>>
      %dma_wait3A_248 = tpu.memref_squeeze %dma_wait3A_247 : memref<1x40xi32, #tpu.memory_space<vmem>> -> memref<40xi32, #tpu.memory_space<vmem>>
      %dma_wait3A_249 = arith.constant 0 : i32
      %dma_wait3A_250 = arith.constant 0 : i32
      %dma_wait3A_251 = tpu.memref_slice %arg2[%dma_wait3A_249, %dma_wait3A_250] : memref<10000x256xf32, #tpu.memory_space<hbm>> -> memref<10000x256xf32, #tpu.memory_space<hbm>>
      tpu.wait_indirect_dma semaphore(%arg17 : memref<!tpu.dma_semaphore, #tpu.memory_space<semaphore_mem>>) src(%dma_wait3A_251 : memref<10000x256xf32, #tpu.memory_space<hbm>>) dst(%dma_wait3A_245 : memref<40x256xf32, #tpu.memory_space<vmem>>)
      %add3A_252 = arith.constant 2 : i32
      %add3A_253 = arith.addi %while3A_125, %add3A_252 : i32
      %lt3A_254 = arith.cmpi slt, %add3A_253, %select_n3A_72 : i32
      %convert_element_type3A_255 = arith.extui %lt3A_254 : i1 to i32
      %cond3A_256 = arith.constant 0 : i32
      %cond3A_257 = arith.cmpi ne, %convert_element_type3A_255, %cond3A_256 : i32
      scf.if %cond3A_257 {
        %dma_start3A = arith.constant 0 : i32
        %dma_start3A_265 = tpu.memref_slice %arg9[%rem3A_127, %dma_start3A] : memref<2x80xi32, #tpu.memory_space<vmem>> -> memref<1x80xi32, #tpu.memory_space<vmem>>
        %dma_start3A_266 = tpu.memref_squeeze %dma_start3A_265 : memref<1x80xi32, #tpu.memory_space<vmem>> -> memref<80xi32, #tpu.memory_space<vmem>>
        %dma_start3A_267 = tpu.memref_slice %arg4[%multiple_of3A_223] : memref<160000xi32, #tpu.memory_space<hbm>> -> memref<80xi32, #tpu.memory_space<hbm>>
        %dma_start3A_268 = arith.constant 0 : i32
        %dma_start3A_269 = tpu.memref_slice %arg9[%rem3A_127, %dma_start3A_268] : memref<2x80xi32, #tpu.memory_space<vmem>> -> memref<1x80xi32, #tpu.memory_space<vmem>>
        %dma_start3A_270 = tpu.memref_squeeze %dma_start3A_269 : memref<1x80xi32, #tpu.memory_space<vmem>> -> memref<80xi32, #tpu.memory_space<vmem>>
        %dma_start3A_271 = tpu.memref_slice %arg4[%multiple_of3A_223] : memref<160000xi32, #tpu.memory_space<hbm>> -> memref<80xi32, #tpu.memory_space<hbm>>
        tpu.enqueue_dma source(%dma_start3A_271 : memref<80xi32, #tpu.memory_space<hbm>>) target(%dma_start3A_270 : memref<80xi32, #tpu.memory_space<vmem>>) target_semaphore(%arg15 : memref<!tpu.dma_semaphore, #tpu.memory_space<semaphore_mem>>)
      } else {
      }
      %iota3A = tpu.iota {dimensions = array<i32: 0>} : vector<16xi32>
      %broadcast_in_dim3A_258 = vector.broadcast %rem3A_127 : i32 to vector<16xi32>
      %parallel_loop3A_259 = arith.constant 0 : i32
      %parallel_loop3A_260 = arith.constant 80 : i32
      %parallel_loop3A_261 = arith.constant 1 : i32
      scf.for %parallel_loop3A_265 = %parallel_loop3A_259 to %parallel_loop3A_260 step %parallel_loop3A_261  : i32 {
        %parallel_loop3A_266 = vector.broadcast %parallel_loop3A_265 : i32 to vector<16xi32>
        %parallel_loop3A_267 = tpu.vector_load_idx %arg11[%parallel_loop3A_266] : memref<80xi32, #tpu.memory_space<vmem>>[vector<16xi32>], vector<16xi32>,
        %parallel_loop3A_268 = tpu.vector_load_idx %arg10[%broadcast_in_dim3A_258, %parallel_loop3A_266] : memref<2x80xf32, #tpu.memory_space<vmem>>[vector<16xi32>, vector<16xi32>], vector<16xf32>,
        %parallel_loop3A_269 = arith.constant 0 : i32
        %parallel_loop3A_270 = vector.broadcast %parallel_loop3A_269 : i32 to vector<16xi32>
        %parallel_loop3A_271 = arith.addi %iota3A, %parallel_loop3A_270 : vector<16xi32>
        %parallel_loop3A_272 = arith.index_cast %rem3A_127 : i32 to index
        %parallel_loop3A_273 = arith.index_cast %parallel_loop3A_265 : i32 to index
        %parallel_loop3A_274 = arith.constant 0 : index
        %parallel_loop3A_275 = tpu.vector_load %arg12[%parallel_loop3A_272, %parallel_loop3A_273, %parallel_loop3A_274] {strides = array<i32>} : memref<2x80x256xf32, #tpu.memory_space<vmem>>, vector<16xf32>,
        %parallel_loop3A_276 = arith.mulf %parallel_loop3A_275, %parallel_loop3A_268 : vector<16xf32>
        tpu.vector_store_idx %arg14[%parallel_loop3A_267, %parallel_loop3A_271], %parallel_loop3A_276 {add = true} : memref<320x256xf32, #tpu.memory_space<vmem>>[vector<16xi32>, vector<16xi32>], vector<16xf32>,
        %parallel_loop3A_277 = arith.constant 16 : i32
        %parallel_loop3A_278 = vector.broadcast %parallel_loop3A_277 : i32 to vector<16xi32>
        %parallel_loop3A_279 = arith.addi %iota3A, %parallel_loop3A_278 : vector<16xi32>
        %parallel_loop3A_280 = arith.index_cast %rem3A_127 : i32 to index
        %parallel_loop3A_281 = arith.index_cast %parallel_loop3A_265 : i32 to index
        %parallel_loop3A_282 = arith.constant 16 : index
        %parallel_loop3A_283 = tpu.vector_load %arg12[%parallel_loop3A_280, %parallel_loop3A_281, %parallel_loop3A_282] {strides = array<i32>} : memref<2x80x256xf32, #tpu.memory_space<vmem>>, vector<16xf32>,
        %parallel_loop3A_284 = arith.mulf %parallel_loop3A_283, %parallel_loop3A_268 : vector<16xf32>
        tpu.vector_store_idx %arg14[%parallel_loop3A_267, %parallel_loop3A_279], %parallel_loop3A_284 {add = true} : memref<320x256xf32, #tpu.memory_space<vmem>>[vector<16xi32>, vector<16xi32>], vector<16xf32>,
        %parallel_loop3A_285 = arith.constant 32 : i32
        %parallel_loop3A_286 = vector.broadcast %parallel_loop3A_285 : i32 to vector<16xi32>
        %parallel_loop3A_287 = arith.addi %iota3A, %parallel_loop3A_286 : vector<16xi32>
        %parallel_loop3A_288 = arith.index_cast %rem3A_127 : i32 to index
        %parallel_loop3A_289 = arith.index_cast %parallel_loop3A_265 : i32 to index
        %parallel_loop3A_290 = arith.constant 32 : index
        %parallel_loop3A_291 = tpu.vector_load %arg12[%parallel_loop3A_288, %parallel_loop3A_289, %parallel_loop3A_290] {strides = array<i32>} : memref<2x80x256xf32, #tpu.memory_space<vmem>>, vector<16xf32>,
        %parallel_loop3A_292 = arith.mulf %parallel_loop3A_291, %parallel_loop3A_268 : vector<16xf32>
        tpu.vector_store_idx %arg14[%parallel_loop3A_267, %parallel_loop3A_287], %parallel_loop3A_292 {add = true} : memref<320x256xf32, #tpu.memory_space<vmem>>[vector<16xi32>, vector<16xi32>], vector<16xf32>,
        %parallel_loop3A_293 = arith.constant 48 : i32
        %parallel_loop3A_294 = vector.broadcast %parallel_loop3A_293 : i32 to vector<16xi32>
        %parallel_loop3A_295 = arith.addi %iota3A, %parallel_loop3A_294 : vector<16xi32>
        %parallel_loop3A_296 = arith.index_cast %rem3A_127 : i32 to index
        %parallel_loop3A_297 = arith.index_cast %parallel_loop3A_265 : i32 to index
        %parallel_loop3A_298 = arith.constant 48 : index
        %parallel_loop3A_299 = tpu.vector_load %arg12[%parallel_loop3A_296, %parallel_loop3A_297, %parallel_loop3A_298] {strides = array<i32>} : memref<2x80x256xf32, #tpu.memory_space<vmem>>, vector<16xf32>,
        %parallel_loop3A_300 = arith.mulf %parallel_loop3A_299, %parallel_loop3A_268 : vector<16xf32>
        tpu.vector_store_idx %arg14[%parallel_loop3A_267, %parallel_loop3A_295], %parallel_loop3A_300 {add = true} : memref<320x256xf32, #tpu.memory_space<vmem>>[vector<16xi32>, vector<16xi32>], vector<16xf32>,
        %parallel_loop3A_301 = arith.constant 64 : i32
        %parallel_loop3A_302 = vector.broadcast %parallel_loop3A_301 : i32 to vector<16xi32>
        %parallel_loop3A_303 = arith.addi %iota3A, %parallel_loop3A_302 : vector<16xi32>
        %parallel_loop3A_304 = arith.index_cast %rem3A_127 : i32 to index
        %parallel_loop3A_305 = arith.index_cast %parallel_loop3A_265 : i32 to index
        %parallel_loop3A_306 = arith.constant 64 : index
        %parallel_loop3A_307 = tpu.vector_load %arg12[%parallel_loop3A_304, %parallel_loop3A_305, %parallel_loop3A_306] {strides = array<i32>} : memref<2x80x256xf32, #tpu.memory_space<vmem>>, vector<16xf32>,
        %parallel_loop3A_308 = arith.mulf %parallel_loop3A_307, %parallel_loop3A_268 : vector<16xf32>
        tpu.vector_store_idx %arg14[%parallel_loop3A_267, %parallel_loop3A_303], %parallel_loop3A_308 {add = true} : memref<320x256xf32, #tpu.memory_space<vmem>>[vector<16xi32>, vector<16xi32>], vector<16xf32>,
        %parallel_loop3A_309 = arith.constant 80 : i32
        %parallel_loop3A_310 = vector.broadcast %parallel_loop3A_309 : i32 to vector<16xi32>
        %parallel_loop3A_311 = arith.addi %iota3A, %parallel_loop3A_310 : vector<16xi32>
        %parallel_loop3A_312 = arith.index_cast %rem3A_127 : i32 to index
        %parallel_loop3A_313 = arith.index_cast %parallel_loop3A_265 : i32 to index
        %parallel_loop3A_314 = arith.constant 80 : index
        %parallel_loop3A_315 = tpu.vector_load %arg12[%parallel_loop3A_312, %parallel_loop3A_313, %parallel_loop3A_314] {strides = array<i32>} : memref<2x80x256xf32, #tpu.memory_space<vmem>>, vector<16xf32>,
        %parallel_loop3A_316 = arith.mulf %parallel_loop3A_315, %parallel_loop3A_268 : vector<16xf32>
        tpu.vector_store_idx %arg14[%parallel_loop3A_267, %parallel_loop3A_311], %parallel_loop3A_316 {add = true} : memref<320x256xf32, #tpu.memory_space<vmem>>[vector<16xi32>, vector<16xi32>], vector<16xf32>,
        %parallel_loop3A_317 = arith.constant 96 : i32
        %parallel_loop3A_318 = vector.broadcast %parallel_loop3A_317 : i32 to vector<16xi32>
        %parallel_loop3A_319 = arith.addi %iota3A, %parallel_loop3A_318 : vector<16xi32>
        %parallel_loop3A_320 = arith.index_cast %rem3A_127 : i32 to index
        %parallel_loop3A_321 = arith.index_cast %parallel_loop3A_265 : i32 to index
        %parallel_loop3A_322 = arith.constant 96 : index
        %parallel_loop3A_323 = tpu.vector_load %arg12[%parallel_loop3A_320, %parallel_loop3A_321, %parallel_loop3A_322] {strides = array<i32>} : memref<2x80x256xf32, #tpu.memory_space<vmem>>, vector<16xf32>,
        %parallel_loop3A_324 = arith.mulf %parallel_loop3A_323, %parallel_loop3A_268 : vector<16xf32>
        tpu.vector_store_idx %arg14[%parallel_loop3A_267, %parallel_loop3A_319], %parallel_loop3A_324 {add = true} : memref<320x256xf32, #tpu.memory_space<vmem>>[vector<16xi32>, vector<16xi32>], vector<16xf32>,
        %parallel_loop3A_325 = arith.constant 112 : i32
        %parallel_loop3A_326 = vector.broadcast %parallel_loop3A_325 : i32 to vector<16xi32>
        %parallel_loop3A_327 = arith.addi %iota3A, %parallel_loop3A_326 : vector<16xi32>
        %parallel_loop3A_328 = arith.index_cast %rem3A_127 : i32 to index
        %parallel_loop3A_329 = arith.index_cast %parallel_loop3A_265 : i32 to index
        %parallel_loop3A_330 = arith.constant 112 : index
        %parallel_loop3A_331 = tpu.vector_load %arg12[%parallel_loop3A_328, %parallel_loop3A_329, %parallel_loop3A_330] {strides = array<i32>} : memref<2x80x256xf32, #tpu.memory_space<vmem>>, vector<16xf32>,
        %parallel_loop3A_332 = arith.mulf %parallel_loop3A_331, %parallel_loop3A_268 : vector<16xf32>
        tpu.vector_store_idx %arg14[%parallel_loop3A_267, %parallel_loop3A_327], %parallel_loop3A_332 {add = true} : memref<320x256xf32, #tpu.memory_space<vmem>>[vector<16xi32>, vector<16xi32>], vector<16xf32>,
        %parallel_loop3A_333 = arith.constant 128 : i32
        %parallel_loop3A_334 = vector.broadcast %parallel_loop3A_333 : i32 to vector<16xi32>
        %parallel_loop3A_335 = arith.addi %iota3A, %parallel_loop3A_334 : vector<16xi32>
        %parallel_loop3A_336 = arith.index_cast %rem3A_127 : i32 to index
        %parallel_loop3A_337 = arith.index_cast %parallel_loop3A_265 : i32 to index
        %parallel_loop3A_338 = arith.constant 128 : index
        %parallel_loop3A_339 = tpu.vector_load %arg12[%parallel_loop3A_336, %parallel_loop3A_337, %parallel_loop3A_338] {strides = array<i32>} : memref<2x80x256xf32, #tpu.memory_space<vmem>>, vector<16xf32>,
        %parallel_loop3A_340 = arith.mulf %parallel_loop3A_339, %parallel_loop3A_268 : vector<16xf32>
        tpu.vector_store_idx %arg14[%parallel_loop3A_267, %parallel_loop3A_335], %parallel_loop3A_340 {add = true} : memref<320x256xf32, #tpu.memory_space<vmem>>[vector<16xi32>, vector<16xi32>], vector<16xf32>,
        %parallel_loop3A_341 = arith.constant 144 : i32
        %parallel_loop3A_342 = vector.broadcast %parallel_loop3A_341 : i32 to vector<16xi32>
        %parallel_loop3A_343 = arith.addi %iota3A, %parallel_loop3A_342 : vector<16xi32>
        %parallel_loop3A_344 = arith.index_cast %rem3A_127 : i32 to index
        %parallel_loop3A_345 = arith.index_cast %parallel_loop3A_265 : i32 to index
        %parallel_loop3A_346 = arith.constant 144 : index
        %parallel_loop3A_347 = tpu.vector_load %arg12[%parallel_loop3A_344, %parallel_loop3A_345, %parallel_loop3A_346] {strides = array<i32>} : memref<2x80x256xf32, #tpu.memory_space<vmem>>, vector<16xf32>,
        %parallel_loop3A_348 = arith.mulf %parallel_loop3A_347, %parallel_loop3A_268 : vector<16xf32>
        tpu.vector_store_idx %arg14[%parallel_loop3A_267, %parallel_loop3A_343], %parallel_loop3A_348 {add = true} : memref<320x256xf32, #tpu.memory_space<vmem>>[vector<16xi32>, vector<16xi32>], vector<16xf32>,
        %parallel_loop3A_349 = arith.constant 160 : i32
        %parallel_loop3A_350 = vector.broadcast %parallel_loop3A_349 : i32 to vector<16xi32>
        %parallel_loop3A_351 = arith.addi %iota3A, %parallel_loop3A_350 : vector<16xi32>
        %parallel_loop3A_352 = arith.index_cast %rem3A_127 : i32 to index
        %parallel_loop3A_353 = arith.index_cast %parallel_loop3A_265 : i32 to index
        %parallel_loop3A_354 = arith.constant 160 : index
        %parallel_loop3A_355 = tpu.vector_load %arg12[%parallel_loop3A_352, %parallel_loop3A_353, %parallel_loop3A_354] {strides = array<i32>} : memref<2x80x256xf32, #tpu.memory_space<vmem>>, vector<16xf32>,
        %parallel_loop3A_356 = arith.mulf %parallel_loop3A_355, %parallel_loop3A_268 : vector<16xf32>
        tpu.vector_store_idx %arg14[%parallel_loop3A_267, %parallel_loop3A_351], %parallel_loop3A_356 {add = true} : memref<320x256xf32, #tpu.memory_space<vmem>>[vector<16xi32>, vector<16xi32>], vector<16xf32>,
        %parallel_loop3A_357 = arith.constant 176 : i32
        %parallel_loop3A_358 = vector.broadcast %parallel_loop3A_357 : i32 to vector<16xi32>
        %parallel_loop3A_359 = arith.addi %iota3A, %parallel_loop3A_358 : vector<16xi32>
        %parallel_loop3A_360 = arith.index_cast %rem3A_127 : i32 to index
        %parallel_loop3A_361 = arith.index_cast %parallel_loop3A_265 : i32 to index
        %parallel_loop3A_362 = arith.constant 176 : index
        %parallel_loop3A_363 = tpu.vector_load %arg12[%parallel_loop3A_360, %parallel_loop3A_361, %parallel_loop3A_362] {strides = array<i32>} : memref<2x80x256xf32, #tpu.memory_space<vmem>>, vector<16xf32>,
        %parallel_loop3A_364 = arith.mulf %parallel_loop3A_363, %parallel_loop3A_268 : vector<16xf32>
        tpu.vector_store_idx %arg14[%parallel_loop3A_267, %parallel_loop3A_359], %parallel_loop3A_364 {add = true} : memref<320x256xf32, #tpu.memory_space<vmem>>[vector<16xi32>, vector<16xi32>], vector<16xf32>,
        %parallel_loop3A_365 = arith.constant 192 : i32
        %parallel_loop3A_366 = vector.broadcast %parallel_loop3A_365 : i32 to vector<16xi32>
        %parallel_loop3A_367 = arith.addi %iota3A, %parallel_loop3A_366 : vector<16xi32>
        %parallel_loop3A_368 = arith.index_cast %rem3A_127 : i32 to index
        %parallel_loop3A_369 = arith.index_cast %parallel_loop3A_265 : i32 to index
        %parallel_loop3A_370 = arith.constant 192 : index
        %parallel_loop3A_371 = tpu.vector_load %arg12[%parallel_loop3A_368, %parallel_loop3A_369, %parallel_loop3A_370] {strides = array<i32>} : memref<2x80x256xf32, #tpu.memory_space<vmem>>, vector<16xf32>,
        %parallel_loop3A_372 = arith.mulf %parallel_loop3A_371, %parallel_loop3A_268 : vector<16xf32>
        tpu.vector_store_idx %arg14[%parallel_loop3A_267, %parallel_loop3A_367], %parallel_loop3A_372 {add = true} : memref<320x256xf32, #tpu.memory_space<vmem>>[vector<16xi32>, vector<16xi32>], vector<16xf32>,
        %parallel_loop3A_373 = arith.constant 208 : i32
        %parallel_loop3A_374 = vector.broadcast %parallel_loop3A_373 : i32 to vector<16xi32>
        %parallel_loop3A_375 = arith.addi %iota3A, %parallel_loop3A_374 : vector<16xi32>
        %parallel_loop3A_376 = arith.index_cast %rem3A_127 : i32 to index
        %parallel_loop3A_377 = arith.index_cast %parallel_loop3A_265 : i32 to index
        %parallel_loop3A_378 = arith.constant 208 : index
        %parallel_loop3A_379 = tpu.vector_load %arg12[%parallel_loop3A_376, %parallel_loop3A_377, %parallel_loop3A_378] {strides = array<i32>} : memref<2x80x256xf32, #tpu.memory_space<vmem>>, vector<16xf32>,
        %parallel_loop3A_380 = arith.mulf %parallel_loop3A_379, %parallel_loop3A_268 : vector<16xf32>
        tpu.vector_store_idx %arg14[%parallel_loop3A_267, %parallel_loop3A_375], %parallel_loop3A_380 {add = true} : memref<320x256xf32, #tpu.memory_space<vmem>>[vector<16xi32>, vector<16xi32>], vector<16xf32>,
        %parallel_loop3A_381 = arith.constant 224 : i32
        %parallel_loop3A_382 = vector.broadcast %parallel_loop3A_381 : i32 to vector<16xi32>
        %parallel_loop3A_383 = arith.addi %iota3A, %parallel_loop3A_382 : vector<16xi32>
        %parallel_loop3A_384 = arith.index_cast %rem3A_127 : i32 to index
        %parallel_loop3A_385 = arith.index_cast %parallel_loop3A_265 : i32 to index
        %parallel_loop3A_386 = arith.constant 224 : index
        %parallel_loop3A_387 = tpu.vector_load %arg12[%parallel_loop3A_384, %parallel_loop3A_385, %parallel_loop3A_386] {strides = array<i32>} : memref<2x80x256xf32, #tpu.memory_space<vmem>>, vector<16xf32>,
        %parallel_loop3A_388 = arith.mulf %parallel_loop3A_387, %parallel_loop3A_268 : vector<16xf32>
        tpu.vector_store_idx %arg14[%parallel_loop3A_267, %parallel_loop3A_383], %parallel_loop3A_388 {add = true} : memref<320x256xf32, #tpu.memory_space<vmem>>[vector<16xi32>, vector<16xi32>], vector<16xf32>,
        %parallel_loop3A_389 = arith.constant 240 : i32
        %parallel_loop3A_390 = vector.broadcast %parallel_loop3A_389 : i32 to vector<16xi32>
        %parallel_loop3A_391 = arith.addi %iota3A, %parallel_loop3A_390 : vector<16xi32>
        %parallel_loop3A_392 = arith.index_cast %rem3A_127 : i32 to index
        %parallel_loop3A_393 = arith.index_cast %parallel_loop3A_265 : i32 to index
        %parallel_loop3A_394 = arith.constant 240 : index
        %parallel_loop3A_395 = tpu.vector_load %arg12[%parallel_loop3A_392, %parallel_loop3A_393, %parallel_loop3A_394] {strides = array<i32>} : memref<2x80x256xf32, #tpu.memory_space<vmem>>, vector<16xf32>,
        %parallel_loop3A_396 = arith.mulf %parallel_loop3A_395, %parallel_loop3A_268 : vector<16xf32>
        tpu.vector_store_idx %arg14[%parallel_loop3A_267, %parallel_loop3A_391], %parallel_loop3A_396 {add = true} : memref<320x256xf32, #tpu.memory_space<vmem>>[vector<16xi32>, vector<16xi32>], vector<16xf32>,
      } {sc.loop_unroll_factor = 4 : i64, sc.parallel_access}
      %convert_element_type3A_262 = arith.extui %lt3A_226 : i1 to i32
      %cond3A_263 = arith.constant 0 : i32
      %cond3A_264 = arith.cmpi ne, %convert_element_type3A_262, %cond3A_263 : i32
      scf.if %cond3A_264 {
        %dma_wait3A_265 = arith.constant 0 : i32
        %dma_wait3A_266 = tpu.memref_slice %arg10[%sub3A_129, %dma_wait3A_265] : memref<2x80xf32, #tpu.memory_space<vmem>> -> memref<1x80xf32, #tpu.memory_space<vmem>>
        %dma_wait3A_267 = tpu.memref_squeeze %dma_wait3A_266 : memref<1x80xf32, #tpu.memory_space<vmem>> -> memref<80xf32, #tpu.memory_space<vmem>>
        %dma_wait3A_268 = tpu.memref_slice %arg5[%multiple_of3A_192] : memref<160000xf32, #tpu.memory_space<hbm>> -> memref<80xf32, #tpu.memory_space<hbm>>
        %dma_wait3A_269 = arith.constant 0 : i32
        %dma_wait3A_270 = tpu.memref_slice %arg10[%sub3A_129, %dma_wait3A_269] : memref<2x80xf32, #tpu.memory_space<vmem>> -> memref<1x80xf32, #tpu.memory_space<vmem>>
        %dma_wait3A_271 = tpu.memref_squeeze %dma_wait3A_270 : memref<1x80xf32, #tpu.memory_space<vmem>> -> memref<80xf32, #tpu.memory_space<vmem>>
        %dma_wait3A_272 = tpu.memref_slice %arg5[%multiple_of3A_192] : memref<160000xf32, #tpu.memory_space<hbm>> -> memref<80xf32, #tpu.memory_space<hbm>>
        tpu.wait_dma2 semaphore(%arg18 : memref<!tpu.dma_semaphore, #tpu.memory_space<semaphore_mem>>) src(%dma_wait3A_272 : memref<80xf32, #tpu.memory_space<hbm>>) dst(%dma_wait3A_271 : memref<80xf32, #tpu.memory_space<vmem>>)
      } else {
      }
    }
    %while3A_88 = arith.constant 1 : i32
    scf.for %while3A_125 = %while3A_86 to %while3A_82 step %while3A_88  : i32 {
      %rem3A_126 = arith.constant 2 : i32
      %rem3A_127 = arith.remsi %while3A_125, %rem3A_126 : i32
      %sub3A_128 = arith.constant 1 : i32
      %sub3A_129 = arith.subi %sub3A_128, %rem3A_127 : i32
      %mul3A_130 = arith.constant 72 : i32
      %mul3A_131 = arith.muli %while3A_125, %mul3A_130 : i32
      %add3A_132 = arith.addi %squeeze3A, %mul3A_131 : i32
      %min3A_133 = arith.constant 159920 : i32
      %min3A_134 = arith.minsi %add3A_132, %min3A_133 : i32
      %jit3A_135 = arith.constant 8 : i32
      %div3A_136 = arith.divsi %min3A_134, %jit3A_135 : i32
      %sign3A_137 = arith.constant 0 : i32
      %sign3A_138 = arith.cmpi sgt, %min3A_134, %sign3A_137 : i32
      %sign3A_139 = arith.extui %sign3A_138 : i1 to i32
      %sign3A_140 = arith.constant 0 : i32
      %sign3A_141 = arith.cmpi slt, %min3A_134, %sign3A_140 : i32
      %sign3A_142 = arith.extui %sign3A_141 : i1 to i32
      %sign3A_143 = arith.subi %sign3A_139, %sign3A_142 : i32
      %sign3A_144 = arith.constant 0 : i32
      %sign3A_145 = arith.cmpi sgt, %jit3A_135, %sign3A_144 : i32
      %sign3A_146 = arith.extui %sign3A_145 : i1 to i32
      %sign3A_147 = arith.constant 0 : i32
      %sign3A_148 = arith.cmpi slt, %jit3A_135, %sign3A_147 : i32
      %sign3A_149 = arith.extui %sign3A_148 : i1 to i32
      %sign3A_150 = arith.subi %sign3A_146, %sign3A_149 : i32
      %ne3A_151 = arith.cmpi ne, %sign3A_143, %sign3A_150 : i32
      %rem3A_152 = arith.remsi %min3A_134, %jit3A_135 : i32
      %ne3A_153 = arith.constant 0 : i32
      %ne3A_154 = arith.cmpi ne, %rem3A_152, %ne3A_153 : i32
      %and3A_155 = arith.andi %ne3A_151, %ne3A_154 : i1
      %sub3A_156 = arith.constant 1 : i32
      %sub3A_157 = arith.subi %div3A_136, %sub3A_156 : i32
      %select_n3A_158 = arith.select %and3A_155, %sub3A_157, %div3A_136 : i32
      %mul3A_159 = arith.constant 8 : i32
      %mul3A_160 = arith.muli %select_n3A_158, %mul3A_159 : i32
      %multiple_of3A_161 = tpu.assume_multiple %mul3A_160, 8 : i32
      %add3A_162 = arith.constant 72 : i32
      %add3A_163 = arith.addi %add3A_132, %add3A_162 : i32
      %min3A_164 = arith.constant 159920 : i32
      %min3A_165 = arith.minsi %add3A_163, %min3A_164 : i32
      %jit3A_166 = arith.constant 8 : i32
      %div3A_167 = arith.divsi %min3A_165, %jit3A_166 : i32
      %sign3A_168 = arith.constant 0 : i32
      %sign3A_169 = arith.cmpi sgt, %min3A_165, %sign3A_168 : i32
      %sign3A_170 = arith.extui %sign3A_169 : i1 to i32
      %sign3A_171 = arith.constant 0 : i32
      %sign3A_172 = arith.cmpi slt, %min3A_165, %sign3A_171 : i32
      %sign3A_173 = arith.extui %sign3A_172 : i1 to i32
      %sign3A_174 = arith.subi %sign3A_170, %sign3A_173 : i32
      %sign3A_175 = arith.constant 0 : i32
      %sign3A_176 = arith.cmpi sgt, %jit3A_166, %sign3A_175 : i32
      %sign3A_177 = arith.extui %sign3A_176 : i1 to i32
      %sign3A_178 = arith.constant 0 : i32
      %sign3A_179 = arith.cmpi slt, %jit3A_166, %sign3A_178 : i32
      %sign3A_180 = arith.extui %sign3A_179 : i1 to i32
      %sign3A_181 = arith.subi %sign3A_177, %sign3A_180 : i32
      %ne3A_182 = arith.cmpi ne, %sign3A_174, %sign3A_181 : i32
      %rem3A_183 = arith.remsi %min3A_165, %jit3A_166 : i32
      %ne3A_184 = arith.constant 0 : i32
      %ne3A_185 = arith.cmpi ne, %rem3A_183, %ne3A_184 : i32
      %and3A_186 = arith.andi %ne3A_182, %ne3A_185 : i1
      %sub3A_187 = arith.constant 1 : i32
      %sub3A_188 = arith.subi %div3A_167, %sub3A_187 : i32
      %select_n3A_189 = arith.select %and3A_186, %sub3A_188, %div3A_167 : i32
      %mul3A_190 = arith.constant 8 : i32
      %mul3A_191 = arith.muli %select_n3A_189, %mul3A_190 : i32
      %multiple_of3A_192 = tpu.assume_multiple %mul3A_191, 8 : i32
      %add3A_193 = arith.constant 72 : i32
      %add3A_194 = arith.addi %add3A_163, %add3A_193 : i32
      %min3A_195 = arith.constant 159920 : i32
      %min3A_196 = arith.minsi %add3A_194, %min3A_195 : i32
      %jit3A_197 = arith.constant 8 : i32
      %div3A_198 = arith.divsi %min3A_196, %jit3A_197 : i32
      %sign3A_199 = arith.constant 0 : i32
      %sign3A_200 = arith.cmpi sgt, %min3A_196, %sign3A_199 : i32
      %sign3A_201 = arith.extui %sign3A_200 : i1 to i32
      %sign3A_202 = arith.constant 0 : i32
      %sign3A_203 = arith.cmpi slt, %min3A_196, %sign3A_202 : i32
      %sign3A_204 = arith.extui %sign3A_203 : i1 to i32
      %sign3A_205 = arith.subi %sign3A_201, %sign3A_204 : i32
      %sign3A_206 = arith.constant 0 : i32
      %sign3A_207 = arith.cmpi sgt, %jit3A_197, %sign3A_206 : i32
      %sign3A_208 = arith.extui %sign3A_207 : i1 to i32
      %sign3A_209 = arith.constant 0 : i32
      %sign3A_210 = arith.cmpi slt, %jit3A_197, %sign3A_209 : i32
      %sign3A_211 = arith.extui %sign3A_210 : i1 to i32
      %sign3A_212 = arith.subi %sign3A_208, %sign3A_211 : i32
      %ne3A_213 = arith.cmpi ne, %sign3A_205, %sign3A_212 : i32
      %rem3A_214 = arith.remsi %min3A_196, %jit3A_197 : i32
      %ne3A_215 = arith.constant 0 : i32
      %ne3A_216 = arith.cmpi ne, %rem3A_214, %ne3A_215 : i32
      %and3A_217 = arith.andi %ne3A_213, %ne3A_216 : i1
      %sub3A_218 = arith.constant 1 : i32
      %sub3A_219 = arith.subi %div3A_198, %sub3A_218 : i32
      %select_n3A_220 = arith.select %and3A_217, %sub3A_219, %div3A_198 : i32
      %mul3A_221 = arith.constant 8 : i32
      %mul3A_222 = arith.muli %select_n3A_220, %mul3A_221 : i32
      %multiple_of3A_223 = tpu.assume_multiple %mul3A_222, 8 : i32
      %add3A_224 = arith.constant 1 : i32
      %add3A_225 = arith.addi %while3A_125, %add3A_224 : i32
      %lt3A_226 = arith.cmpi slt, %add3A_225, %select_n3A_72 : i32
      %convert_element_type3A_227 = arith.extui %lt3A_226 : i1 to i32
      %cond3A_228 = arith.constant 0 : i32
      %cond3A_229 = arith.cmpi ne, %convert_element_type3A_227, %cond3A_228 : i32
      scf.if %cond3A_229 {
        %dma_wait3A_265 = arith.constant 0 : i32
        %dma_wait3A_266 = tpu.memref_slice %arg9[%sub3A_129, %dma_wait3A_265] : memref<2x80xi32, #tpu.memory_space<vmem>> -> memref<1x80xi32, #tpu.memory_space<vmem>>
        %dma_wait3A_267 = tpu.memref_squeeze %dma_wait3A_266 : memref<1x80xi32, #tpu.memory_space<vmem>> -> memref<80xi32, #tpu.memory_space<vmem>>
        %dma_wait3A_268 = tpu.memref_slice %arg4[%multiple_of3A_192] : memref<160000xi32, #tpu.memory_space<hbm>> -> memref<80xi32, #tpu.memory_space<hbm>>
        %dma_wait3A_269 = arith.constant 0 : i32
        %dma_wait3A_270 = tpu.memref_slice %arg9[%sub3A_129, %dma_wait3A_269] : memref<2x80xi32, #tpu.memory_space<vmem>> -> memref<1x80xi32, #tpu.memory_space<vmem>>
        %dma_wait3A_271 = tpu.memref_squeeze %dma_wait3A_270 : memref<1x80xi32, #tpu.memory_space<vmem>> -> memref<80xi32, #tpu.memory_space<vmem>>
        %dma_wait3A_272 = tpu.memref_slice %arg4[%multiple_of3A_192] : memref<160000xi32, #tpu.memory_space<hbm>> -> memref<80xi32, #tpu.memory_space<hbm>>
        tpu.wait_dma2 semaphore(%arg15 : memref<!tpu.dma_semaphore, #tpu.memory_space<semaphore_mem>>) src(%dma_wait3A_272 : memref<80xi32, #tpu.memory_space<hbm>>) dst(%dma_wait3A_271 : memref<80xi32, #tpu.memory_space<vmem>>)
        %dma_start3A = arith.constant 0 : i32
        %dma_start3A_273 = arith.constant 0 : i32
        %dma_start3A_274 = tpu.memref_slice %arg12[%sub3A_129, %dma_start3A, %dma_start3A_273] : memref<2x80x256xf32, #tpu.memory_space<vmem>> -> memref<1x40x256xf32, #tpu.memory_space<vmem>>
        %dma_start3A_275 = tpu.memref_squeeze %dma_start3A_274 : memref<1x40x256xf32, #tpu.memory_space<vmem>> -> memref<40x256xf32, #tpu.memory_space<vmem>>
        %dma_start3A_276 = arith.constant 0 : i32
        %dma_start3A_277 = tpu.memref_slice %arg9[%sub3A_129, %dma_start3A_276] : memref<2x80xi32, #tpu.memory_space<vmem>> -> memref<1x40xi32, #tpu.memory_space<vmem>>
        %dma_start3A_278 = tpu.memref_squeeze %dma_start3A_277 : memref<1x40xi32, #tpu.memory_space<vmem>> -> memref<40xi32, #tpu.memory_space<vmem>>
        %dma_start3A_279 = arith.constant 0 : i32
        %dma_start3A_280 = arith.constant 0 : i32
        %dma_start3A_281 = tpu.memref_slice %arg2[%dma_start3A_279, %dma_start3A_280] : memref<10000x256xf32, #tpu.memory_space<hbm>> -> memref<10000x256xf32, #tpu.memory_space<hbm>>
        tpu.enqueue_indirect_dma source(%dma_start3A_281 : memref<10000x256xf32, #tpu.memory_space<hbm>>) target(%dma_start3A_275 : memref<40x256xf32, #tpu.memory_space<vmem>>) offsets(%dma_start3A_278 : memref<40xi32, #tpu.memory_space<vmem>>) semaphore(%arg16 : memref<!tpu.dma_semaphore, #tpu.memory_space<semaphore_mem>>)
        %dma_start3A_282 = arith.constant 40 : i32
        %dma_start3A_283 = arith.constant 0 : i32
        %dma_start3A_284 = tpu.memref_slice %arg12[%sub3A_129, %dma_start3A_282, %dma_start3A_283] : memref<2x80x256xf32, #tpu.memory_space<vmem>> -> memref<1x40x256xf32, #tpu.memory_space<vmem>>
        %dma_start3A_285 = tpu.memref_squeeze %dma_start3A_284 : memref<1x40x256xf32, #tpu.memory_space<vmem>> -> memref<40x256xf32, #tpu.memory_space<vmem>>
        %dma_start3A_286 = arith.constant 40 : i32
        %dma_start3A_287 = tpu.memref_slice %arg9[%sub3A_129, %dma_start3A_286] : memref<2x80xi32, #tpu.memory_space<vmem>> -> memref<1x40xi32, #tpu.memory_space<vmem>>
        %dma_start3A_288 = tpu.memref_squeeze %dma_start3A_287 : memref<1x40xi32, #tpu.memory_space<vmem>> -> memref<40xi32, #tpu.memory_space<vmem>>
        %dma_start3A_289 = arith.constant 0 : i32
        %dma_start3A_290 = arith.constant 0 : i32
        %dma_start3A_291 = tpu.memref_slice %arg2[%dma_start3A_289, %dma_start3A_290] : memref<10000x256xf32, #tpu.memory_space<hbm>> -> memref<10000x256xf32, #tpu.memory_space<hbm>>
        tpu.enqueue_indirect_dma source(%dma_start3A_291 : memref<10000x256xf32, #tpu.memory_space<hbm>>) target(%dma_start3A_285 : memref<40x256xf32, #tpu.memory_space<vmem>>) offsets(%dma_start3A_288 : memref<40xi32, #tpu.memory_space<vmem>>) semaphore(%arg17 : memref<!tpu.dma_semaphore, #tpu.memory_space<semaphore_mem>>)
        %dma_start3A_292 = arith.constant 0 : i32
        %dma_start3A_293 = tpu.memref_slice %arg10[%sub3A_129, %dma_start3A_292] : memref<2x80xf32, #tpu.memory_space<vmem>> -> memref<1x80xf32, #tpu.memory_space<vmem>>
        %dma_start3A_294 = tpu.memref_squeeze %dma_start3A_293 : memref<1x80xf32, #tpu.memory_space<vmem>> -> memref<80xf32, #tpu.memory_space<vmem>>
        %dma_start3A_295 = tpu.memref_slice %arg5[%multiple_of3A_192] : memref<160000xf32, #tpu.memory_space<hbm>> -> memref<80xf32, #tpu.memory_space<hbm>>
        %dma_start3A_296 = arith.constant 0 : i32
        %dma_start3A_297 = tpu.memref_slice %arg10[%sub3A_129, %dma_start3A_296] : memref<2x80xf32, #tpu.memory_space<vmem>> -> memref<1x80xf32, #tpu.memory_space<vmem>>
        %dma_start3A_298 = tpu.memref_squeeze %dma_start3A_297 : memref<1x80xf32, #tpu.memory_space<vmem>> -> memref<80xf32, #tpu.memory_space<vmem>>
        %dma_start3A_299 = tpu.memref_slice %arg5[%multiple_of3A_192] : memref<160000xf32, #tpu.memory_space<hbm>> -> memref<80xf32, #tpu.memory_space<hbm>>
        tpu.enqueue_dma source(%dma_start3A_299 : memref<80xf32, #tpu.memory_space<hbm>>) target(%dma_start3A_298 : memref<80xf32, #tpu.memory_space<vmem>>) target_semaphore(%arg18 : memref<!tpu.dma_semaphore, #tpu.memory_space<semaphore_mem>>)
      } else {
      }
      %min3A_230 = arith.minsi %add3A_163, %squeeze3A_12 : i32
      %parallel_loop3A = arith.constant 0 : i32
      %parallel_loop3A_231 = arith.constant 5 : i32
      %parallel_loop3A_232 = arith.constant 1 : i32
      scf.for %parallel_loop3A_265 = %parallel_loop3A to %parallel_loop3A_231 step %parallel_loop3A_232  : i32 {
        %parallel_loop3A_266 = arith.constant 16 : i32
        %parallel_loop3A_267 = arith.muli %parallel_loop3A_265, %parallel_loop3A_266 : i32
        %parallel_loop3A_268 = tpu.assume_multiple %parallel_loop3A_267, 16 : i32
        %parallel_loop3A_269 = arith.addi %multiple_of3A_161, %parallel_loop3A_268 : i32
        %parallel_loop3A_270 = tpu.iota {dimensions = array<i32: 0>} : vector<16xi32>
        %parallel_loop3A_271 = vector.broadcast %parallel_loop3A_269 : i32 to vector<16xi32>
        %parallel_loop3A_272 = arith.addi %parallel_loop3A_271, %parallel_loop3A_270 : vector<16xi32>
        %parallel_loop3A_273 = vector.broadcast %add3A_132 : i32 to vector<16xi32>
        %parallel_loop3A_274 = arith.cmpi sge, %parallel_loop3A_272, %parallel_loop3A_273 : vector<16xi32>
        %parallel_loop3A_275 = vector.broadcast %min3A_230 : i32 to vector<16xi32>
        %parallel_loop3A_276 = arith.cmpi slt, %parallel_loop3A_272, %parallel_loop3A_275 : vector<16xi32>
        %parallel_loop3A_277 = arith.andi %parallel_loop3A_274, %parallel_loop3A_276 : vector<16xi1>
        %parallel_loop3A_278 = vector.broadcast %multiple_of3A : i32 to vector<16xi32>
        %parallel_loop3A_279 = arith.constant 256 : i32
        %parallel_loop3A_280 = vector.broadcast %parallel_loop3A_279 : i32 to vector<16xi32>
        %parallel_loop3A_281 = arith.addi %parallel_loop3A_278, %parallel_loop3A_280 : vector<16xi32>
        %parallel_loop3A_282 = vector.broadcast %multiple_of3A : i32 to vector<16xi32>
        %parallel_loop3A_283 = arith.subi %parallel_loop3A_281, %parallel_loop3A_282 : vector<16xi32>
        %parallel_loop3A_284 = arith.constant 335 : i32
        %parallel_loop3A_285 = vector.broadcast %parallel_loop3A_284 : i32 to vector<16xi32>
        %parallel_loop3A_286 = arith.minsi %parallel_loop3A_283, %parallel_loop3A_285 : vector<16xi32>
        %parallel_loop3A_287 = tpu.vector_load_idx %arg8[%parallel_loop3A_286] : memref<336xi32, #tpu.memory_space<vmem>>[vector<16xi32>], vector<16xi32>,
        %parallel_loop3A_288 = arith.cmpi sle, %parallel_loop3A_287, %parallel_loop3A_272 : vector<16xi32>
        %parallel_loop3A_289 = vector.broadcast %add3A_9 : i32 to vector<16xi32>
        %parallel_loop3A_290 = arith.cmpi slt, %parallel_loop3A_281, %parallel_loop3A_289 : vector<16xi32>
        %parallel_loop3A_291 = arith.andi %parallel_loop3A_288, %parallel_loop3A_290 : vector<16xi1>
        %parallel_loop3A_292 = arith.select %parallel_loop3A_291, %parallel_loop3A_281, %parallel_loop3A_278 : vector<16xi1>, vector<16xi32>
        %parallel_loop3A_293 = arith.constant 128 : i32
        %parallel_loop3A_294 = vector.broadcast %parallel_loop3A_293 : i32 to vector<16xi32>
        %parallel_loop3A_295 = arith.addi %parallel_loop3A_292, %parallel_loop3A_294 : vector<16xi32>
        %parallel_loop3A_296 = vector.broadcast %multiple_of3A : i32 to vector<16xi32>
        %parallel_loop3A_297 = arith.subi %parallel_loop3A_295, %parallel_loop3A_296 : vector<16xi32>
        %parallel_loop3A_298 = arith.constant 335 : i32
        %parallel_loop3A_299 = vector.broadcast %parallel_loop3A_298 : i32 to vector<16xi32>
        %parallel_loop3A_300 = arith.minsi %parallel_loop3A_297, %parallel_loop3A_299 : vector<16xi32>
        %parallel_loop3A_301 = tpu.vector_load_idx %arg8[%parallel_loop3A_300] : memref<336xi32, #tpu.memory_space<vmem>>[vector<16xi32>], vector<16xi32>,
        %parallel_loop3A_302 = arith.cmpi sle, %parallel_loop3A_301, %parallel_loop3A_272 : vector<16xi32>
        %parallel_loop3A_303 = vector.broadcast %add3A_9 : i32 to vector<16xi32>
        %parallel_loop3A_304 = arith.cmpi slt, %parallel_loop3A_295, %parallel_loop3A_303 : vector<16xi32>
        %parallel_loop3A_305 = arith.andi %parallel_loop3A_302, %parallel_loop3A_304 : vector<16xi1>
        %parallel_loop3A_306 = arith.select %parallel_loop3A_305, %parallel_loop3A_295, %parallel_loop3A_292 : vector<16xi1>, vector<16xi32>
        %parallel_loop3A_307 = arith.constant 64 : i32
        %parallel_loop3A_308 = vector.broadcast %parallel_loop3A_307 : i32 to vector<16xi32>
        %parallel_loop3A_309 = arith.addi %parallel_loop3A_306, %parallel_loop3A_308 : vector<16xi32>
        %parallel_loop3A_310 = vector.broadcast %multiple_of3A : i32 to vector<16xi32>
        %parallel_loop3A_311 = arith.subi %parallel_loop3A_309, %parallel_loop3A_310 : vector<16xi32>
        %parallel_loop3A_312 = arith.constant 335 : i32
        %parallel_loop3A_313 = vector.broadcast %parallel_loop3A_312 : i32 to vector<16xi32>
        %parallel_loop3A_314 = arith.minsi %parallel_loop3A_311, %parallel_loop3A_313 : vector<16xi32>
        %parallel_loop3A_315 = tpu.vector_load_idx %arg8[%parallel_loop3A_314] : memref<336xi32, #tpu.memory_space<vmem>>[vector<16xi32>], vector<16xi32>,
        %parallel_loop3A_316 = arith.cmpi sle, %parallel_loop3A_315, %parallel_loop3A_272 : vector<16xi32>
        %parallel_loop3A_317 = vector.broadcast %add3A_9 : i32 to vector<16xi32>
        %parallel_loop3A_318 = arith.cmpi slt, %parallel_loop3A_309, %parallel_loop3A_317 : vector<16xi32>
        %parallel_loop3A_319 = arith.andi %parallel_loop3A_316, %parallel_loop3A_318 : vector<16xi1>
        %parallel_loop3A_320 = arith.select %parallel_loop3A_319, %parallel_loop3A_309, %parallel_loop3A_306 : vector<16xi1>, vector<16xi32>
        %parallel_loop3A_321 = arith.constant 32 : i32
        %parallel_loop3A_322 = vector.broadcast %parallel_loop3A_321 : i32 to vector<16xi32>
        %parallel_loop3A_323 = arith.addi %parallel_loop3A_320, %parallel_loop3A_322 : vector<16xi32>
        %parallel_loop3A_324 = vector.broadcast %multiple_of3A : i32 to vector<16xi32>
        %parallel_loop3A_325 = arith.subi %parallel_loop3A_323, %parallel_loop3A_324 : vector<16xi32>
        %parallel_loop3A_326 = arith.constant 335 : i32
        %parallel_loop3A_327 = vector.broadcast %parallel_loop3A_326 : i32 to vector<16xi32>
        %parallel_loop3A_328 = arith.minsi %parallel_loop3A_325, %parallel_loop3A_327 : vector<16xi32>
        %parallel_loop3A_329 = tpu.vector_load_idx %arg8[%parallel_loop3A_328] : memref<336xi32, #tpu.memory_space<vmem>>[vector<16xi32>], vector<16xi32>,
        %parallel_loop3A_330 = arith.cmpi sle, %parallel_loop3A_329, %parallel_loop3A_272 : vector<16xi32>
        %parallel_loop3A_331 = vector.broadcast %add3A_9 : i32 to vector<16xi32>
        %parallel_loop3A_332 = arith.cmpi slt, %parallel_loop3A_323, %parallel_loop3A_331 : vector<16xi32>
        %parallel_loop3A_333 = arith.andi %parallel_loop3A_330, %parallel_loop3A_332 : vector<16xi1>
        %parallel_loop3A_334 = arith.select %parallel_loop3A_333, %parallel_loop3A_323, %parallel_loop3A_320 : vector<16xi1>, vector<16xi32>
        %parallel_loop3A_335 = arith.constant 16 : i32
        %parallel_loop3A_336 = vector.broadcast %parallel_loop3A_335 : i32 to vector<16xi32>
        %parallel_loop3A_337 = arith.addi %parallel_loop3A_334, %parallel_loop3A_336 : vector<16xi32>
        %parallel_loop3A_338 = vector.broadcast %multiple_of3A : i32 to vector<16xi32>
        %parallel_loop3A_339 = arith.subi %parallel_loop3A_337, %parallel_loop3A_338 : vector<16xi32>
        %parallel_loop3A_340 = arith.constant 335 : i32
        %parallel_loop3A_341 = vector.broadcast %parallel_loop3A_340 : i32 to vector<16xi32>
        %parallel_loop3A_342 = arith.minsi %parallel_loop3A_339, %parallel_loop3A_341 : vector<16xi32>
        %parallel_loop3A_343 = tpu.vector_load_idx %arg8[%parallel_loop3A_342] : memref<336xi32, #tpu.memory_space<vmem>>[vector<16xi32>], vector<16xi32>,
        %parallel_loop3A_344 = arith.cmpi sle, %parallel_loop3A_343, %parallel_loop3A_272 : vector<16xi32>
        %parallel_loop3A_345 = vector.broadcast %add3A_9 : i32 to vector<16xi32>
        %parallel_loop3A_346 = arith.cmpi slt, %parallel_loop3A_337, %parallel_loop3A_345 : vector<16xi32>
        %parallel_loop3A_347 = arith.andi %parallel_loop3A_344, %parallel_loop3A_346 : vector<16xi1>
        %parallel_loop3A_348 = arith.select %parallel_loop3A_347, %parallel_loop3A_337, %parallel_loop3A_334 : vector<16xi1>, vector<16xi32>
        %parallel_loop3A_349 = arith.constant 8 : i32
        %parallel_loop3A_350 = vector.broadcast %parallel_loop3A_349 : i32 to vector<16xi32>
        %parallel_loop3A_351 = arith.addi %parallel_loop3A_348, %parallel_loop3A_350 : vector<16xi32>
        %parallel_loop3A_352 = vector.broadcast %multiple_of3A : i32 to vector<16xi32>
        %parallel_loop3A_353 = arith.subi %parallel_loop3A_351, %parallel_loop3A_352 : vector<16xi32>
        %parallel_loop3A_354 = arith.constant 335 : i32
        %parallel_loop3A_355 = vector.broadcast %parallel_loop3A_354 : i32 to vector<16xi32>
        %parallel_loop3A_356 = arith.minsi %parallel_loop3A_353, %parallel_loop3A_355 : vector<16xi32>
        %parallel_loop3A_357 = tpu.vector_load_idx %arg8[%parallel_loop3A_356] : memref<336xi32, #tpu.memory_space<vmem>>[vector<16xi32>], vector<16xi32>,
        %parallel_loop3A_358 = arith.cmpi sle, %parallel_loop3A_357, %parallel_loop3A_272 : vector<16xi32>
        %parallel_loop3A_359 = vector.broadcast %add3A_9 : i32 to vector<16xi32>
        %parallel_loop3A_360 = arith.cmpi slt, %parallel_loop3A_351, %parallel_loop3A_359 : vector<16xi32>
        %parallel_loop3A_361 = arith.andi %parallel_loop3A_358, %parallel_loop3A_360 : vector<16xi1>
        %parallel_loop3A_362 = arith.select %parallel_loop3A_361, %parallel_loop3A_351, %parallel_loop3A_348 : vector<16xi1>, vector<16xi32>
        %parallel_loop3A_363 = arith.constant 4 : i32
        %parallel_loop3A_364 = vector.broadcast %parallel_loop3A_363 : i32 to vector<16xi32>
        %parallel_loop3A_365 = arith.addi %parallel_loop3A_362, %parallel_loop3A_364 : vector<16xi32>
        %parallel_loop3A_366 = vector.broadcast %multiple_of3A : i32 to vector<16xi32>
        %parallel_loop3A_367 = arith.subi %parallel_loop3A_365, %parallel_loop3A_366 : vector<16xi32>
        %parallel_loop3A_368 = arith.constant 335 : i32
        %parallel_loop3A_369 = vector.broadcast %parallel_loop3A_368 : i32 to vector<16xi32>
        %parallel_loop3A_370 = arith.minsi %parallel_loop3A_367, %parallel_loop3A_369 : vector<16xi32>
        %parallel_loop3A_371 = tpu.vector_load_idx %arg8[%parallel_loop3A_370] : memref<336xi32, #tpu.memory_space<vmem>>[vector<16xi32>], vector<16xi32>,
        %parallel_loop3A_372 = arith.cmpi sle, %parallel_loop3A_371, %parallel_loop3A_272 : vector<16xi32>
        %parallel_loop3A_373 = vector.broadcast %add3A_9 : i32 to vector<16xi32>
        %parallel_loop3A_374 = arith.cmpi slt, %parallel_loop3A_365, %parallel_loop3A_373 : vector<16xi32>
        %parallel_loop3A_375 = arith.andi %parallel_loop3A_372, %parallel_loop3A_374 : vector<16xi1>
        %parallel_loop3A_376 = arith.select %parallel_loop3A_375, %parallel_loop3A_365, %parallel_loop3A_362 : vector<16xi1>, vector<16xi32>
        %parallel_loop3A_377 = arith.constant 2 : i32
        %parallel_loop3A_378 = vector.broadcast %parallel_loop3A_377 : i32 to vector<16xi32>
        %parallel_loop3A_379 = arith.addi %parallel_loop3A_376, %parallel_loop3A_378 : vector<16xi32>
        %parallel_loop3A_380 = vector.broadcast %multiple_of3A : i32 to vector<16xi32>
        %parallel_loop3A_381 = arith.subi %parallel_loop3A_379, %parallel_loop3A_380 : vector<16xi32>
        %parallel_loop3A_382 = arith.constant 335 : i32
        %parallel_loop3A_383 = vector.broadcast %parallel_loop3A_382 : i32 to vector<16xi32>
        %parallel_loop3A_384 = arith.minsi %parallel_loop3A_381, %parallel_loop3A_383 : vector<16xi32>
        %parallel_loop3A_385 = tpu.vector_load_idx %arg8[%parallel_loop3A_384] : memref<336xi32, #tpu.memory_space<vmem>>[vector<16xi32>], vector<16xi32>,
        %parallel_loop3A_386 = arith.cmpi sle, %parallel_loop3A_385, %parallel_loop3A_272 : vector<16xi32>
        %parallel_loop3A_387 = vector.broadcast %add3A_9 : i32 to vector<16xi32>
        %parallel_loop3A_388 = arith.cmpi slt, %parallel_loop3A_379, %parallel_loop3A_387 : vector<16xi32>
        %parallel_loop3A_389 = arith.andi %parallel_loop3A_386, %parallel_loop3A_388 : vector<16xi1>
        %parallel_loop3A_390 = arith.select %parallel_loop3A_389, %parallel_loop3A_379, %parallel_loop3A_376 : vector<16xi1>, vector<16xi32>
        %parallel_loop3A_391 = arith.constant 1 : i32
        %parallel_loop3A_392 = vector.broadcast %parallel_loop3A_391 : i32 to vector<16xi32>
        %parallel_loop3A_393 = arith.addi %parallel_loop3A_390, %parallel_loop3A_392 : vector<16xi32>
        %parallel_loop3A_394 = vector.broadcast %multiple_of3A : i32 to vector<16xi32>
        %parallel_loop3A_395 = arith.subi %parallel_loop3A_393, %parallel_loop3A_394 : vector<16xi32>
        %parallel_loop3A_396 = arith.constant 335 : i32
        %parallel_loop3A_397 = vector.broadcast %parallel_loop3A_396 : i32 to vector<16xi32>
        %parallel_loop3A_398 = arith.minsi %parallel_loop3A_395, %parallel_loop3A_397 : vector<16xi32>
        %parallel_loop3A_399 = tpu.vector_load_idx %arg8[%parallel_loop3A_398] : memref<336xi32, #tpu.memory_space<vmem>>[vector<16xi32>], vector<16xi32>,
        %parallel_loop3A_400 = arith.cmpi sle, %parallel_loop3A_399, %parallel_loop3A_272 : vector<16xi32>
        %parallel_loop3A_401 = vector.broadcast %add3A_9 : i32 to vector<16xi32>
        %parallel_loop3A_402 = arith.cmpi slt, %parallel_loop3A_393, %parallel_loop3A_401 : vector<16xi32>
        %parallel_loop3A_403 = arith.andi %parallel_loop3A_400, %parallel_loop3A_402 : vector<16xi1>
        %parallel_loop3A_404 = arith.select %parallel_loop3A_403, %parallel_loop3A_393, %parallel_loop3A_390 : vector<16xi1>, vector<16xi32>
        %parallel_loop3A_405 = vector.broadcast %multiple_of3A : i32 to vector<16xi32>
        %parallel_loop3A_406 = arith.subi %parallel_loop3A_404, %parallel_loop3A_405 : vector<16xi32>
        %parallel_loop3A_407 = arith.index_cast %parallel_loop3A_268 : i32 to index
        %parallel_loop3A_408 = tpu.vector_load %arg11[%parallel_loop3A_407] {strides = array<i32>} : memref<80xi32, #tpu.memory_space<vmem>>, vector<16xi32>,
        tpu.vector_store %arg11[%parallel_loop3A_407], %parallel_loop3A_406 {strides = array<i32>} : memref<80xi32, #tpu.memory_space<vmem>>, vector<16xi32>,
        %parallel_loop3A_409 = arith.index_cast %rem3A_127 : i32 to index
        %parallel_loop3A_410 = arith.index_cast %parallel_loop3A_268 : i32 to index
        %parallel_loop3A_411 = tpu.vector_load %arg10[%parallel_loop3A_409, %parallel_loop3A_410] {strides = array<i32>} : memref<2x80xf32, #tpu.memory_space<vmem>>, vector<16xf32>,
        %parallel_loop3A_412 = arith.constant 0.000000e+00 : f32
        %parallel_loop3A_413 = vector.broadcast %parallel_loop3A_412 : f32 to vector<16xf32>
        %parallel_loop3A_414 = arith.select %parallel_loop3A_277, %parallel_loop3A_411, %parallel_loop3A_413 : vector<16xi1>, vector<16xf32>
        %parallel_loop3A_415 = arith.index_cast %rem3A_127 : i32 to index
        %parallel_loop3A_416 = arith.index_cast %parallel_loop3A_268 : i32 to index
        %parallel_loop3A_417 = tpu.vector_load %arg10[%parallel_loop3A_415, %parallel_loop3A_416] {strides = array<i32>} : memref<2x80xf32, #tpu.memory_space<vmem>>, vector<16xf32>,
        tpu.vector_store %arg10[%parallel_loop3A_415, %parallel_loop3A_416], %parallel_loop3A_414 {strides = array<i32>} : memref<2x80xf32, #tpu.memory_space<vmem>>, vector<16xf32>,
      } {sc.loop_unroll_factor = 5 : i64, sc.parallel_access}
      %dma_wait3A = arith.constant 0 : i32
      %dma_wait3A_233 = arith.constant 0 : i32
      %dma_wait3A_234 = tpu.memref_slice %arg12[%rem3A_127, %dma_wait3A, %dma_wait3A_233] : memref<2x80x256xf32, #tpu.memory_space<vmem>> -> memref<1x40x256xf32, #tpu.memory_space<vmem>>
      %dma_wait3A_235 = tpu.memref_squeeze %dma_wait3A_234 : memref<1x40x256xf32, #tpu.memory_space<vmem>> -> memref<40x256xf32, #tpu.memory_space<vmem>>
      %dma_wait3A_236 = arith.constant 0 : i32
      %dma_wait3A_237 = tpu.memref_slice %arg9[%rem3A_127, %dma_wait3A_236] : memref<2x80xi32, #tpu.memory_space<vmem>> -> memref<1x40xi32, #tpu.memory_space<vmem>>
      %dma_wait3A_238 = tpu.memref_squeeze %dma_wait3A_237 : memref<1x40xi32, #tpu.memory_space<vmem>> -> memref<40xi32, #tpu.memory_space<vmem>>
      %dma_wait3A_239 = arith.constant 0 : i32
      %dma_wait3A_240 = arith.constant 0 : i32
      %dma_wait3A_241 = tpu.memref_slice %arg2[%dma_wait3A_239, %dma_wait3A_240] : memref<10000x256xf32, #tpu.memory_space<hbm>> -> memref<10000x256xf32, #tpu.memory_space<hbm>>
      tpu.wait_indirect_dma semaphore(%arg16 : memref<!tpu.dma_semaphore, #tpu.memory_space<semaphore_mem>>) src(%dma_wait3A_241 : memref<10000x256xf32, #tpu.memory_space<hbm>>) dst(%dma_wait3A_235 : memref<40x256xf32, #tpu.memory_space<vmem>>)
      %dma_wait3A_242 = arith.constant 40 : i32
      %dma_wait3A_243 = arith.constant 0 : i32
      %dma_wait3A_244 = tpu.memref_slice %arg12[%rem3A_127, %dma_wait3A_242, %dma_wait3A_243] : memref<2x80x256xf32, #tpu.memory_space<vmem>> -> memref<1x40x256xf32, #tpu.memory_space<vmem>>
      %dma_wait3A_245 = tpu.memref_squeeze %dma_wait3A_244 : memref<1x40x256xf32, #tpu.memory_space<vmem>> -> memref<40x256xf32, #tpu.memory_space<vmem>>
      %dma_wait3A_246 = arith.constant 40 : i32
      %dma_wait3A_247 = tpu.memref_slice %arg9[%rem3A_127, %dma_wait3A_246] : memref<2x80xi32, #tpu.memory_space<vmem>> -> memref<1x40xi32, #tpu.memory_space<vmem>>
      %dma_wait3A_248 = tpu.memref_squeeze %dma_wait3A_247 : memref<1x40xi32, #tpu.memory_space<vmem>> -> memref<40xi32, #tpu.memory_space<vmem>>
      %dma_wait3A_249 = arith.constant 0 : i32
      %dma_wait3A_250 = arith.constant 0 : i32
      %dma_wait3A_251 = tpu.memref_slice %arg2[%dma_wait3A_249, %dma_wait3A_250] : memref<10000x256xf32, #tpu.memory_space<hbm>> -> memref<10000x256xf32, #tpu.memory_space<hbm>>
      tpu.wait_indirect_dma semaphore(%arg17 : memref<!tpu.dma_semaphore, #tpu.memory_space<semaphore_mem>>) src(%dma_wait3A_251 : memref<10000x256xf32, #tpu.memory_space<hbm>>) dst(%dma_wait3A_245 : memref<40x256xf32, #tpu.memory_space<vmem>>)
      %add3A_252 = arith.constant 2 : i32
      %add3A_253 = arith.addi %while3A_125, %add3A_252 : i32
      %lt3A_254 = arith.cmpi slt, %add3A_253, %select_n3A_72 : i32
      %convert_element_type3A_255 = arith.extui %lt3A_254 : i1 to i32
      %cond3A_256 = arith.constant 0 : i32
      %cond3A_257 = arith.cmpi ne, %convert_element_type3A_255, %cond3A_256 : i32
      scf.if %cond3A_257 {
        %dma_start3A = arith.constant 0 : i32
        %dma_start3A_265 = tpu.memref_slice %arg9[%rem3A_127, %dma_start3A] : memref<2x80xi32, #tpu.memory_space<vmem>> -> memref<1x80xi32, #tpu.memory_space<vmem>>
        %dma_start3A_266 = tpu.memref_squeeze %dma_start3A_265 : memref<1x80xi32, #tpu.memory_space<vmem>> -> memref<80xi32, #tpu.memory_space<vmem>>
        %dma_start3A_267 = tpu.memref_slice %arg4[%multiple_of3A_223] : memref<160000xi32, #tpu.memory_space<hbm>> -> memref<80xi32, #tpu.memory_space<hbm>>
        %dma_start3A_268 = arith.constant 0 : i32
        %dma_start3A_269 = tpu.memref_slice %arg9[%rem3A_127, %dma_start3A_268] : memref<2x80xi32, #tpu.memory_space<vmem>> -> memref<1x80xi32, #tpu.memory_space<vmem>>
        %dma_start3A_270 = tpu.memref_squeeze %dma_start3A_269 : memref<1x80xi32, #tpu.memory_space<vmem>> -> memref<80xi32, #tpu.memory_space<vmem>>
        %dma_start3A_271 = tpu.memref_slice %arg4[%multiple_of3A_223] : memref<160000xi32, #tpu.memory_space<hbm>> -> memref<80xi32, #tpu.memory_space<hbm>>
        tpu.enqueue_dma source(%dma_start3A_271 : memref<80xi32, #tpu.memory_space<hbm>>) target(%dma_start3A_270 : memref<80xi32, #tpu.memory_space<vmem>>) target_semaphore(%arg15 : memref<!tpu.dma_semaphore, #tpu.memory_space<semaphore_mem>>)
      } else {
      }
      %iota3A = tpu.iota {dimensions = array<i32: 0>} : vector<16xi32>
      %broadcast_in_dim3A_258 = vector.broadcast %rem3A_127 : i32 to vector<16xi32>
      %parallel_loop3A_259 = arith.constant 0 : i32
      %parallel_loop3A_260 = arith.constant 80 : i32
      %parallel_loop3A_261 = arith.constant 1 : i32
      scf.for %parallel_loop3A_265 = %parallel_loop3A_259 to %parallel_loop3A_260 step %parallel_loop3A_261  : i32 {
        %parallel_loop3A_266 = vector.broadcast %parallel_loop3A_265 : i32 to vector<16xi32>
        %parallel_loop3A_267 = tpu.vector_load_idx %arg11[%parallel_loop3A_266] : memref<80xi32, #tpu.memory_space<vmem>>[vector<16xi32>], vector<16xi32>,
        %parallel_loop3A_268 = tpu.vector_load_idx %arg10[%broadcast_in_dim3A_258, %parallel_loop3A_266] : memref<2x80xf32, #tpu.memory_space<vmem>>[vector<16xi32>, vector<16xi32>], vector<16xf32>,
        %parallel_loop3A_269 = arith.constant 0 : i32
        %parallel_loop3A_270 = vector.broadcast %parallel_loop3A_269 : i32 to vector<16xi32>
        %parallel_loop3A_271 = arith.addi %iota3A, %parallel_loop3A_270 : vector<16xi32>
        %parallel_loop3A_272 = arith.index_cast %rem3A_127 : i32 to index
        %parallel_loop3A_273 = arith.index_cast %parallel_loop3A_265 : i32 to index
        %parallel_loop3A_274 = arith.constant 0 : index
        %parallel_loop3A_275 = tpu.vector_load %arg12[%parallel_loop3A_272, %parallel_loop3A_273, %parallel_loop3A_274] {strides = array<i32>} : memref<2x80x256xf32, #tpu.memory_space<vmem>>, vector<16xf32>,
        %parallel_loop3A_276 = arith.mulf %parallel_loop3A_275, %parallel_loop3A_268 : vector<16xf32>
        tpu.vector_store_idx %arg14[%parallel_loop3A_267, %parallel_loop3A_271], %parallel_loop3A_276 {add = true} : memref<320x256xf32, #tpu.memory_space<vmem>>[vector<16xi32>, vector<16xi32>], vector<16xf32>,
        %parallel_loop3A_277 = arith.constant 16 : i32
        %parallel_loop3A_278 = vector.broadcast %parallel_loop3A_277 : i32 to vector<16xi32>
        %parallel_loop3A_279 = arith.addi %iota3A, %parallel_loop3A_278 : vector<16xi32>
        %parallel_loop3A_280 = arith.index_cast %rem3A_127 : i32 to index
        %parallel_loop3A_281 = arith.index_cast %parallel_loop3A_265 : i32 to index
        %parallel_loop3A_282 = arith.constant 16 : index
        %parallel_loop3A_283 = tpu.vector_load %arg12[%parallel_loop3A_280, %parallel_loop3A_281, %parallel_loop3A_282] {strides = array<i32>} : memref<2x80x256xf32, #tpu.memory_space<vmem>>, vector<16xf32>,
        %parallel_loop3A_284 = arith.mulf %parallel_loop3A_283, %parallel_loop3A_268 : vector<16xf32>
        tpu.vector_store_idx %arg14[%parallel_loop3A_267, %parallel_loop3A_279], %parallel_loop3A_284 {add = true} : memref<320x256xf32, #tpu.memory_space<vmem>>[vector<16xi32>, vector<16xi32>], vector<16xf32>,
        %parallel_loop3A_285 = arith.constant 32 : i32
        %parallel_loop3A_286 = vector.broadcast %parallel_loop3A_285 : i32 to vector<16xi32>
        %parallel_loop3A_287 = arith.addi %iota3A, %parallel_loop3A_286 : vector<16xi32>
        %parallel_loop3A_288 = arith.index_cast %rem3A_127 : i32 to index
        %parallel_loop3A_289 = arith.index_cast %parallel_loop3A_265 : i32 to index
        %parallel_loop3A_290 = arith.constant 32 : index
        %parallel_loop3A_291 = tpu.vector_load %arg12[%parallel_loop3A_288, %parallel_loop3A_289, %parallel_loop3A_290] {strides = array<i32>} : memref<2x80x256xf32, #tpu.memory_space<vmem>>, vector<16xf32>,
        %parallel_loop3A_292 = arith.mulf %parallel_loop3A_291, %parallel_loop3A_268 : vector<16xf32>
        tpu.vector_store_idx %arg14[%parallel_loop3A_267, %parallel_loop3A_287], %parallel_loop3A_292 {add = true} : memref<320x256xf32, #tpu.memory_space<vmem>>[vector<16xi32>, vector<16xi32>], vector<16xf32>,
        %parallel_loop3A_293 = arith.constant 48 : i32
        %parallel_loop3A_294 = vector.broadcast %parallel_loop3A_293 : i32 to vector<16xi32>
        %parallel_loop3A_295 = arith.addi %iota3A, %parallel_loop3A_294 : vector<16xi32>
        %parallel_loop3A_296 = arith.index_cast %rem3A_127 : i32 to index
        %parallel_loop3A_297 = arith.index_cast %parallel_loop3A_265 : i32 to index
        %parallel_loop3A_298 = arith.constant 48 : index
        %parallel_loop3A_299 = tpu.vector_load %arg12[%parallel_loop3A_296, %parallel_loop3A_297, %parallel_loop3A_298] {strides = array<i32>} : memref<2x80x256xf32, #tpu.memory_space<vmem>>, vector<16xf32>,
        %parallel_loop3A_300 = arith.mulf %parallel_loop3A_299, %parallel_loop3A_268 : vector<16xf32>
        tpu.vector_store_idx %arg14[%parallel_loop3A_267, %parallel_loop3A_295], %parallel_loop3A_300 {add = true} : memref<320x256xf32, #tpu.memory_space<vmem>>[vector<16xi32>, vector<16xi32>], vector<16xf32>,
        %parallel_loop3A_301 = arith.constant 64 : i32
        %parallel_loop3A_302 = vector.broadcast %parallel_loop3A_301 : i32 to vector<16xi32>
        %parallel_loop3A_303 = arith.addi %iota3A, %parallel_loop3A_302 : vector<16xi32>
        %parallel_loop3A_304 = arith.index_cast %rem3A_127 : i32 to index
        %parallel_loop3A_305 = arith.index_cast %parallel_loop3A_265 : i32 to index
        %parallel_loop3A_306 = arith.constant 64 : index
        %parallel_loop3A_307 = tpu.vector_load %arg12[%parallel_loop3A_304, %parallel_loop3A_305, %parallel_loop3A_306] {strides = array<i32>} : memref<2x80x256xf32, #tpu.memory_space<vmem>>, vector<16xf32>,
        %parallel_loop3A_308 = arith.mulf %parallel_loop3A_307, %parallel_loop3A_268 : vector<16xf32>
        tpu.vector_store_idx %arg14[%parallel_loop3A_267, %parallel_loop3A_303], %parallel_loop3A_308 {add = true} : memref<320x256xf32, #tpu.memory_space<vmem>>[vector<16xi32>, vector<16xi32>], vector<16xf32>,
        %parallel_loop3A_309 = arith.constant 80 : i32
        %parallel_loop3A_310 = vector.broadcast %parallel_loop3A_309 : i32 to vector<16xi32>
        %parallel_loop3A_311 = arith.addi %iota3A, %parallel_loop3A_310 : vector<16xi32>
        %parallel_loop3A_312 = arith.index_cast %rem3A_127 : i32 to index
        %parallel_loop3A_313 = arith.index_cast %parallel_loop3A_265 : i32 to index
        %parallel_loop3A_314 = arith.constant 80 : index
        %parallel_loop3A_315 = tpu.vector_load %arg12[%parallel_loop3A_312, %parallel_loop3A_313, %parallel_loop3A_314] {strides = array<i32>} : memref<2x80x256xf32, #tpu.memory_space<vmem>>, vector<16xf32>,
        %parallel_loop3A_316 = arith.mulf %parallel_loop3A_315, %parallel_loop3A_268 : vector<16xf32>
        tpu.vector_store_idx %arg14[%parallel_loop3A_267, %parallel_loop3A_311], %parallel_loop3A_316 {add = true} : memref<320x256xf32, #tpu.memory_space<vmem>>[vector<16xi32>, vector<16xi32>], vector<16xf32>,
        %parallel_loop3A_317 = arith.constant 96 : i32
        %parallel_loop3A_318 = vector.broadcast %parallel_loop3A_317 : i32 to vector<16xi32>
        %parallel_loop3A_319 = arith.addi %iota3A, %parallel_loop3A_318 : vector<16xi32>
        %parallel_loop3A_320 = arith.index_cast %rem3A_127 : i32 to index
        %parallel_loop3A_321 = arith.index_cast %parallel_loop3A_265 : i32 to index
        %parallel_loop3A_322 = arith.constant 96 : index
        %parallel_loop3A_323 = tpu.vector_load %arg12[%parallel_loop3A_320, %parallel_loop3A_321, %parallel_loop3A_322] {strides = array<i32>} : memref<2x80x256xf32, #tpu.memory_space<vmem>>, vector<16xf32>,
        %parallel_loop3A_324 = arith.mulf %parallel_loop3A_323, %parallel_loop3A_268 : vector<16xf32>
        tpu.vector_store_idx %arg14[%parallel_loop3A_267, %parallel_loop3A_319], %parallel_loop3A_324 {add = true} : memref<320x256xf32, #tpu.memory_space<vmem>>[vector<16xi32>, vector<16xi32>], vector<16xf32>,
        %parallel_loop3A_325 = arith.constant 112 : i32
        %parallel_loop3A_326 = vector.broadcast %parallel_loop3A_325 : i32 to vector<16xi32>
        %parallel_loop3A_327 = arith.addi %iota3A, %parallel_loop3A_326 : vector<16xi32>
        %parallel_loop3A_328 = arith.index_cast %rem3A_127 : i32 to index
        %parallel_loop3A_329 = arith.index_cast %parallel_loop3A_265 : i32 to index
        %parallel_loop3A_330 = arith.constant 112 : index
        %parallel_loop3A_331 = tpu.vector_load %arg12[%parallel_loop3A_328, %parallel_loop3A_329, %parallel_loop3A_330] {strides = array<i32>} : memref<2x80x256xf32, #tpu.memory_space<vmem>>, vector<16xf32>,
        %parallel_loop3A_332 = arith.mulf %parallel_loop3A_331, %parallel_loop3A_268 : vector<16xf32>
        tpu.vector_store_idx %arg14[%parallel_loop3A_267, %parallel_loop3A_327], %parallel_loop3A_332 {add = true} : memref<320x256xf32, #tpu.memory_space<vmem>>[vector<16xi32>, vector<16xi32>], vector<16xf32>,
        %parallel_loop3A_333 = arith.constant 128 : i32
        %parallel_loop3A_334 = vector.broadcast %parallel_loop3A_333 : i32 to vector<16xi32>
        %parallel_loop3A_335 = arith.addi %iota3A, %parallel_loop3A_334 : vector<16xi32>
        %parallel_loop3A_336 = arith.index_cast %rem3A_127 : i32 to index
        %parallel_loop3A_337 = arith.index_cast %parallel_loop3A_265 : i32 to index
        %parallel_loop3A_338 = arith.constant 128 : index
        %parallel_loop3A_339 = tpu.vector_load %arg12[%parallel_loop3A_336, %parallel_loop3A_337, %parallel_loop3A_338] {strides = array<i32>} : memref<2x80x256xf32, #tpu.memory_space<vmem>>, vector<16xf32>,
        %parallel_loop3A_340 = arith.mulf %parallel_loop3A_339, %parallel_loop3A_268 : vector<16xf32>
        tpu.vector_store_idx %arg14[%parallel_loop3A_267, %parallel_loop3A_335], %parallel_loop3A_340 {add = true} : memref<320x256xf32, #tpu.memory_space<vmem>>[vector<16xi32>, vector<16xi32>], vector<16xf32>,
        %parallel_loop3A_341 = arith.constant 144 : i32
        %parallel_loop3A_342 = vector.broadcast %parallel_loop3A_341 : i32 to vector<16xi32>
        %parallel_loop3A_343 = arith.addi %iota3A, %parallel_loop3A_342 : vector<16xi32>
        %parallel_loop3A_344 = arith.index_cast %rem3A_127 : i32 to index
        %parallel_loop3A_345 = arith.index_cast %parallel_loop3A_265 : i32 to index
        %parallel_loop3A_346 = arith.constant 144 : index
        %parallel_loop3A_347 = tpu.vector_load %arg12[%parallel_loop3A_344, %parallel_loop3A_345, %parallel_loop3A_346] {strides = array<i32>} : memref<2x80x256xf32, #tpu.memory_space<vmem>>, vector<16xf32>,
        %parallel_loop3A_348 = arith.mulf %parallel_loop3A_347, %parallel_loop3A_268 : vector<16xf32>
        tpu.vector_store_idx %arg14[%parallel_loop3A_267, %parallel_loop3A_343], %parallel_loop3A_348 {add = true} : memref<320x256xf32, #tpu.memory_space<vmem>>[vector<16xi32>, vector<16xi32>], vector<16xf32>,
        %parallel_loop3A_349 = arith.constant 160 : i32
        %parallel_loop3A_350 = vector.broadcast %parallel_loop3A_349 : i32 to vector<16xi32>
        %parallel_loop3A_351 = arith.addi %iota3A, %parallel_loop3A_350 : vector<16xi32>
        %parallel_loop3A_352 = arith.index_cast %rem3A_127 : i32 to index
        %parallel_loop3A_353 = arith.index_cast %parallel_loop3A_265 : i32 to index
        %parallel_loop3A_354 = arith.constant 160 : index
        %parallel_loop3A_355 = tpu.vector_load %arg12[%parallel_loop3A_352, %parallel_loop3A_353, %parallel_loop3A_354] {strides = array<i32>} : memref<2x80x256xf32, #tpu.memory_space<vmem>>, vector<16xf32>,
        %parallel_loop3A_356 = arith.mulf %parallel_loop3A_355, %parallel_loop3A_268 : vector<16xf32>
        tpu.vector_store_idx %arg14[%parallel_loop3A_267, %parallel_loop3A_351], %parallel_loop3A_356 {add = true} : memref<320x256xf32, #tpu.memory_space<vmem>>[vector<16xi32>, vector<16xi32>], vector<16xf32>,
        %parallel_loop3A_357 = arith.constant 176 : i32
        %parallel_loop3A_358 = vector.broadcast %parallel_loop3A_357 : i32 to vector<16xi32>
        %parallel_loop3A_359 = arith.addi %iota3A, %parallel_loop3A_358 : vector<16xi32>
        %parallel_loop3A_360 = arith.index_cast %rem3A_127 : i32 to index
        %parallel_loop3A_361 = arith.index_cast %parallel_loop3A_265 : i32 to index
        %parallel_loop3A_362 = arith.constant 176 : index
        %parallel_loop3A_363 = tpu.vector_load %arg12[%parallel_loop3A_360, %parallel_loop3A_361, %parallel_loop3A_362] {strides = array<i32>} : memref<2x80x256xf32, #tpu.memory_space<vmem>>, vector<16xf32>,
        %parallel_loop3A_364 = arith.mulf %parallel_loop3A_363, %parallel_loop3A_268 : vector<16xf32>
        tpu.vector_store_idx %arg14[%parallel_loop3A_267, %parallel_loop3A_359], %parallel_loop3A_364 {add = true} : memref<320x256xf32, #tpu.memory_space<vmem>>[vector<16xi32>, vector<16xi32>], vector<16xf32>,
        %parallel_loop3A_365 = arith.constant 192 : i32
        %parallel_loop3A_366 = vector.broadcast %parallel_loop3A_365 : i32 to vector<16xi32>
        %parallel_loop3A_367 = arith.addi %iota3A, %parallel_loop3A_366 : vector<16xi32>
        %parallel_loop3A_368 = arith.index_cast %rem3A_127 : i32 to index
        %parallel_loop3A_369 = arith.index_cast %parallel_loop3A_265 : i32 to index
        %parallel_loop3A_370 = arith.constant 192 : index
        %parallel_loop3A_371 = tpu.vector_load %arg12[%parallel_loop3A_368, %parallel_loop3A_369, %parallel_loop3A_370] {strides = array<i32>} : memref<2x80x256xf32, #tpu.memory_space<vmem>>, vector<16xf32>,
        %parallel_loop3A_372 = arith.mulf %parallel_loop3A_371, %parallel_loop3A_268 : vector<16xf32>
        tpu.vector_store_idx %arg14[%parallel_loop3A_267, %parallel_loop3A_367], %parallel_loop3A_372 {add = true} : memref<320x256xf32, #tpu.memory_space<vmem>>[vector<16xi32>, vector<16xi32>], vector<16xf32>,
        %parallel_loop3A_373 = arith.constant 208 : i32
        %parallel_loop3A_374 = vector.broadcast %parallel_loop3A_373 : i32 to vector<16xi32>
        %parallel_loop3A_375 = arith.addi %iota3A, %parallel_loop3A_374 : vector<16xi32>
        %parallel_loop3A_376 = arith.index_cast %rem3A_127 : i32 to index
        %parallel_loop3A_377 = arith.index_cast %parallel_loop3A_265 : i32 to index
        %parallel_loop3A_378 = arith.constant 208 : index
        %parallel_loop3A_379 = tpu.vector_load %arg12[%parallel_loop3A_376, %parallel_loop3A_377, %parallel_loop3A_378] {strides = array<i32>} : memref<2x80x256xf32, #tpu.memory_space<vmem>>, vector<16xf32>,
        %parallel_loop3A_380 = arith.mulf %parallel_loop3A_379, %parallel_loop3A_268 : vector<16xf32>
        tpu.vector_store_idx %arg14[%parallel_loop3A_267, %parallel_loop3A_375], %parallel_loop3A_380 {add = true} : memref<320x256xf32, #tpu.memory_space<vmem>>[vector<16xi32>, vector<16xi32>], vector<16xf32>,
        %parallel_loop3A_381 = arith.constant 224 : i32
        %parallel_loop3A_382 = vector.broadcast %parallel_loop3A_381 : i32 to vector<16xi32>
        %parallel_loop3A_383 = arith.addi %iota3A, %parallel_loop3A_382 : vector<16xi32>
        %parallel_loop3A_384 = arith.index_cast %rem3A_127 : i32 to index
        %parallel_loop3A_385 = arith.index_cast %parallel_loop3A_265 : i32 to index
        %parallel_loop3A_386 = arith.constant 224 : index
        %parallel_loop3A_387 = tpu.vector_load %arg12[%parallel_loop3A_384, %parallel_loop3A_385, %parallel_loop3A_386] {strides = array<i32>} : memref<2x80x256xf32, #tpu.memory_space<vmem>>, vector<16xf32>,
        %parallel_loop3A_388 = arith.mulf %parallel_loop3A_387, %parallel_loop3A_268 : vector<16xf32>
        tpu.vector_store_idx %arg14[%parallel_loop3A_267, %parallel_loop3A_383], %parallel_loop3A_388 {add = true} : memref<320x256xf32, #tpu.memory_space<vmem>>[vector<16xi32>, vector<16xi32>], vector<16xf32>,
        %parallel_loop3A_389 = arith.constant 240 : i32
        %parallel_loop3A_390 = vector.broadcast %parallel_loop3A_389 : i32 to vector<16xi32>
        %parallel_loop3A_391 = arith.addi %iota3A, %parallel_loop3A_390 : vector<16xi32>
        %parallel_loop3A_392 = arith.index_cast %rem3A_127 : i32 to index
        %parallel_loop3A_393 = arith.index_cast %parallel_loop3A_265 : i32 to index
        %parallel_loop3A_394 = arith.constant 240 : index
        %parallel_loop3A_395 = tpu.vector_load %arg12[%parallel_loop3A_392, %parallel_loop3A_393, %parallel_loop3A_394] {strides = array<i32>} : memref<2x80x256xf32, #tpu.memory_space<vmem>>, vector<16xf32>,
        %parallel_loop3A_396 = arith.mulf %parallel_loop3A_395, %parallel_loop3A_268 : vector<16xf32>
        tpu.vector_store_idx %arg14[%parallel_loop3A_267, %parallel_loop3A_391], %parallel_loop3A_396 {add = true} : memref<320x256xf32, #tpu.memory_space<vmem>>[vector<16xi32>, vector<16xi32>], vector<16xf32>,
      } {sc.loop_unroll_factor = 4 : i64, sc.parallel_access}
      %convert_element_type3A_262 = arith.extui %lt3A_226 : i1 to i32
      %cond3A_263 = arith.constant 0 : i32
      %cond3A_264 = arith.cmpi ne, %convert_element_type3A_262, %cond3A_263 : i32
      scf.if %cond3A_264 {
        %dma_wait3A_265 = arith.constant 0 : i32
        %dma_wait3A_266 = tpu.memref_slice %arg10[%sub3A_129, %dma_wait3A_265] : memref<2x80xf32, #tpu.memory_space<vmem>> -> memref<1x80xf32, #tpu.memory_space<vmem>>
        %dma_wait3A_267 = tpu.memref_squeeze %dma_wait3A_266 : memref<1x80xf32, #tpu.memory_space<vmem>> -> memref<80xf32, #tpu.memory_space<vmem>>
        %dma_wait3A_268 = tpu.memref_slice %arg5[%multiple_of3A_192] : memref<160000xf32, #tpu.memory_space<hbm>> -> memref<80xf32, #tpu.memory_space<hbm>>
        %dma_wait3A_269 = arith.constant 0 : i32
        %dma_wait3A_270 = tpu.memref_slice %arg10[%sub3A_129, %dma_wait3A_269] : memref<2x80xf32, #tpu.memory_space<vmem>> -> memref<1x80xf32, #tpu.memory_space<vmem>>
        %dma_wait3A_271 = tpu.memref_squeeze %dma_wait3A_270 : memref<1x80xf32, #tpu.memory_space<vmem>> -> memref<80xf32, #tpu.memory_space<vmem>>
        %dma_wait3A_272 = tpu.memref_slice %arg5[%multiple_of3A_192] : memref<160000xf32, #tpu.memory_space<hbm>> -> memref<80xf32, #tpu.memory_space<hbm>>
        tpu.wait_dma2 semaphore(%arg18 : memref<!tpu.dma_semaphore, #tpu.memory_space<semaphore_mem>>) src(%dma_wait3A_272 : memref<80xf32, #tpu.memory_space<hbm>>) dst(%dma_wait3A_271 : memref<80xf32, #tpu.memory_space<vmem>>)
      } else {
      }
    }
    %add3A_89 = arith.constant 15 : i32
    %add3A_90 = arith.addi %select_n3A, %add3A_89 : i32
    %jit3A_91 = arith.constant 16 : i32
    %div3A_92 = arith.divsi %add3A_90, %jit3A_91 : i32
    %sign3A_93 = arith.constant 0 : i32
    %sign3A_94 = arith.cmpi sgt, %add3A_90, %sign3A_93 : i32
    %sign3A_95 = arith.extui %sign3A_94 : i1 to i32
    %sign3A_96 = arith.constant 0 : i32
    %sign3A_97 = arith.cmpi slt, %add3A_90, %sign3A_96 : i32
    %sign3A_98 = arith.extui %sign3A_97 : i1 to i32
    %sign3A_99 = arith.subi %sign3A_95, %sign3A_98 : i32
    %sign3A_100 = arith.constant 0 : i32
    %sign3A_101 = arith.cmpi sgt, %jit3A_91, %sign3A_100 : i32
    %sign3A_102 = arith.extui %sign3A_101 : i1 to i32
    %sign3A_103 = arith.constant 0 : i32
    %sign3A_104 = arith.cmpi slt, %jit3A_91, %sign3A_103 : i32
    %sign3A_105 = arith.extui %sign3A_104 : i1 to i32
    %sign3A_106 = arith.subi %sign3A_102, %sign3A_105 : i32
    %ne3A_107 = arith.cmpi ne, %sign3A_99, %sign3A_106 : i32
    %rem3A_108 = arith.remsi %add3A_90, %jit3A_91 : i32
    %ne3A_109 = arith.constant 0 : i32
    %ne3A_110 = arith.cmpi ne, %rem3A_108, %ne3A_109 : i32
    %and3A_111 = arith.andi %ne3A_107, %ne3A_110 : i1
    %sub3A_112 = arith.constant 1 : i32
    %sub3A_113 = arith.subi %div3A_92, %sub3A_112 : i32
    %select_n3A_114 = arith.select %and3A_111, %sub3A_113, %div3A_92 : i32
    %while3A_115 = arith.constant 0 : i32
    %while3A_116 = arith.constant 0 : i32
    %while3A_117 = arith.subi %select_n3A_114, %while3A_116 : i32
    %while3A_118 = arith.addi %while3A_116, %while3A_117 : i32
    %while3A_119 = arith.constant 1 : i32
    %while3A_120 = arith.divsi %while3A_117, %while3A_119 : i32
    %while3A_121 = arith.muli %while3A_120, %while3A_119 : i32
    %while3A_122 = arith.addi %while3A_116, %while3A_121 : i32
    %while3A_123 = arith.constant 1 : i32
    scf.for %while3A_125 = %while3A_116 to %while3A_122 step %while3A_123  : i32 {
      %mul3A_126 = arith.constant 16 : i32
      %mul3A_127 = arith.muli %while3A_125, %mul3A_126 : i32
      %sub3A_128 = arith.constant 16 : i32
      %sub3A_129 = arith.subi %select_n3A, %sub3A_128 : i32
      %min3A_130 = arith.minsi %mul3A_127, %sub3A_129 : i32
      %multiple_of3A_131 = tpu.assume_multiple %min3A_130, 8 : i32
      %add3A_132 = arith.addi %multiple_of3A, %multiple_of3A_131 : i32
      "tpu.region"() ({
        %run_scoped3A = tpu.sem_alloc : memref<!tpu.dma_semaphore, #tpu.memory_space<semaphore_mem>>
        %dma_start3A = arith.constant 0 : i32
        %dma_start3A_133 = tpu.memref_slice %arg14[%multiple_of3A_131, %dma_start3A] : memref<320x256xf32, #tpu.memory_space<vmem>> -> memref<16x256xf32, #tpu.memory_space<vmem>>
        %dma_start3A_134 = arith.constant 0 : i32
        %dma_start3A_135 = tpu.memref_slice %arg7[%add3A_132, %dma_start3A_134] : memref<10000x256xf32, #tpu.memory_space<hbm>> -> memref<16x256xf32, #tpu.memory_space<hbm>>
        %dma_start3A_136 = arith.constant 0 : i32
        %dma_start3A_137 = tpu.memref_slice %arg7[%add3A_132, %dma_start3A_136] : memref<10000x256xf32, #tpu.memory_space<hbm>> -> memref<16x256xf32, #tpu.memory_space<hbm>>
        %dma_start3A_138 = arith.constant 0 : i32
        %dma_start3A_139 = tpu.memref_slice %arg14[%multiple_of3A_131, %dma_start3A_138] : memref<320x256xf32, #tpu.memory_space<vmem>> -> memref<16x256xf32, #tpu.memory_space<vmem>>
        tpu.enqueue_dma source(%dma_start3A_139 : memref<16x256xf32, #tpu.memory_space<vmem>>) target(%dma_start3A_137 : memref<16x256xf32, #tpu.memory_space<hbm>>) target_semaphore(%run_scoped3A : memref<!tpu.dma_semaphore, #tpu.memory_space<semaphore_mem>>)
        %dma_wait3A = arith.constant 0 : i32
        %dma_wait3A_140 = tpu.memref_slice %arg14[%multiple_of3A_131, %dma_wait3A] : memref<320x256xf32, #tpu.memory_space<vmem>> -> memref<16x256xf32, #tpu.memory_space<vmem>>
        %dma_wait3A_141 = arith.constant 0 : i32
        %dma_wait3A_142 = tpu.memref_slice %arg7[%add3A_132, %dma_wait3A_141] : memref<10000x256xf32, #tpu.memory_space<hbm>> -> memref<16x256xf32, #tpu.memory_space<hbm>>
        %dma_wait3A_143 = arith.constant 0 : i32
        %dma_wait3A_144 = tpu.memref_slice %arg7[%add3A_132, %dma_wait3A_143] : memref<10000x256xf32, #tpu.memory_space<hbm>> -> memref<16x256xf32, #tpu.memory_space<hbm>>
        %dma_wait3A_145 = arith.constant 0 : i32
        %dma_wait3A_146 = tpu.memref_slice %arg14[%multiple_of3A_131, %dma_wait3A_145] : memref<320x256xf32, #tpu.memory_space<vmem>> -> memref<16x256xf32, #tpu.memory_space<vmem>>
        tpu.wait_dma2 semaphore(%run_scoped3A : memref<!tpu.dma_semaphore, #tpu.memory_space<semaphore_mem>>) src(%dma_wait3A_146 : memref<16x256xf32, #tpu.memory_space<vmem>>) dst(%dma_wait3A_144 : memref<16x256xf32, #tpu.memory_space<hbm>>)
        tpu.yield
      }) : () -> ()
    }
    %while3A_124 = arith.constant 1 : i32
    scf.for %while3A_125 = %while3A_122 to %while3A_118 step %while3A_124  : i32 {
      %mul3A_126 = arith.constant 16 : i32
      %mul3A_127 = arith.muli %while3A_125, %mul3A_126 : i32
      %sub3A_128 = arith.constant 16 : i32
      %sub3A_129 = arith.subi %select_n3A, %sub3A_128 : i32
      %min3A_130 = arith.minsi %mul3A_127, %sub3A_129 : i32
      %multiple_of3A_131 = tpu.assume_multiple %min3A_130, 8 : i32
      %add3A_132 = arith.addi %multiple_of3A, %multiple_of3A_131 : i32
      "tpu.region"() ({
        %run_scoped3A = tpu.sem_alloc : memref<!tpu.dma_semaphore, #tpu.memory_space<semaphore_mem>>
        %dma_start3A = arith.constant 0 : i32
        %dma_start3A_133 = tpu.memref_slice %arg14[%multiple_of3A_131, %dma_start3A] : memref<320x256xf32, #tpu.memory_space<vmem>> -> memref<16x256xf32, #tpu.memory_space<vmem>>
        %dma_start3A_134 = arith.constant 0 : i32
        %dma_start3A_135 = tpu.memref_slice %arg7[%add3A_132, %dma_start3A_134] : memref<10000x256xf32, #tpu.memory_space<hbm>> -> memref<16x256xf32, #tpu.memory_space<hbm>>
        %dma_start3A_136 = arith.constant 0 : i32
        %dma_start3A_137 = tpu.memref_slice %arg7[%add3A_132, %dma_start3A_136] : memref<10000x256xf32, #tpu.memory_space<hbm>> -> memref<16x256xf32, #tpu.memory_space<hbm>>
        %dma_start3A_138 = arith.constant 0 : i32
        %dma_start3A_139 = tpu.memref_slice %arg14[%multiple_of3A_131, %dma_start3A_138] : memref<320x256xf32, #tpu.memory_space<vmem>> -> memref<16x256xf32, #tpu.memory_space<vmem>>
        tpu.enqueue_dma source(%dma_start3A_139 : memref<16x256xf32, #tpu.memory_space<vmem>>) target(%dma_start3A_137 : memref<16x256xf32, #tpu.memory_space<hbm>>) target_semaphore(%run_scoped3A : memref<!tpu.dma_semaphore, #tpu.memory_space<semaphore_mem>>)
        %dma_wait3A = arith.constant 0 : i32
        %dma_wait3A_140 = tpu.memref_slice %arg14[%multiple_of3A_131, %dma_wait3A] : memref<320x256xf32, #tpu.memory_space<vmem>> -> memref<16x256xf32, #tpu.memory_space<vmem>>
        %dma_wait3A_141 = arith.constant 0 : i32
        %dma_wait3A_142 = tpu.memref_slice %arg7[%add3A_132, %dma_wait3A_141] : memref<10000x256xf32, #tpu.memory_space<hbm>> -> memref<16x256xf32, #tpu.memory_space<hbm>>
        %dma_wait3A_143 = arith.constant 0 : i32
        %dma_wait3A_144 = tpu.memref_slice %arg7[%add3A_132, %dma_wait3A_143] : memref<10000x256xf32, #tpu.memory_space<hbm>> -> memref<16x256xf32, #tpu.memory_space<hbm>>
        %dma_wait3A_145 = arith.constant 0 : i32
        %dma_wait3A_146 = tpu.memref_slice %arg14[%multiple_of3A_131, %dma_wait3A_145] : memref<320x256xf32, #tpu.memory_space<vmem>> -> memref<16x256xf32, #tpu.memory_space<vmem>>
        tpu.wait_dma2 semaphore(%run_scoped3A : memref<!tpu.dma_semaphore, #tpu.memory_space<semaphore_mem>>) src(%dma_wait3A_146 : memref<16x256xf32, #tpu.memory_space<vmem>>) dst(%dma_wait3A_144 : memref<16x256xf32, #tpu.memory_space<hbm>>)
        tpu.yield
      }) : () -> ()
    }
    return
  }
}

module attributes {stable_mosaic.version = 14 : i64} {
  func.func @_matmul_body(%arg0: i32, %arg1: memref<1000x256xf32, #tpu.memory_space<vmem>>, %arg2: memref<256x256xf32, #tpu.memory_space<vmem>>, %arg3: memref<1000x256xf32, #tpu.memory_space<vmem>>) attributes {dimension_semantics = [#tpu.dimension_semantics<arbitrary>], iteration_bounds = array<i64: 10>, scalar_prefetch = 0 : i64, scratch_operands = 0 : i64, tpu.core_type = #tpu.core_type<tc>, window_params = [{transform_indices = @transform_0, window_bounds = array<i64: 1000, 256>}, {pipeline_mode = #tpu.pipeline_mode<synchronous>, transform_indices = @transform_1, window_bounds = array<i64: 256, 256>}, {transform_indices = @transform_2, window_bounds = array<i64: 1000, 256>}]} {
    %get3A = arith.constant 0 : index
    %get3A_0 = arith.constant 0 : index
    %get3A_1 = vector.load %arg1[%get3A, %get3A_0] : memref<1000x256xf32, #tpu.memory_space<vmem>>, vector<1000x256xf32>
    %get3A_2 = arith.constant 0 : index
    %get3A_3 = arith.constant 0 : index
    %get3A_4 = vector.load %arg2[%get3A_2, %get3A_3] : memref<256x256xf32, #tpu.memory_space<vmem>>, vector<256x256xf32>
    %dot_general3A = arith.constant dense<0.000000e+00> : vector<1000x256xf32>
    %dot_general3A_5 = tpu.matmul %get3A_1, %get3A_4, %dot_general3A {dimension_numbers = #tpu.dot_dimension_numbers<[1], [0], [0], [1], [0, 0, 1, 1], [], []>, transpose_lhs_hint = false} : vector<1000x256xf32>, vector<256x256xf32>, vector<1000x256xf32> -> vector<1000x256xf32>
    %swap3A = arith.constant 0 : index
    %swap3A_6 = arith.constant 0 : index
    %swap3A_7 = vector.load %arg3[%swap3A, %swap3A_6] : memref<1000x256xf32, #tpu.memory_space<vmem>>, vector<1000x256xf32>
    tpu.vector_store %arg3[%swap3A, %swap3A_6], %dot_general3A_5 {strides = array<i32>} : memref<1000x256xf32, #tpu.memory_space<vmem>>, vector<1000x256xf32>,
    return
  }
  func.func @transform_0(%arg0: i32) -> (i32, i32) {
    %c0_i32 = arith.constant 0 : i32
    %c0_i32_0 = arith.constant 0 : i32
    return %arg0, %c0_i32 : i32, i32
  }
  func.func @transform_1(%arg0: i32) -> (i32, i32) {
    %c0_i32 = arith.constant 0 : i32
    %c0_i32_0 = arith.constant 0 : i32
    %c0_i32_1 = arith.constant 0 : i32
    return %c0_i32, %c0_i32_0 : i32, i32
  }
  func.func @transform_2(%arg0: i32) -> (i32, i32) {
    %c0_i32 = arith.constant 0 : i32
    %c0_i32_0 = arith.constant 0 : i32
    return %arg0, %c0_i32 : i32, i32
  }
}

</mosaic_0001>

<sc_bundles>
// kernel: kernel.4.cloned.1.call-start
scs
__scs_entry_jumppad:
0x0: {  	(pc) =	sbr.rel $0x88, $3  }
0x1: {  	(tag) =	ssettag $0x0;
	lr =	simm.s32 $0x1  }
0x2: {  	[smem:$0x3F9B] =	sst lr;
	_ =	strace $0xD0000000  }
0x3: {  	_ = 	snop  }
0x4: {  	_ = 	snop  }
0x5: {  	_ = 	snop  }
0x6: {  	_ = 	snop  }
0x7: {  	_ = 	snop  }
__scs_overlays_trampoline_lowered:
0x8: {  	[smem:$0x3FAA] =	sst s0  }
0x9: {  	[smem:$0x3FAB] =	sst s1  }
0xa: {  	[smem:$0x3FAC] =	sst s2  }
0xb: {  	[smem:$0x3FAD] =	sst s3  }
0xc: {  	[smem:$0x3FAE] =	sst s4  }
0xd: {  	[smem:$0x3FAF] =	sst s5  }
0xe: {  	[smem:$0x3FB0] =	sst s6  }
0xf: {  	[smem:$0x3FB1] =	sst s7  }
0x10: {  	[smem:$0x3FB2] =	sst s8  }
0x11: {  	[smem:$0x3FB3] =	sst s9;
	s0 =	simm.s32 @!p0 $0x0  }
0x12: {  	s1 =	sld [smem:$0x3F99];
	s0 =	simm.s32 @p0 $0x1  }
0x13: {  	[smem:$0x3FB4] =	sst s0;
	s0 =	simm.s32 @!p1 $0x0  }
0x14: {  	s2 =	sld [smem:$0x3F98];
	s0 =	simm.s32 @p1 $0x1  }
0x15: {  	[smem:$0x3FB5] =	sst s0;
	s0 =	simm.s32 @!p2 $0x0  }
0x16: {  	s3 =	sld [smem:$0x3FDB];
	s0 =	simm.s32 @p2 $0x1  }
0x17: {  	s4 =	simm.s32 $0x1BF5;
	[smem:$0x3FB7] =	sst s0  }
0x18: {  	s0 =	sld [smem:$0x3F9A];
	_ =	swait.ge [sflag:s4], $0x0  }
0x19: {  	s7 =	sld [smem:$0x3F9B]  }
0x1a: {  	s8 =	sadd.s32 $0xFFFFE003, lr  }
0x1b: {  	s9 =	sadd.s32 $0xFFFFFEF7, lr;
	s5 =	simm.s32 $0xFFFFFFFF;
	p2 =	slt.u32 s8, $0xFFFFF086  }
0x1c: {  	p1 =	slt.u32 s9, $0xF7A;
	s5 =	simm.s32 @!p2 $0x0  }
0x1d: {  	s5 =	simm.s32 @p1 $0x1;
	p0 =	seq.s32 s7, s2  }
0x1e: {  	s7 =	smul.u32 @!p0 $0xF7A, s2;
	p2 =	seq.s32 @!p0 s5, $0x0  }
0x1f: {  	s9 =	smul.u32 $0xF7A, s1;
	s8 =	simm.s32 @!p0 $0x1BF5;
	p2 =	por !p2, p0  }
0x20: {  	[sflag:s8] =	ssyncset.s32 @!p0 $0xFFFFF086;
	s6 =	sadd.s32 @!p0 s3, s7;
	s7 =	simm.s32 @!p0 $0x108  }
0x21: {  	s3 =	sadd.s32 s3, s9;
	s6 =	sadd.s32 @!p0 $0x88, s6;
	s7 =	simm.s32 @p2 $0x1082  }
0x22: {  	[simem:s7], [sflag:s8] =	dma.local @!p0 [hbm:s6], $0xF7A  }
0x23: {  	s9 =	sor.u32 $0xD0000000, s2;
	s6 =	simm.s32 $0x108;
	_ =	swait.ge @!p0 [sflag:s8], $0x0  }
0x24: {  	s3 =	sadd.s32 $0x88, s3;
	s6 =	simm.s32 @!p1 $0x1082;
	[sflag:s4] =	ssyncset.s32 $0xFFFFF086  }
0x25: {  	[simem:s6], [sflag:s4] =	dma.local [hbm:s3], $0xF7A  }
0x26: {  	[smem:$0x3F9B] =	sst s1;
	(tag) =	ssettag s2;
	_ =	strace s9  }
0x27: {  	s1 =	sld [smem:$0x3FAB]  }
0x28: {  	s2 =	sld [smem:$0x3FAC]  }
0x29: {  	s4 =	sld [smem:$0x3FAE]  }
0x2a: {  	p0 =	seq.s32 s5, $0x0;
	s5 =	sld [smem:$0x3FAF]  }
0x2b: {  	s6 =	sld [smem:$0x3FB0]  }
0x2c: {  	s7 =	sld [smem:$0x3FB1]  }
0x2d: {  	s3 =	simm.s32 $0x108;
	s8 =	sld [smem:$0x3FB2]  }
0x2e: {  	s3 =	simm.s32 @!p0 $0x1082;
	s9 =	sld [smem:$0x3FB3]  }
0x2f: {  	lr =	sadd.s32 s0, s3;
	s0 =	sld [smem:$0x3FAA]  }
0x30: {  	s3 =	sld [smem:$0x3FAD]  }
0x31: {  	[smem:$0x3FB6] =	sst s10  }
0x32: {  	s10 =	sld [smem:$0x3FB4];
	_ =	sdelay $0x3  }
0x33: {  	p0 =	seq.s32 s10, $0x1;
	s10 =	sld [smem:$0x3FB6];
	_ =	sdelay $0x3  }
0x34: {  	[smem:$0x3FB6] =	sst s10  }
0x35: {  	s10 =	sld [smem:$0x3FB5];
	_ =	sdelay $0x3  }
0x36: {  	p1 =	seq.s32 s10, $0x1;
	s10 =	sld [smem:$0x3FB6];
	_ =	sdelay $0x3  }
0x37: {  	[smem:$0x3FB6] =	sst s10  }
0x38: {  	s10 =	sld [smem:$0x3FB7]  }
0x39: {  	_ = 	snop;
	(pc) =	sbr.ind lr, $3  }
0x3a: {  	_ = 	snop  }
0x3b: {  	_ = 	snop  }
0x3c: {  	p2 =	seq.s32 s10, $0x1;
	s10 =	sld [smem:$0x3FB6]  }
0x3d: {  	_ =	shalt  }
0x3e: {  	_ =	shalt  }
0x3f: {  	_ =	shalt  }
0x40: {  	_ =	shalt  }
0x41: {  	_ =	shalt  }
0x42: {  	_ =	shalt  }
0x43: {  	_ =	shalt  }
0x44: {  	_ =	shalt  }
0x45: {  	_ =	shalt  }
0x46: {  	_ =	shalt  }
0x47: {  	_ =	shalt  }
0x48: {  	_ =	shalt  }
0x49: {  	_ =	shalt  }
0x4a: {  	_ =	shalt  }
0x4b: {  	_ =	shalt  }
0x4c: {  	_ =	shalt  }
0x4d: {  	_ =	shalt  }
0x4e: {  	_ =	shalt  }
0x4f: {  	_ =	shalt  }
0x50: {  	_ =	shalt  }
0x51: {  	_ =	shalt  }
0x52: {  	_ =	shalt  }
0x53: {  	_ =	shalt  }
0x54: {  	_ =	shalt  }
0x55: {  	_ =	shalt  }
0x56: {  	_ =	shalt  }
0x57: {  	_ =	shalt  }
0x58: {  	_ =	shalt  }
0x59: {  	_ =	shalt  }
0x5a: {  	_ =	shalt  }
0x5b: {  	_ =	shalt  }
0x5c: {  	_ =	shalt  }
0x5d: {  	_ =	shalt  }
0x5e: {  	_ =	shalt  }
0x5f: {  	_ =	shalt  }
0x60: {  	_ =	shalt  }
0x61: {  	_ =	shalt  }
0x62: {  	_ =	shalt  }
0x63: {  	_ =	shalt  }
0x64: {  	_ =	shalt  }
0x65: {  	_ =	shalt  }
0x66: {  	_ =	shalt  }
0x67: {  	_ =	shalt  }
0x68: {  	_ =	shalt  }
0x69: {  	_ =	shalt  }
0x6a: {  	_ =	shalt  }
0x6b: {  	_ =	shalt  }
0x6c: {  	_ =	shalt  }
0x6d: {  	_ =	shalt  }
0x6e: {  	_ =	shalt  }
0x6f: {  	_ =	shalt  }
0x70: {  	_ =	shalt  }
0x71: {  	_ =	shalt  }
0x72: {  	_ =	shalt  }
0x73: {  	_ =	shalt  }
0x74: {  	_ =	shalt  }
0x75: {  	_ =	shalt  }
0x76: {  	_ =	shalt  }
0x77: {  	_ =	shalt  }
0x78: {  	_ =	shalt  }
0x79: {  	_ =	shalt  }
0x7a: {  	_ =	shalt  }
0x7b: {  	_ =	shalt  }
0x7c: {  	_ =	shalt  }
0x7d: {  	_ =	shalt  }
0x7e: {  	_ =	shalt  }
0x7f: {  	_ =	shalt  }
0x80: {  	_ =	shalt  }
0x81: {  	_ =	shalt  }
0x82: {  	_ =	shalt  }
0x83: {  	_ =	shalt  }
0x84: {  	_ =	shalt  }
0x85: {  	_ =	shalt  }
0x86: {  	_ =	shalt  }
0x87: {  	_ =	shalt  }
.Lfunc_end0:
.L_simem_size_0:
called_computation_lowered:
.L_overlay_start_0:
0x88: {  	s2 =	sld [smem:$0x3FD9]  }
0x89: {  	s3 =	sld [smem:$0x3FFE];
	_ =	sdelay $0x1  }
0x8a: {  	s1 =	srdreg.scid  }
0x8b: {  	s0 =	sand.u32 $0x1, s1  }
0x8c: {  	s17 =	sshll.u32 s0, $0xA;
	s2 =	sadd.s32 s3, s2  }
0x8d: {  	s2 =	sadd.s32 s2, s17  }
0x8e: {  	[smem:$0x3FC2] =	sst s2  }
0x8f: {  	_ = 	snop  }
0x90: {  	s2 =	sld [smem:$0x3FC7]  }
0x91: {  	s18 =	sld [smem:$0x3FC6]  }
0x92: {  	s4 =	sld [smem:$0x3FC4]  }
0x93: {  	s5 =	sld [smem:$0x3FD0];
	(tm) =	ssettm $0x1  }
0x94: {  	s6 =	sld [smem:$0x3FFB];
	_ =	sdelay $0x3  }
0x95: {  	_ =	strace s6  }
0x96: {  	s6 =	sld [smem:$0x3FFC];
	_ =	sdelay $0x3  }
0x97: {  	_ =	strace s6  }
0x98: {  	s6 =	sld [smem:$0x3FFD];
	_ =	sdelay $0x3  }
0x99: {  	_ =	strace s6  }
0x9a: {  	_ =	strace $0x8FFFFFFF  }
0x9b: {  	s19 =	sld [smem:$0x3FDB];
	_ =	sdelay $0x1  }
0x9c: {  	s7 =	simm.s32 $_scs_section_size  }
0x9d: {  	s8 =	simm.s32 $_size__tile_overlayer_lowered;
	s9 =	simm.s32 $_tile_overlayer_lowered  }
0x9e: {  	s22 =	simm.s32 $0x1BFF;
	s21 =	sshll.u32 s9, $0x1;
	s6 =	sadd.s32 s7, s19  }
0x9f: {  	s10 =	simm.s32 $0x0;
	s20 =	sshll.u32 s8, $0x1;
	s8 =	sadd.s32 s21, s6  }
0xa0: {  	[timem:s10], [sflag:s22] =	dma.local [hbm:s8], s20  }
0xa1: {  	_ =	swait.ge [sflag:s22], s20  }
0xa2: {  	s7 =	ssub.s32 $0x0, s20;
	[sflag:s22] =	ssyncset.done $0x0  }
0xa3: {  	[sflag:s22] =	ssyncadd.s32 s7;
	_ =	sdelay $0x1  }
0xa4: {  	s23 =	simm.s32 $0x1B8B  }
0xa5: {  	_ =	swait.ge [sflag:s23], $0x1  }
0xa6: {  	[sflag:s23] =	ssyncset.done $0x0  }
0xa7: {  	s25 =	simm.s32 $0x1B8E;
	s24 =	sld [smem:$0x3FFE];
	[sflag:s23] =	ssyncadd.s32 $0xFFFFFFFF  }
0xa8: {  	s26 =	simm.s32 $execute0_lowered;
	[smem:$0x3FD2] =	sst s25  }
0xa9: {  	s8 =	sshll.u32 s26, $0x1;
	_ =	strace $0x80000046;
	[dreg:$0x1] =	wrdreg $0xFFFFFFFF  }
0xaa: {  	s28 =	simm.s32 $_size_execute0_lowered;
	s6 =	sadd.s32 s6, s8;
	[dreg:$0x0] =	wrdreg $0x0  }
0xab: {  	s8 =	sshll.u32 s28, $0x1;
	[dreg:$0x2] =	wrdreg s6  }
0xac: {  	[dreg:$0x3] =	wrdreg s8  }
0xad: {  	[dreg:$0x4] =	wrdreg $0xC0  }
0xae: {  	_ =	task [dreg:s10], $0x5FFFF  }
0xaf: {  	[dreg:$0x1] =	wrdreg $0xFFFFFFFF  }
0xb0: {  	[dreg:$0x0] =	wrdreg $0x60  }
0xb1: {  	[dreg:$0x2] =	wrdreg s24  }
0xb2: {  	[dreg:$0x3] =	wrdreg s2  }
0xb3: {  	[dreg:$0x4] =	wrdreg s18  }
0xb4: {  	[dreg:$0x5] =	wrdreg s4  }
0xb5: {  	[dreg:$0x6] =	wrdreg s5  }
0xb6: {  	[dreg:$0x7] =	wrdreg $0x9  }
0xb7: {  	_ =	task.clear_ibuf [dreg:s10], $0x8FFFF;
	_ =	strace $0x90000046  }
0xb8: {  	s29 =	simm.s32 $0x9;
	_ =	strace $0x80000048  }
0xb9: {  	_ =	swait.ge [sflag:s29], $0x1  }
0xba: {  	[sflag:s29] =	ssyncadd.s32 $0xFFFFFFFF  }
0xbb: {  	_ =	strace $0x90000048  }
0xbc: {  	_ =	sfence  }
0xbd: {  	s30 =	sld [smem:$0x0];
	_ =	sdelay $0x2  }
0xbe: {  	s31 =	sshll.u32 s1, $0xD;
	s1 =	sshrl.u32 s1, $0x2  }
0xbf: {  	s3 =	sand.u32 $0x4000, s31;
	s1 =	sadd.s32 s1, s30  }
0xc0: {  	s0 =	sor.u32 s3, s0;
	s1 =	sshll.u32 s1, $0x11  }
0xc1: {  	s0 =	sor.u32 s1, s0  }
0xc2: {  	s0 =	sadd.s32 $0x8F2B, s0  }
0xc3: {  	[sflag:s0] =	ssyncadd.remote.s32 $0x1  }
0xc4: {  	_ =	sfence.sel $0xFFFF  }
0xc5: {  	[dreg:$0x0] =	wrdreg $0xFFFFFFFF;
	(pc) =	sbr.abs _section_cstart, $3  }
0xc6: {  	[dreg:$0x1] =	wrdreg $0xFFFFFFFF  }
0xc7: {  	_ =	task.clear_ibuf [dreg:s10], $0x2FFFF;
	_ =	strace $0x9FFFFFFF  }
0xc8: {  	(tm) =	ssettm $0x7FFFFFFF  }
0xc9: {  	_ =	shalt  }
tec
execute0_lowered:
.L_overlay_start_1:
0x0: {  	(tag) =	ssettag $0x1  }
0x1: {  	s1 =	rddreg [dreg:$0x0]  }
0x2: {  	s0 =	rddreg [dreg:$0x1]  }
0x3: {  	s2 =	rddreg [dreg:$0x2];
	s3 =	srdreg.scid  }
0x4: {  	s10 =	stileid.u32;
	s5 =	rddreg [dreg:$0x4]  }
0x5: {  	s6 =	simm.s32 $0x0;
	s13 =	simm.s32 $0x140;
	s12 =	simm.s32 $0x5  }
0x6: {  	s14 =	simm.s32 $0x1;
	s16 =	simm.s32 $0x280;
	s28 =	simm.s32 $0x2  }
0x7: {  	s29 =	simm.s32 $0x3;
	s3 =	sand.u32 $0x1, s3;
	s4 =	sshll.u32 s10, $0x1  }
0x8: {  	s30 =	simm.s32 $0x380;
	s31 =	simm.s32 $0xA500;
	s4 =	sor.u32 s3, s4  }
0x9: {  	[smem:$0x7FF] =	sst s6;
	s7 =	smul.u32 $0x138, s4;
	s4 =	smin.u32 s4, $0x2  }
0xa: {  	s8 =	sadd.s32 $0x1000, s1;
	s3 =	ssub.s32 $0x2, s3;
	s4 =	sshll.u32 s4, $0x3  }
0xb: {  	v2 =	vlaneseq.u32;
	p0 =	seq.s32 s10, $0x0;
	s9 =	sshrl.u32 s3, $0x1;
	s7 =	sadd.s32 s7, s4  }
0xc: {  	vm0 =	vmmov $0xffff;
	v8 =	vimm.s32 $0x100;
	v6 =	vshrl.u32 v2, $0x3;
	s13 =	simm.s32 @!p0 $0x138;
	s3 =	ssub.s32 s3, s9;
	s4 =	sshrl.u32 s7, $0x3  }
0xd: {  	v5 =	vand.u32 $0x7, v2;
	v7 =	vor.u32 $0x8, v2;
	s26 =	smax.u32 s3, $0x1;
	s25 =	sadd.s32 s13, s7;
	v1 =	vmov s7;
	s1 =	sadd.s32 s4, s1  }
0xe: {  	_ =	strace $0x80000047;
	v0 =	vmov s13;
	[dreg:$0x7] =	wrdreg s26;
	v3 =	vadd.s32 $0x100, v1;
	v4 =	vmov s25;
	s1 =	sadd.s32 $0xA00, s1  }
0xf: {  	v6 =	vmul.u32 $0x8, v6;
	s10 =	sadd.s32 $0xFFFFFFF0, s13;
	v0 =	vbroadcast v0, $0x0;
	s3 =	simm.s32 $0x0;
	vm1 =	vlt.u32 v3, v4;
	[dreg:$0x6] =	wrdreg s1  }
.LBB2_1:
0x10: {  	s1 =	rddreg [dreg:$0x6]  }
0x11: {  	[tilespmem:s6], [sflag:$0x5] =	stream.linear.gather [hbm4b:s1+s6], $0x150, $0x38;
	[tilespmem:$0x1E500] =	vst v63  }
0x12: {  	_ =	swait.ge [sflag:s12], $0x150  }
0x13: {  	[sflag:s12] =	ssyncset.done $0x0  }
0x14: {  	[sflag:s12] =	ssyncadd.s32 $0xFFFFFEB0  }
0x15: {  	s4 =	simm.s32 $0xA400;
	v24 =	vld [tilespmem:$0x0];
	s24 =	rddreg [dreg:$0x3]  }
0x16: {  	v25 =	vld.idx.msk [tilespmem:v0+s6+$0x0], $0xffff;
	[tilespmem:s4], [sflag:$0x5] =	stream.linear.gather [hbm4b:s24+s6], $0x100, $0x38  }
0x17: {  	_ =	swait.ge [sflag:s12], $0x100  }
0x18: {  	[sflag:s12] =	ssyncset.done $0x0  }
0x19: {  	[sflag:s12] =	ssyncadd.s32 $0xFFFFFF00  }
0x1a: {  	v23 =	vld [tilespmem:$0xA400]  }
0x1b: {  	v22 =	vld [tilespmem:$0xA410]  }
0x1c: {  	v20 =	vld [tilespmem:$0xA420]  }
0x1d: {  	v21 =	vld [tilespmem:$0xA430]  }
0x1e: {  	v19 =	vld [tilespmem:$0xA440]  }
0x1f: {  	v18 =	vld [tilespmem:$0xA450]  }
0x20: {  	v17 =	vld [tilespmem:$0xA460]  }
0x21: {  	v16 =	vld [tilespmem:$0xA470]  }
0x22: {  	v15 =	vld [tilespmem:$0xA480]  }
0x23: {  	v14 =	vld [tilespmem:$0xA490]  }
0x24: {  	v26 =	vld [tilespmem:$0xA4F0]  }
0x25: {  	v13 =	vld [tilespmem:$0xA4A0]  }
0x26: {  	v12 =	vld [tilespmem:$0xA4B0]  }
0x27: {  	s25 =	sand.u32 $0x1F800, s6;
	s26 =	sand.u32 $0x380, s6;
	v10 =	vld [tilespmem:$0xA4C0]  }
0x28: {  	s4 =	sor.u32 s26, s25;
	v9 =	vld [tilespmem:$0xA4D0]  }
0x29: {  	v11 =	vld [tilespmem:$0xA4E0];
	[tilespmem:s4+$0xA970] =	vst v26  }
0x2a: {  	[tilespmem:s4+$0xA500] =	vst v23  }
0x2b: {  	[tilespmem:s4+$0xA510] =	vst v22  }
0x2c: {  	[tilespmem:s4+$0xA520] =	vst v20  }
0x2d: {  	[tilespmem:s4+$0xA530] =	vst v21  }
0x2e: {  	[tilespmem:s4+$0xA540] =	vst v19  }
0x2f: {  	[tilespmem:s4+$0xA550] =	vst v18  }
0x30: {  	[tilespmem:s4+$0xA560] =	vst v17  }
0x31: {  	[tilespmem:s4+$0xA570] =	vst v16  }
0x32: {  	[tilespmem:s4+$0xA900] =	vst v15  }
0x33: {  	[tilespmem:s4+$0xA910] =	vst v14  }
0x34: {  	[tilespmem:s4+$0xA920] =	vst v13  }
0x35: {  	[tilespmem:s4+$0xA930] =	vst v12  }
0x36: {  	s13 =	simm.s32 $0x100;
	s1 =	simm.s32 $0x80;
	[tilespmem:s4+$0xA940] =	vst v10  }
0x37: {  	s17 =	sand.u32 $0x1F800, s13;
	s13 =	simm.s32 $0x200;
	s18 =	sand.u32 $0x380, s1;
	[tilespmem:s4+$0xA950] =	vst v9  }
.LBB2_2:
0x38: {  	p0 =	sne.s32 s13, $0x13F00;
	[tilespmem:s4+$0xA960] =	vst v11;
	s4 =	sor.u32 s18, s17  }
0x39: {  	[tilespmem:s4+$0xA970] =	vst v26  }
0x3a: {  	[tilespmem:s4+$0xA500] =	vst v23  }
0x3b: {  	[tilespmem:s4+$0xA510] =	vst v22  }
0x3c: {  	[tilespmem:s4+$0xA520] =	vst v20  }
0x3d: {  	[tilespmem:s4+$0xA530] =	vst v21  }
0x3e: {  	[tilespmem:s4+$0xA540] =	vst v19  }
0x3f: {  	[tilespmem:s4+$0xA550] =	vst v18  }
0x40: {  	[tilespmem:s4+$0xA560] =	vst v17  }
0x41: {  	[tilespmem:s4+$0xA570] =	vst v16  }
0x42: {  	[tilespmem:s4+$0xA900] =	vst v15  }
.Ltmp0:
0x43: {  	[tilespmem:s4+$0xA910] =	vst v14;
	(pc) =	sbr.rel @p0 .LBB2_2-.Ltmp0, $4  }
0x44: {  	[tilespmem:s4+$0xA920] =	vst v13  }
0x45: {  	[tilespmem:s4+$0xA930] =	vst v12  }
0x46: {  	s1 =	sadd.s32 $0x80, s1;
	[tilespmem:s4+$0xA940] =	vst v10  }
0x47: {  	s17 =	sand.u32 $0x1F800, s13;
	s13 =	sadd.s32 $0x100, s13;
	s18 =	sand.u32 $0x380, s1;
	[tilespmem:s4+$0xA950] =	vst v9  }
0x48: {  	(v2sf) =	vpush v24, $0x0  }
0x49: {  	(v2sf) =	vpush v25, $0x0;
	_ =	sdelay $0xd  }
0x4a: {  	s1 =	spop (v2sf)  }
0x4b: {  	s15 =	spop (v2sf)  }
0x4c: {  	s24 =	ssub.s32 s15, s1  }
0x4d: {  	s25 =	sadd.s32 $0x47, s24  }
0x4e: {  	s26 =	smulhi.u32 $0x38E38E39, s25;
	s19 =	sshra.s32 s25, $0x1F  }
0x4f: {  	s19 =	smul.u32 $0x38E38E39, s19  }
0x50: {  	s13 =	sor.u32 s18, s17;
	[tilespmem:s4+$0xA960] =	vst v11  }
0x51: {  	[tilespmem:s13+$0xA970] =	vst v26;
	s18 =	sadd.s32 s19, s26  }
0x52: {  	[tilespmem:s13+$0xA500] =	vst v23;
	s19 =	sshrl.u32 s18, $0x1F;
	s18 =	sshra.s32 s18, $0x4  }
0x53: {  	[tilespmem:s13+$0xA510] =	vst v22;
	s18 =	sadd.s32 s19, s18  }
0x54: {  	[tilespmem:s13+$0xA520] =	vst v20;
	s19 =	smul.u32 $0xFFFFFFB8, s18  }
0x55: {  	[tilespmem:s13+$0xA530] =	vst v21;
	s4 =	ssub.s32 $0xFFFFFFB9, s24  }
0x56: {  	[tilespmem:s13+$0xA540] =	vst v19;
	p0 =	slt.s32 s25, $0x1;
	p1 =	sne.s32 s19, s4  }
0x57: {  	[tilespmem:s13+$0xA550] =	vst v18;
	p0 =	por !p0, !p1  }
0x58: {  	[tilespmem:s13+$0xA560] =	vst v17;
	s4 =	simm.s32 $0x1;
	p0 =	por !p0, !p0  }
0x59: {  	[tilespmem:s13+$0xA570] =	vst v16;
	s4 =	simm.s32 @!p0 $0x0  }
0x5a: {  	[tilespmem:s13+$0xA900] =	vst v15;
	s17 =	ssub.s32 s18, s4  }
0x5b: {  	[tilespmem:s13+$0xA910] =	vst v14;
	p0 =	slt.s32 s17, $0x1  }
.Ltmp1:
0x5c: {  	[tilespmem:s13+$0xA920] =	vst v13;
	(pc) =	sbr.rel @p0 .LBB2_10-.Ltmp1, $4  }
0x5d: {  	[tilespmem:s13+$0xA930] =	vst v12  }
0x5e: {  	[tilespmem:s13+$0xA940] =	vst v10  }
0x5f: {  	[tilespmem:s13+$0xA950] =	vst v9  }
0x60: {  	[tilespmem:s13+$0xA960] =	vst v11  }
0x61: {  	p0 =	slt.s32 s1, $0x270B0;
	s4 =	smov.u32 s1  }
0x62: {  	s4 =	simm.s32 @!p0 $0x270B0  }
0x63: {  	s13 =	sand.u32 $0x7, s4  }
0x64: {  	p6 =	slt.s32 s1, $0x1;
	s18 =	sshra.s32 s4, $0x1F;
	p1 =	sne.s32 s13, $0x0  }
0x65: {  	s9 =	sshrl.u32 s18, $0x1D;
	p0 =	por !p6, !p1  }
0x66: {  	s13 =	simm.s32 $0x1;
	s4 =	sadd.s32 s9, s4;
	p0 =	por !p0, !p0  }
0x67: {  	s4 =	sshrl.u32 s4, $0x3;
	s13 =	simm.s32 @!p0 $0x0  }
0x68: {  	s4 =	ssub.s32 s4, s13  }
0x69: {  	s4 =	sand.u32 $0x1FFFFFFF, s4  }
0x6a: {  	s9 =	simm.s32 $0x180;
	s11 =	sadd.s32 s0, s4  }
0x6b: {  	[tilespmem:s9], [sflag:$0x5] =	stream.linear.gather [hbm4b:s11+s6], $0x50, $0x38;
	[tilespmem:$0x1E500] =	vst v63  }
0x6c: {  	_ =	swait.ge [sflag:s12], $0x50  }
0x6d: {  	[sflag:s12] =	ssyncset.done $0x0  }
0x6e: {  	s4 =	sadd.s32 s2, s4;
	[sflag:s12] =	ssyncadd.s32 $0xFFFFFFB0  }
0x6f: {  	[tilespmem:s16], [sflag:$0x5] =	stream.linear.gather [hbm4b:s4+s6], $0x50, $0x38;
	[tilespmem:$0x1E500] =	vst v63  }
0x70: {  	_ =	swait.ge [sflag:s12], $0x50  }
0x71: {  	[sflag:s12] =	ssyncset.done $0x0  }
0x72: {  	[sflag:s12] =	ssyncadd.s32 $0xFFFFFFB0  }
0x73: {  	v9 =	vld [tilespmem:$0x180];
	_ =	sdelay $0x4  }
0x74: {  	v10 =	vshll.u32 v9, $0x1  }
0x75: {  	v9 =	vand.u32 $0x7, v9;
	v10 =	vand.u32 $0xFFFFFFF0, v10  }
0x76: {  	v9 =	vor.u32 v9, v10  }
0x77: {  	v10 =	vperm.xlane v9, v5;
	_ =	sdelay $0x1  }
0x78: {  	v9 =	vperm.xlane v9, v7;
	v10 =	vadd.s32 v6, v10;
	_ =	sdelay $0x1  }
0x79: {  	v9 =	vadd.s32 v6, v9;
	_ =	sdelay $0x1  }
0x7a: {  	s13 =	simm.s32 $0x400  }
0x7b: {  	[tilespmem:s13], [sflag:$0x2] =	stream.indirect_vreg.gather [hbm4b:s8+s6], $0x80, v10, vm0, $0xb8;
	[tilespmem:$0x1E500] =	vst v63  }
0x7c: {  	s18 =	simm.s32 $0xC00  }
0x7d: {  	[tilespmem:s18], [sflag:$0x2] =	stream.indirect_vreg.gather [hbm4b:s8+s6], $0x80, v9, vm0, $0xb8;
	[tilespmem:$0x1E500] =	vst v63  }
0x7e: {  	v9 =	vld [tilespmem:$0x190];
	_ =	sdelay $0x4  }
0x7f: {  	v10 =	vshll.u32 v9, $0x1  }
0x80: {  	v9 =	vand.u32 $0x7, v9;
	v10 =	vand.u32 $0xFFFFFFF0, v10  }
0x81: {  	v9 =	vor.u32 v9, v10  }
0x82: {  	v10 =	vperm.xlane v9, v5;
	_ =	sdelay $0x1  }
0x83: {  	v9 =	vperm.xlane v9, v7;
	v10 =	vadd.s32 v6, v10;
	_ =	sdelay $0x1  }
0x84: {  	v9 =	vadd.s32 v6, v9;
	_ =	sdelay $0x1  }
0x85: {  	s19 =	simm.s32 $0x1400  }
0x86: {  	[tilespmem:s19], [sflag:$0x2] =	stream.indirect_vreg.gather [hbm4b:s8+s6], $0x80, v10, vm0, $0xb8;
	[tilespmem:$0x1E500] =	vst v63  }
0x87: {  	s20 =	simm.s32 $0x1C00  }
0x88: {  	[tilespmem:s20], [sflag:$0x2] =	stream.indirect_vreg.gather [hbm4b:s8+s6], $0x80, v9, vm0, $0xb8;
	[tilespmem:$0x1E500] =	vst v63  }
0x89: {  	v9 =	vld.msk [tilespmem:$0x1A0], $0xff;
	_ =	sdelay $0x4  }
0x8a: {  	v10 =	vshll.u32 v9, $0x1  }
0x8b: {  	v9 =	vand.u32 $0x7, v9;
	v10 =	vand.u32 $0xFFFFFFF0, v10  }
0x8c: {  	v9 =	vor.u32 v9, v10  }
0x8d: {  	v9 =	vperm.xlane v9, v5;
	_ =	sdelay $0x1  }
0x8e: {  	v9 =	vadd.s32 v6, v9;
	_ =	sdelay $0x3  }
0x8f: {  	s21 =	simm.s32 $0x2400  }
0x90: {  	[tilespmem:s21], [sflag:$0x2] =	stream.indirect_vreg.gather [hbm4b:s8+s6], $0x80, v9, vm0, $0xb8;
	[tilespmem:$0x1E500] =	vst v63  }
0x91: {  	v9 =	vld [tilespmem:$0x1A8];
	_ =	sdelay $0x4  }
0x92: {  	v10 =	vshll.u32 v9, $0x1  }
0x93: {  	v9 =	vand.u32 $0x7, v9;
	v10 =	vand.u32 $0xFFFFFFF0, v10  }
0x94: {  	v9 =	vor.u32 v9, v10  }
0x95: {  	v10 =	vperm.xlane v9, v5;
	_ =	sdelay $0x1  }
0x96: {  	v9 =	vperm.xlane v9, v7;
	v10 =	vadd.s32 v6, v10;
	_ =	sdelay $0x1  }
0x97: {  	v9 =	vadd.s32 v6, v9;
	_ =	sdelay $0x1  }
0x98: {  	s22 =	simm.s32 $0x2C00  }
0x99: {  	[tilespmem:s22], [sflag:$0x3] =	stream.indirect_vreg.gather [hbm4b:s8+s6], $0x80, v10, vm0, $0xb8;
	[tilespmem:$0x1E500] =	vst v63  }
0x9a: {  	s23 =	simm.s32 $0x3400  }
0x9b: {  	[tilespmem:s23], [sflag:$0x3] =	stream.indirect_vreg.gather [hbm4b:s8+s6], $0x80, v9, vm0, $0xb8;
	[tilespmem:$0x1E500] =	vst v63  }
0x9c: {  	v9 =	vld [tilespmem:$0x1B8];
	_ =	sdelay $0x4  }
0x9d: {  	v10 =	vshll.u32 v9, $0x1  }
0x9e: {  	v9 =	vand.u32 $0x7, v9;
	v10 =	vand.u32 $0xFFFFFFF0, v10  }
0x9f: {  	v9 =	vor.u32 v9, v10  }
0xa0: {  	v10 =	vperm.xlane v9, v5;
	_ =	sdelay $0x1  }
0xa1: {  	v9 =	vperm.xlane v9, v7;
	v10 =	vadd.s32 v6, v10;
	_ =	sdelay $0x1  }
0xa2: {  	v9 =	vadd.s32 v6, v9;
	_ =	sdelay $0x1  }
0xa3: {  	s24 =	simm.s32 $0x3C00  }
0xa4: {  	[tilespmem:s24], [sflag:$0x3] =	stream.indirect_vreg.gather [hbm4b:s8+s6], $0x80, v10, vm0, $0xb8;
	[tilespmem:$0x1E500] =	vst v63  }
0xa5: {  	s25 =	simm.s32 $0x4400  }
0xa6: {  	[tilespmem:s25], [sflag:$0x3] =	stream.indirect_vreg.gather [hbm4b:s8+s6], $0x80, v9, vm0, $0xb8;
	[tilespmem:$0x1E500] =	vst v63  }
0xa7: {  	v9 =	vld.msk [tilespmem:$0x1C8], $0xff;
	_ =	sdelay $0x1  }
0xa8: {  	p0 =	seq.s32 s17, $0x1  }
0xa9: {  	s4 =	sadd.s32 @!p0 $0x48, s1  }
0xaa: {  	p1 =	slt.s32 @!p0 s4, $0x270B0  }
0xab: {  	p1 =	por !p1, p0;
	v10 =	vshll.u32 v9, $0x1  }
0xac: {  	p2 =	slt.s32 @!p0 s4, $0x1;
	s4 =	simm.s32 @p1 $0x270B0;
	v9 =	vand.u32 $0x7, v9;
	v10 =	vand.u32 $0xFFFFFFF0, v10  }
0xad: {  	s13 =	sand.u32 @!p0 $0x7, s4;
	v9 =	vor.u32 v9, v10  }
0xae: {  	p1 =	sne.s32 @!p0 s13, $0x0;
	v9 =	vperm.xlane v9, v5  }
0xaf: {  	s13 =	sshra.s32 @!p0 s4, $0x1F;
	p1 =	por @!p0 !p2, !p1  }
0xb0: {  	s13 =	sshrl.u32 @!p0 s13, $0x1D;
	p1 =	por @!p0 !p1, !p1;
	v9 =	vadd.s32 v6, v9  }
0xb1: {  	s4 =	sadd.s32 @!p0 s13, s4;
	s13 =	simm.s32 @!p0 $0x1;
	p1 =	por !p1, p0  }
0xb2: {  	s4 =	sshrl.u32 @!p0 s4, $0x3;
	s13 =	simm.s32 @p1 $0x0  }
0xb3: {  	s4 =	ssub.s32 @!p0 s4, s13  }
0xb4: {  	s26 =	simm.s32 $0x4C00;
	s4 =	sand.u32 @!p0 $0x1FFFFFFF, s4  }
0xb5: {  	[tilespmem:s26], [sflag:$0x3] =	stream.indirect_vreg.gather [hbm4b:s8+s6], $0x80, v9, vm0, $0xb8;
	[tilespmem:$0x1E500] =	vst v63  }
0xb6: {  	s18 =	simm.s32 @!p0 $0x200;
	s13 =	simm.s32 @!p0 $0x0;
	s4 =	sadd.s32 @!p0 s0, s4  }
0xb7: {  	[tilespmem:s18], [sflag:$0x1] =	stream.linear.gather @!p0 [hbm4b:s4+s13], $0x50, $0x38;
	[tilespmem:$0x1E500] =	vst v63  }
0xb8: {  	s21 =	simm.s32 $0x0;
	s18 =	sadd.s32 $0xFFFFFFFE, s17  }
.LBB2_5:
0xb9: {  	s19 =	sadd.s32 $0x1, s21  }
0xba: {  	p0 =	sge.s32 s19, s17  }
.Ltmp2:
0xbb: {  	_ = 	snop;
	(pc) =	sbr.rel @p0 .LBB2_7-.Ltmp2, $3  }
0xbc: {  	s4 =	smul.u32 $0x48, s21;
	_ =	sdelay $0x1  }
0xbd: {  	s22 =	sadd.s32 s1, s4  }
0xbe: {  	s20 =	sand.u32 $0x1, s21;
	s23 =	sadd.s32 $0x48, s22  }
0xbf: {  	_ =	swait.ge [sflag:s14], $0x50  }
0xc0: {  	s13 =	sxor.u32 $0x1, s20;
	[sflag:s14] =	ssyncset.done $0x0  }
0xc1: {  	s4 =	sshll.u32 s13, $0x7;
	[sflag:s14] =	ssyncadd.s32 $0xFFFFFFB0  }
0xc2: {  	v9 =	vld [tilespmem:s4+$0x180];
	_ =	sdelay $0x4  }
0xc3: {  	v10 =	vshll.u32 v9, $0x1  }
0xc4: {  	v9 =	vand.u32 $0x7, v9;
	v10 =	vand.u32 $0xFFFFFFF0, v10  }
0xc5: {  	v9 =	vor.u32 v9, v10  }
0xc6: {  	v10 =	vperm.xlane v9, v5;
	_ =	sdelay $0x1  }
0xc7: {  	v9 =	vperm.xlane v9, v7;
	v10 =	vadd.s32 v6, v10  }
0xc8: {  	s13 =	smul.u32 $0x14000, s13  }
0xc9: {  	v9 =	vadd.s32 v6, v9  }
0xca: {  	s13 =	sshrl.u32 s13, $0x2  }
0xcb: {  	s24 =	sor.u32 $0x400, s13  }
0xcc: {  	[tilespmem:s24], [sflag:$0x2] =	stream.indirect_vreg.gather [hbm4b:s8+s6], $0x80, v10, vm0, $0xb8;
	[tilespmem:$0x1E500] =	vst v63  }
0xcd: {  	s11 =	sor.u32 $0xC00, s13  }
0xce: {  	[tilespmem:s11], [sflag:$0x2] =	stream.indirect_vreg.gather [hbm4b:s8+s6], $0x80, v9, vm0, $0xb8;
	[tilespmem:$0x1E500] =	vst v63  }
0xcf: {  	v9 =	vld [tilespmem:s4+$0x190];
	_ =	sdelay $0x4  }
0xd0: {  	v10 =	vshll.u32 v9, $0x1  }
0xd1: {  	v9 =	vand.u32 $0x7, v9;
	v10 =	vand.u32 $0xFFFFFFF0, v10  }
0xd2: {  	v9 =	vor.u32 v9, v10  }
0xd3: {  	v10 =	vperm.xlane v9, v5;
	_ =	sdelay $0x1  }
0xd4: {  	v9 =	vperm.xlane v9, v7;
	v10 =	vadd.s32 v6, v10;
	_ =	sdelay $0x1  }
0xd5: {  	v9 =	vadd.s32 v6, v9;
	_ =	sdelay $0x1  }
0xd6: {  	s25 =	sadd.s32 $0x1400, s13  }
0xd7: {  	[tilespmem:s25], [sflag:$0x2] =	stream.indirect_vreg.gather [hbm4b:s8+s6], $0x80, v10, vm0, $0xb8;
	[tilespmem:$0x1E500] =	vst v63  }
0xd8: {  	s26 =	sadd.s32 $0x1C00, s13  }
0xd9: {  	[tilespmem:s26], [sflag:$0x2] =	stream.indirect_vreg.gather [hbm4b:s8+s6], $0x80, v9, vm0, $0xb8;
	[tilespmem:$0x1E500] =	vst v63  }
0xda: {  	v9 =	vld.msk [tilespmem:s4+$0x1A0], $0xff;
	_ =	sdelay $0x4  }
0xdb: {  	v10 =	vshll.u32 v9, $0x1  }
0xdc: {  	v9 =	vand.u32 $0x7, v9;
	v10 =	vand.u32 $0xFFFFFFF0, v10  }
0xdd: {  	v9 =	vor.u32 v9, v10  }
0xde: {  	v9 =	vperm.xlane v9, v5;
	_ =	sdelay $0x1  }
0xdf: {  	v9 =	vadd.s32 v6, v9;
	_ =	sdelay $0x3  }
0xe0: {  	s9 =	sadd.s32 $0x2400, s13  }
0xe1: {  	[tilespmem:s9], [sflag:$0x2] =	stream.indirect_vreg.gather [hbm4b:s8+s6], $0x80, v9, vm0, $0xb8;
	[tilespmem:$0x1E500] =	vst v63  }
0xe2: {  	v9 =	vld [tilespmem:s4+$0x1A8];
	_ =	sdelay $0x4  }
0xe3: {  	v10 =	vshll.u32 v9, $0x1  }
0xe4: {  	v9 =	vand.u32 $0x7, v9;
	v10 =	vand.u32 $0xFFFFFFF0, v10  }
0xe5: {  	v9 =	vor.u32 v9, v10  }
0xe6: {  	v10 =	vperm.xlane v9, v5;
	_ =	sdelay $0x1  }
0xe7: {  	v9 =	vperm.xlane v9, v7;
	v10 =	vadd.s32 v6, v10;
	_ =	sdelay $0x1  }
0xe8: {  	v9 =	vadd.s32 v6, v9;
	_ =	sdelay $0x1  }
0xe9: {  	s11 =	sadd.s32 $0x2C00, s13  }
0xea: {  	[tilespmem:s11], [sflag:$0x3] =	stream.indirect_vreg.gather [hbm4b:s8+s6], $0x80, v10, vm0, $0xb8;
	[tilespmem:$0x1E500] =	vst v63  }
0xeb: {  	s25 =	sadd.s32 $0x3400, s13  }
0xec: {  	[tilespmem:s25], [sflag:$0x3] =	stream.indirect_vreg.gather [hbm4b:s8+s6], $0x80, v9, vm0, $0xb8;
	[tilespmem:$0x1E500] =	vst v63  }
0xed: {  	v9 =	vld [tilespmem:s4+$0x1B8];
	_ =	sdelay $0x4  }
0xee: {  	v10 =	vshll.u32 v9, $0x1  }
0xef: {  	v9 =	vand.u32 $0x7, v9;
	v10 =	vand.u32 $0xFFFFFFF0, v10  }
0xf0: {  	v9 =	vor.u32 v9, v10  }
0xf1: {  	v10 =	vperm.xlane v9, v5;
	_ =	sdelay $0x1  }
0xf2: {  	v9 =	vperm.xlane v9, v7;
	v10 =	vadd.s32 v6, v10;
	_ =	sdelay $0x1  }
0xf3: {  	v9 =	vadd.s32 v6, v9;
	_ =	sdelay $0x1  }
0xf4: {  	s26 =	sadd.s32 $0x3C00, s13  }
0xf5: {  	[tilespmem:s26], [sflag:$0x3] =	stream.indirect_vreg.gather [hbm4b:s8+s6], $0x80, v10, vm0, $0xb8;
	[tilespmem:$0x1E500] =	vst v63  }
0xf6: {  	s9 =	sadd.s32 $0x4400, s13  }
0xf7: {  	[tilespmem:s9], [sflag:$0x3] =	stream.indirect_vreg.gather [hbm4b:s8+s6], $0x80, v9, vm0, $0xb8;
	[tilespmem:$0x1E500] =	vst v63  }
0xf8: {  	v9 =	vld.msk [tilespmem:s4+$0x1C8], $0xff;
	_ =	sdelay $0x4  }
0xf9: {  	v10 =	vshll.u32 v9, $0x1  }
0xfa: {  	p1 =	slt.s32 s23, $0x270B0;
	s24 =	smov.u32 s23;
	v9 =	vand.u32 $0x7, v9;
	v10 =	vand.u32 $0xFFFFFFF0, v10  }
0xfb: {  	s24 =	simm.s32 @!p1 $0x270B0;
	v9 =	vor.u32 v9, v10  }
0xfc: {  	s25 =	sand.u32 $0x7, s24;
	v9 =	vperm.xlane v9, v5  }
0xfd: {  	p2 =	slt.s32 s23, $0x1;
	s11 =	sshra.s32 s24, $0x1F;
	p6 =	sne.s32 s25, $0x0  }
0xfe: {  	s25 =	sshrl.u32 s11, $0x1D;
	p1 =	por !p2, !p6;
	v9 =	vadd.s32 v6, v9  }
0xff: {  	s24 =	sadd.s32 s25, s24;
	s25 =	simm.s32 $0x1;
	p1 =	por !p1, !p1  }
0x100: {  	s24 =	sshrl.u32 s24, $0x3;
	s25 =	simm.s32 @!p1 $0x0  }
0x101: {  	s24 =	ssub.s32 s24, s25  }
0x102: {  	s13 =	sadd.s32 $0x4C00, s13;
	s24 =	sand.u32 $0x1FFFFFFF, s24  }
0x103: {  	[tilespmem:s13], [sflag:$0x3] =	stream.indirect_vreg.gather [hbm4b:s8+s6], $0x80, v9, vm0, $0xb8;
	[tilespmem:$0x1E500] =	vst v63  }
0x104: {  	s26 =	sadd.s32 s2, s24;
	s4 =	sadd.s32 $0x280, s4  }
0x105: {  	[tilespmem:s4], [sflag:$0x4] =	stream.linear.gather [hbm4b:s26+s6], $0x50, $0x38;
	[tilespmem:$0x1E500] =	vst v63  }
.LBB2_7:
0x106: {  	p1 =	slt.s32 s22, $0x270B0;
	s4 =	smov.u32 s22  }
0x107: {  	s4 =	simm.s32 @!p1 $0x270B0  }
0x108: {  	s13 =	sand.u32 $0x7, s4  }
0x109: {  	p4 =	slt.s32 s22, $0x1;
	s24 =	sshra.s32 s4, $0x1F;
	p2 =	sne.s32 s13, $0x0  }
0x10a: {  	s26 =	sshrl.u32 s24, $0x1D;
	p1 =	por !p4, !p2  }
0x10b: {  	v14 =	vld.idx.msk [tilespmem:v8+s6+$0x0], $0xffff;
	s13 =	simm.s32 $0x1;
	s4 =	sadd.s32 s26, s4;
	p1 =	por !p1, !p1  }
0x10c: {  	s4 =	sshrl.u32 s4, $0x3;
	s13 =	simm.s32 @!p1 $0x0  }
0x10d: {  	s4 =	ssub.s32 s4, s13  }
0x10e: {  	s4 =	sshll.u32 s4, $0x3  }
0x10f: {  	v9 =	vadd.s32 s4, v2  }
0x110: {  	vm2 =	vle.s32 v14, v9  }
0x111: {  	vm2 =	vmand vm1, vm2  }
0x112: {  	v15 =	vsel vm2, v3, v1  }
0x113: {  	v16 =	vadd.s32 $0x80, v15  }
0x114: {  	v10 =	vsub.s32 v16, v1  }
0x115: {  	vm2 =	vlt.s32 v10, $0x14F  }
0x116: {  	v10 =	vnsel vm2, $0x14F, v10;
	_ =	sdelay $0x3  }
0x117: {  	s9 =	sadd.s32 $0x10, s4  }
0x118: {  	s11 =	sadd.s32 $0x20, s4;
	v11 =	vadd.s32 s9, v2;
	v12 =	vld.idx.msk [tilespmem:v10+s6+$0x0], $0xffff  }
0x119: {  	vm2 =	vle.s32 v14, v11;
	v10 =	vadd.s32 s11, v2  }
0x11a: {  	vm2 =	vmand vm1, vm2;
	vm3 =	vle.s32 v14, v10  }
0x11b: {  	v17 =	vsel vm2, v3, v1;
	vm2 =	vmand vm1, vm3  }
0x11c: {  	v18 =	vadd.s32 $0x80, v17;
	v19 =	vsel vm2, v3, v1;
	vm2 =	vlt.s32 v16, v4  }
0x11d: {  	v20 =	vadd.s32 $0x80, v19;
	vm3 =	vle.s32 v12, v9;
	v12 =	vsub.s32 v18, v1  }
0x11e: {  	s24 =	sadd.s32 $0x30, s4;
	v21 =	vsub.s32 v20, v1;
	vm2 =	vmand vm3, vm2;
	vm3 =	vlt.s32 v12, $0x14F  }
0x11f: {  	s4 =	sadd.s32 $0x40, s4;
	v13 =	vadd.s32 s24, v2;
	v22 =	vnsel vm3, $0x14F, v12;
	vm3 =	vlt.s32 v21, $0x14F  }
0x120: {  	v12 =	vadd.s32 s4, v2;
	v21 =	vnsel vm3, $0x14F, v21;
	vm3 =	vle.s32 v14, v13  }
0x121: {  	v15 =	vsel vm2, v16, v15;
	vm2 =	vmand vm1, vm3;
	vm3 =	vle.s32 v14, v12  }
0x122: {  	v14 =	vadd.s32 $0x40, v15;
	v16 =	vsel vm2, v3, v1;
	vm2 =	vmand vm1, vm3  }
0x123: {  	v23 =	vsub.s32 v14, v1;
	v24 =	vadd.s32 $0x80, v16;
	v25 =	vsel vm2, v3, v1  }
0x124: {  	vm2 =	vlt.s32 v23, $0x14F;
	v22 =	vld.idx.msk [tilespmem:v22+s6+$0x0], $0xffff;
	v26 =	vsub.s32 v24, v1;
	v27 =	vadd.s32 $0x80, v25  }
0x125: {  	v23 =	vnsel vm2, $0x14F, v23;
	v21 =	vld.idx.msk [tilespmem:v21+s6+$0x0], $0xffff;
	vm2 =	vlt.s32 v26, $0x14F;
	v28 =	vsub.s32 v27, v1  }
0x126: {  	v26 =	vnsel vm2, $0x14F, v26;
	vm2 =	vlt.s32 v28, $0x14F  }
0x127: {  	v28 =	vnsel vm2, $0x14F, v28;
	_ =	sdelay $0x1  }
0x128: {  	vm3 =	vlt.s32 v18, v4;
	vm2 =	vle.s32 v22, v11  }
0x129: {  	vm4 =	vlt.s32 v20, v4;
	v22 =	vld.idx.msk [tilespmem:v23+s6+$0x0], $0xffff;
	vm2 =	vmand vm3, vm2;
	vm3 =	vle.s32 v21, v10  }
0x12a: {  	v17 =	vsel vm2, v18, v17;
	vm2 =	vmand vm4, vm3;
	v18 =	vld.idx.msk [tilespmem:v26+s6+$0x0], $0xffff  }
0x12b: {  	v21 =	vadd.s32 $0x40, v17;
	v19 =	vsel vm2, v20, v19;
	v20 =	vld.idx.msk [tilespmem:v28+s6+$0x0], $0xffff  }
0x12c: {  	v23 =	vsub.s32 v21, v1;
	v26 =	vadd.s32 $0x40, v19  }
0x12d: {  	vm2 =	vlt.s32 v23, $0x14F;
	v28 =	vsub.s32 v26, v1  }
0x12e: {  	vm3 =	vle.s32 v22, v9;
	v22 =	vnsel vm2, $0x14F, v23;
	vm2 =	vlt.s32 v28, $0x14F  }
0x12f: {  	vm10 =	vlt.s32 v24, v4;
	v23 =	vnsel vm2, $0x14F, v28;
	vm2 =	vle.s32 v18, v13  }
0x130: {  	vm5 =	vlt.s32 v27, v4;
	vm2 =	vmand vm10, vm2;
	vm11 =	vle.s32 v20, v12  }
0x131: {  	v16 =	vsel vm2, v24, v16;
	vm2 =	vlt.s32 v14, v4;
	vm4 =	vmand vm5, vm11  }
0x132: {  	vm2 =	vmand vm3, vm2;
	v18 =	vadd.s32 $0x40, v16;
	v20 =	vsel vm4, v27, v25  }
0x133: {  	v14 =	vsel vm2, v14, v15;
	v15 =	vld.idx.msk [tilespmem:v22+s6+$0x0], $0xffff;
	v22 =	vsub.s32 v18, v1;
	v24 =	vadd.s32 $0x40, v20  }
0x134: {  	v25 =	vadd.s32 $0x20, v14;
	v23 =	vld.idx.msk [tilespmem:v23+s6+$0x0], $0xffff;
	vm2 =	vlt.s32 v22, $0x14F;
	v27 =	vsub.s32 v24, v1  }
0x135: {  	v28 =	vsub.s32 v25, v1;
	v22 =	vnsel vm2, $0x14F, v22;
	vm2 =	vlt.s32 v27, $0x14F  }
0x136: {  	vm3 =	vlt.s32 v28, $0x14F;
	v27 =	vnsel vm2, $0x14F, v27  }
0x137: {  	v28 =	vnsel vm3, $0x14F, v28  }
0x138: {  	vm3 =	vlt.s32 v21, v4;
	vm2 =	vle.s32 v15, v11  }
0x139: {  	vm12 =	vlt.s32 v26, v4;
	vm2 =	vmand vm2, vm3;
	vm3 =	vle.s32 v23, v10  }
0x13a: {  	v15 =	vsel vm2, v21, v17;
	vm2 =	vmand vm3, vm12;
	v17 =	vld.idx.msk [tilespmem:v22+s6+$0x0], $0xffff  }
0x13b: {  	v21 =	vadd.s32 $0x20, v15;
	v19 =	vsel vm2, v26, v19;
	v22 =	vld.idx.msk [tilespmem:v27+s6+$0x0], $0xffff  }
0x13c: {  	v23 =	vld.idx.msk [tilespmem:v28+s6+$0x0], $0xffff;
	v26 =	vsub.s32 v21, v1;
	v27 =	vadd.s32 $0x20, v19  }
0x13d: {  	vm2 =	vlt.s32 v26, $0x14F;
	v28 =	vsub.s32 v27, v1  }
0x13e: {  	v26 =	vnsel vm2, $0x14F, v26;
	vm2 =	vlt.s32 v28, $0x14F  }
0x13f: {  	vm3 =	vlt.s32 v18, v4;
	v28 =	vnsel vm2, $0x14F, v28;
	vm2 =	vle.s32 v17, v13  }
0x140: {  	vm13 =	vlt.s32 v24, v4;
	vm2 =	vmand vm2, vm3;
	vm3 =	vle.s32 v22, v12  }
0x141: {  	vm14 =	vle.s32 v23, v9;
	v16 =	vsel vm2, v18, v16;
	vm2 =	vmand vm3, vm13  }
0x142: {  	vm3 =	vlt.s32 v25, v4;
	v17 =	vadd.s32 $0x20, v16;
	v18 =	vsel vm2, v24, v20  }
0x143: {  	vm2 =	vmand vm14, vm3;
	v20 =	vld.idx.msk [tilespmem:v26+s6+$0x0], $0xffff;
	v22 =	vsub.s32 v17, v1;
	v23 =	vadd.s32 $0x20, v18  }
0x144: {  	v14 =	vsel vm2, v25, v14;
	v24 =	vld.idx.msk [tilespmem:v28+s6+$0x0], $0xffff;
	vm2 =	vlt.s32 v22, $0x14F;
	v25 =	vsub.s32 v23, v1  }
0x145: {  	v26 =	vadd.s32 $0x10, v14;
	v22 =	vnsel vm2, $0x14F, v22;
	vm2 =	vlt.s32 v25, $0x14F  }
0x146: {  	v28 =	vsub.s32 v26, v1;
	v25 =	vnsel vm2, $0x14F, v25  }
0x147: {  	vm2 =	vlt.s32 v28, $0x14F  }
0x148: {  	vm3 =	vlt.s32 v21, v4;
	v28 =	vnsel vm2, $0x14F, v28;
	vm2 =	vle.s32 v20, v11  }
0x149: {  	vm15 =	vlt.s32 v27, v4;
	vm2 =	vmand vm2, vm3;
	vm3 =	vle.s32 v24, v10  }
0x14a: {  	v15 =	vsel vm2, v21, v15;
	vm2 =	vmand vm3, vm15;
	v20 =	vld.idx.msk [tilespmem:v22+s6+$0x0], $0xffff  }
0x14b: {  	v21 =	vadd.s32 $0x10, v15;
	v19 =	vsel vm2, v27, v19;
	v22 =	vld.idx.msk [tilespmem:v25+s6+$0x0], $0xffff  }
0x14c: {  	v24 =	vsub.s32 v21, v1;
	v25 =	vadd.s32 $0x10, v19  }
0x14d: {  	v27 =	vld.idx.msk [tilespmem:v28+s6+$0x0], $0xffff;
	vm2 =	vlt.s32 v24, $0x14F;
	v28 =	vsub.s32 v25, v1  }
0x14e: {  	v24 =	vnsel vm2, $0x14F, v24;
	vm2 =	vlt.s32 v28, $0x14F  }
0x14f: {  	vm3 =	vlt.s32 v17, v4;
	v28 =	vnsel vm2, $0x14F, v28;
	vm2 =	vle.s32 v20, v13  }
0x150: {  	vm8 =	vlt.s32 v23, v4;
	vm2 =	vmand vm2, vm3;
	vm3 =	vle.s32 v22, v12  }
0x151: {  	v16 =	vsel vm2, v17, v16;
	vm2 =	vmand vm3, vm8  }
0x152: {  	vm3 =	vle.s32 v27, v9;
	v17 =	vadd.s32 $0x10, v16;
	v18 =	vsel vm2, v23, v18  }
0x153: {  	vm2 =	vlt.s32 v26, v4;
	v20 =	vld.idx.msk [tilespmem:v24+s6+$0x0], $0xffff;
	v22 =	vsub.s32 v17, v1;
	v23 =	vadd.s32 $0x10, v18  }
0x154: {  	vm2 =	vmand vm3, vm2;
	v24 =	vld.idx.msk [tilespmem:v28+s6+$0x0], $0xffff;
	vm3 =	vlt.s32 v22, $0x14F;
	v27 =	vsub.s32 v23, v1  }
0x155: {  	v14 =	vsel vm2, v26, v14;
	v22 =	vnsel vm3, $0x14F, v22;
	vm2 =	vlt.s32 v27, $0x14F  }
0x156: {  	v27 =	vnsel vm2, $0x14F, v27  }
0x157: {  	vm9 =	vlt.s32 v21, v4;
	v26 =	vadd.s32 $0x8, v14  }
0x158: {  	vm11 =	vlt.s32 v25, v4;
	v28 =	vsub.s32 v26, v1;
	vm3 =	vle.s32 v20, v11  }
0x159: {  	vm2 =	vlt.s32 v28, $0x14F;
	vm3 =	vmand vm3, vm9;
	vm10 =	vle.s32 v24, v10  }
0x15a: {  	v20 =	vnsel vm2, $0x14F, v28;
	v15 =	vsel vm3, v21, v15;
	vm2 =	vmand vm10, vm11;
	v21 =	vld.idx.msk [tilespmem:v22+s6+$0x0], $0xffff  }
0x15b: {  	v22 =	vadd.s32 $0x8, v15;
	v19 =	vsel vm2, v25, v19;
	v24 =	vld.idx.msk [tilespmem:v27+s6+$0x0], $0xffff  }
0x15c: {  	v25 =	vsub.s32 v22, v1;
	v27 =	vadd.s32 $0x8, v19  }
0x15d: {  	vm2 =	vlt.s32 v25, $0x14F;
	v28 =	vsub.s32 v27, v1  }
0x15e: {  	v25 =	vnsel vm2, $0x14F, v25;
	vm2 =	vlt.s32 v28, $0x14F  }
0x15f: {  	vm3 =	vlt.s32 v17, v4;
	v20 =	vld.idx.msk [tilespmem:v20+s6+$0x0], $0xffff;
	v28 =	vnsel vm2, $0x14F, v28;
	vm2 =	vle.s32 v21, v13  }
0x160: {  	vm12 =	vlt.s32 v23, v4;
	vm2 =	vmand vm2, vm3;
	vm3 =	vle.s32 v24, v12  }
0x161: {  	v16 =	vsel vm2, v17, v16;
	vm2 =	vmand vm3, vm12  }
0x162: {  	v17 =	vadd.s32 $0x8, v16;
	v18 =	vsel vm2, v23, v18  }
0x163: {  	v21 =	vld.idx.msk [tilespmem:v25+s6+$0x0], $0xffff;
	v23 =	vsub.s32 v17, v1;
	v24 =	vadd.s32 $0x8, v18  }
0x164: {  	vm2 =	vle.s32 v20, v9;
	v20 =	vld.idx.msk [tilespmem:v28+s6+$0x0], $0xffff;
	vm3 =	vlt.s32 v23, $0x14F;
	v25 =	vsub.s32 v24, v1  }
0x165: {  	v23 =	vnsel vm3, $0x14F, v23;
	vm3 =	vlt.s32 v25, $0x14F  }
0x166: {  	vm13 =	vlt.s32 v26, v4;
	v25 =	vnsel vm3, $0x14F, v25  }
0x167: {  	vm14 =	vlt.s32 v27, v4;
	vm2 =	vmand vm2, vm13  }
0x168: {  	v14 =	vsel vm2, v26, v14;
	vm3 =	vlt.s32 v22, v4;
	vm2 =	vle.s32 v21, v11  }
0x169: {  	v26 =	vadd.s32 $0x4, v14;
	vm2 =	vmand vm2, vm3;
	vm3 =	vle.s32 v20, v10  }
0x16a: {  	v20 =	vsub.s32 v26, v1;
	v15 =	vsel vm2, v22, v15;
	vm2 =	vmand vm3, vm14;
	v21 =	vld.idx.msk [tilespmem:v23+s6+$0x0], $0xffff  }
0x16b: {  	vm3 =	vlt.s32 v20, $0x14F;
	v22 =	vadd.s32 $0x4, v15;
	v19 =	vsel vm2, v27, v19;
	v23 =	vld.idx.msk [tilespmem:v25+s6+$0x0], $0xffff  }
0x16c: {  	v20 =	vnsel vm3, $0x14F, v20;
	v25 =	vsub.s32 v22, v1;
	v27 =	vadd.s32 $0x4, v19  }
0x16d: {  	vm2 =	vlt.s32 v25, $0x14F;
	v28 =	vsub.s32 v27, v1  }
0x16e: {  	v25 =	vnsel vm2, $0x14F, v25;
	vm2 =	vlt.s32 v28, $0x14F  }
0x16f: {  	vm3 =	vlt.s32 v17, v4;
	v28 =	vnsel vm2, $0x14F, v28;
	vm2 =	vle.s32 v21, v13  }
0x170: {  	vm15 =	vlt.s32 v24, v4;
	vm2 =	vmand vm2, vm3;
	vm3 =	vle.s32 v23, v12  }
0x171: {  	v20 =	vld.idx.msk [tilespmem:v20+s6+$0x0], $0xffff;
	v16 =	vsel vm2, v17, v16;
	vm2 =	vmand vm3, vm15  }
0x172: {  	v17 =	vadd.s32 $0x4, v16;
	v18 =	vsel vm2, v24, v18  }
0x173: {  	v21 =	vld.idx.msk [tilespmem:v25+s6+$0x0], $0xffff;
	v23 =	vsub.s32 v17, v1;
	v24 =	vadd.s32 $0x4, v18  }
0x174: {  	vm2 =	vlt.s32 v23, $0x14F;
	v25 =	vsub.s32 v24, v1  }
0x175: {  	v23 =	vnsel vm2, $0x14F, v23;
	vm2 =	vlt.s32 v25, $0x14F  }
0x176: {  	vm8 =	vlt.s32 v26, v4;
	v28 =	vld.idx.msk [tilespmem:v28+s6+$0x0], $0xffff;
	vm3 =	vle.s32 v20, v9;
	v20 =	vnsel vm2, $0x14F, v25  }
0x177: {  	vm2 =	vmand vm3, vm8  }
0x178: {  	vm3 =	vlt.s32 v22, v4;
	v14 =	vsel vm2, v26, v14;
	vm2 =	vle.s32 v21, v11  }
0x179: {  	vm2 =	vmand vm2, vm3  }
0x17a: {  	v21 =	vadd.s32 $0x2, v14;
	vm3 =	vlt.s32 v27, v4;
	v15 =	vsel vm2, v22, v15;
	v22 =	vld.idx.msk [tilespmem:v23+s6+$0x0], $0xffff  }
0x17b: {  	vm2 =	vle.s32 v28, v10;
	v23 =	vsub.s32 v21, v1;
	v25 =	vadd.s32 $0x2, v15;
	v20 =	vld.idx.msk [tilespmem:v20+s6+$0x0], $0xffff  }
0x17c: {  	vm2 =	vmand vm2, vm3;
	vm3 =	vlt.s32 v23, $0x14F;
	v26 =	vsub.s32 v25, v1  }
0x17d: {  	v19 =	vsel vm2, v27, v19;
	v23 =	vnsel vm3, $0x14F, v23;
	vm2 =	vlt.s32 v26, $0x14F  }
0x17e: {  	vm9 =	vlt.s32 v17, v4;
	v27 =	vadd.s32 $0x2, v19;
	v26 =	vnsel vm2, $0x14F, v26  }
0x17f: {  	vm11 =	vlt.s32 v24, v4;
	v28 =	vsub.s32 v27, v1;
	vm3 =	vle.s32 v22, v13  }
0x180: {  	vm2 =	vlt.s32 v28, $0x14F;
	vm3 =	vmand vm3, vm9;
	vm10 =	vle.s32 v20, v12  }
0x181: {  	v20 =	vnsel vm2, $0x14F, v28;
	v16 =	vsel vm3, v17, v16;
	vm2 =	vmand vm10, vm11  }
0x182: {  	v17 =	vld.idx.msk [tilespmem:v23+s6+$0x0], $0xffff;
	v22 =	vadd.s32 $0x2, v16;
	v18 =	vsel vm2, v24, v18  }
0x183: {  	v23 =	vld.idx.msk [tilespmem:v26+s6+$0x0], $0xffff;
	v24 =	vsub.s32 v22, v1;
	v26 =	vadd.s32 $0x2, v18  }
0x184: {  	vm2 =	vlt.s32 v24, $0x14F;
	v28 =	vsub.s32 v26, v1  }
0x185: {  	v24 =	vnsel vm2, $0x14F, v24;
	vm2 =	vlt.s32 v28, $0x14F  }
0x186: {  	v20 =	vld.idx.msk [tilespmem:v20+s6+$0x0], $0xffff;
	v28 =	vnsel vm2, $0x14F, v28;
	_ =	sdelay $0x1  }
0x187: {  	vm3 =	vlt.s32 v21, v4;
	vm2 =	vle.s32 v17, v9  }
0x188: {  	vm12 =	vlt.s32 v25, v4;
	vm2 =	vmand vm2, vm3;
	vm3 =	vle.s32 v23, v11  }
0x189: {  	vm14 =	vlt.s32 v26, v4;
	v14 =	vsel vm2, v21, v14;
	vm2 =	vmand vm3, vm12;
	v21 =	vld.idx.msk [tilespmem:v24+s6+$0x0], $0xffff  }
0x18a: {  	v17 =	vadd.s32 $0x1, v14;
	v15 =	vsel vm2, v25, v15;
	vm2 =	vle.s32 v20, v10;
	v20 =	vld.idx.msk [tilespmem:v28+s6+$0x0], $0xffff  }
0x18b: {  	vm3 =	vlt.s32 v27, v4;
	v24 =	vsub.s32 v17, v1;
	v23 =	vadd.s32 $0x1, v15  }
0x18c: {  	vm2 =	vmand vm2, vm3;
	vm3 =	vlt.s32 v24, $0x14F;
	v25 =	vsub.s32 v23, v1  }
0x18d: {  	v19 =	vsel vm2, v27, v19;
	v24 =	vnsel vm3, $0x14F, v24;
	vm3 =	vlt.s32 v22, v4  }
0x18e: {  	vm13 =	vlt.s32 v25, $0x14F;
	v27 =	vadd.s32 $0x1, v19;
	vm2 =	vle.s32 v21, v13  }
0x18f: {  	v25 =	vnsel vm13, $0x14F, v25;
	vm2 =	vmand vm2, vm3;
	vm3 =	vle.s32 v20, v12  }
0x190: {  	v28 =	vsub.s32 v27, v1;
	v16 =	vsel vm2, v22, v16;
	vm2 =	vmand vm3, vm14  }
0x191: {  	vm15 =	vlt.s32 v28, $0x14F;
	v21 =	vadd.s32 $0x1, v16;
	v18 =	vsel vm2, v26, v18  }
0x192: {  	v20 =	vnsel vm15, $0x14F, v28;
	v22 =	vsub.s32 v21, v1;
	v26 =	vadd.s32 $0x1, v18  }
0x193: {  	vm2 =	vlt.s32 v22, $0x14F;
	v28 =	vsub.s32 v26, v1  }
0x194: {  	v24 =	vld.idx.msk [tilespmem:v24+s6+$0x0], $0xffff;
	v22 =	vnsel vm2, $0x14F, v22;
	vm2 =	vlt.s32 v28, $0x14F  }
0x195: {  	v28 =	vnsel vm2, $0x14F, v28  }
0x196: {  	v25 =	vld.idx.msk [tilespmem:v25+s6+$0x0], $0xffff  }
0x197: {  	v20 =	vld.idx.msk [tilespmem:v20+s6+$0x0], $0xffff;
	_ =	sdelay $0x1  }
0x198: {  	vm3 =	vlt.s32 v17, v4;
	vm2 =	vle.s32 v24, v9;
	v22 =	vld.idx.msk [tilespmem:v22+s6+$0x0], $0xffff  }
0x199: {  	vm8 =	vlt.s32 v23, v4;
	vm10 =	vlt.s32 v27, v4;
	vm2 =	vmand vm2, vm3;
	v24 =	vld.idx.msk [tilespmem:v28+s6+$0x0], $0xffff  }
0x19a: {  	vm11 =	vlt.s32 v26, v4;
	vm3 =	vle.s32 v25, v11;
	v14 =	vsel vm2, v17, v14  }
0x19b: {  	vm3 =	vmand vm3, vm8;
	v14 =	vsub.s32 v14, v1;
	vm9 =	vle.s32 v20, v10  }
0x19c: {  	v15 =	vsel vm3, v23, v15;
	vm3 =	vlt.s32 v21, v4;
	vm2 =	vmand vm9, vm10  }
0x19d: {  	s4 =	sshll.u32 s20, $0x7;
	[tilespmem:$0x380] =	vst v14;
	v15 =	vsub.s32 v15, v1;
	v17 =	vsel vm2, v27, v19;
	vm2 =	vle.s32 v22, v13  }
0x19e: {  	[tilespmem:$0x390] =	vst v15;
	v14 =	vsub.s32 v17, v1;
	v17 =	vld [tilespmem:s4+$0x280];
	vm2 =	vmand vm2, vm3;
	vm3 =	vle.s32 v24, v12  }
0x19f: {  	p1 =	slt.s32 s23, s15;
	s13 =	smov.u32 s15;
	v15 =	vld [tilespmem:s4+$0x290];
	[tilespmem:$0x3A0] =	vst v14;
	v14 =	vsel vm2, v21, v16;
	vm2 =	vmand vm3, vm11  }
0x1a0: {  	s13 =	smov.u32 @p1 s23;
	v16 =	vld [tilespmem:s4+$0x2A0];
	v14 =	vsub.s32 v14, v1;
	v18 =	vsel vm2, v26, v18  }
0x1a1: {  	vm3 =	vlt.s32 v9, s13;
	vm2 =	vge.s32 v9, s22;
	[tilespmem:$0x3B0] =	vst v14;
	v9 =	vsub.s32 v18, v1  }
0x1a2: {  	vm12 =	vlt.s32 v11, s13;
	vm2 =	vmand vm2, vm3;
	vm3 =	vge.s32 v11, s22;
	v11 =	vld [tilespmem:s4+$0x2B0];
	[tilespmem:$0x3C0] =	vst v9  }
0x1a3: {  	s23 =	sadd.s32 $0x90, s22;
	vm13 =	vge.s32 v10, s22;
	vm14 =	vlt.s32 v10, s13;
	vm3 =	vmand vm3, vm12;
	v9 =	vld [tilespmem:s4+$0x2C0]  }
0x1a4: {  	p2 =	slt.s32 s23, $0x270B0;
	v10 =	vnsel vm2, $0x0, v17;
	vm2 =	vmand vm13, vm14;
	v14 =	vnsel vm3, $0x0, v15  }
0x1a5: {  	p5 =	slt.s32 s23, $0x1;
	s23 =	simm.s32 @!p2 $0x270B0;
	[tilespmem:s4+$0x280] =	vst v10;
	vm3 =	vlt.s32 v13, s13;
	v10 =	vnsel vm2, $0x0, v16;
	vm2 =	vge.s32 v13, s22  }
0x1a6: {  	s26 =	sand.u32 $0x7, s23;
	vm15 =	vlt.s32 v12, s13;
	[tilespmem:s4+$0x290] =	vst v14;
	vm2 =	vmand vm2, vm3;
	vm3 =	vge.s32 v12, s22  }
0x1a7: {  	p6 =	sne.s32 s26, $0x0;
	[tilespmem:s4+$0x2A0] =	vst v10;
	v10 =	vnsel vm2, $0x0, v11;
	vm2 =	vmand vm3, vm15  }
0x1a8: {  	s9 =	simm.s32 $0x3;
	p1 =	por !p5, !p6;
	[tilespmem:s4+$0x2B0] =	vst v10;
	v9 =	vnsel vm2, $0x0, v9  }
0x1a9: {  	s25 =	sshra.s32 s23, $0x1F;
	s26 =	simm.s32 $0x2;
	p1 =	por !p1, !p1;
	[tilespmem:s4+$0x2C0] =	vst v9  }
0x1aa: {  	s11 =	simm.s32 $0x1;
	s13 =	sshrl.u32 s25, $0x1D;
	_ =	swait.ge [sflag:s28], $0x2800  }
0x1ab: {  	s13 =	sadd.s32 s13, s23;
	s22 =	simm.s32 $0x1;
	[sflag:s28] =	ssyncset.done $0x0  }
0x1ac: {  	s13 =	sshrl.u32 s13, $0x3;
	s22 =	simm.s32 @!p1 $0x0;
	v9 =	vmov s9;
	[sflag:s28] =	ssyncadd.s32 $0xFFFFD800  }
0x1ad: {  	p1 =	sge.s32 s21, s18;
	s13 =	ssub.s32 s13, s22;
	_ =	swait.ge [sflag:s29], $0x2800  }
0x1ae: {  	s21 =	sadd.s32 @!p1 $0x180, s4;
	s13 =	sand.u32 $0x1FFFFFFF, s13;
	[sflag:s29] =	ssyncset.done $0x0  }
0x1af: {  	s24 =	simm.s32 @!p1 $0x0;
	v11 =	vmov s26;
	s13 =	sadd.s32 @!p1 s0, s13;
	[sflag:s29] =	ssyncadd.s32 $0xFFFFD800  }
0x1b0: {  	v29 =	vmov s4;
	v10 =	vmov s11;
	[tilespmem:s21], [sflag:$0x1] =	stream.linear.gather @!p1 [hbm4b:s13+s24], $0x50, $0x38;
	[tilespmem:$0x1E500] =	vst v63  }
0x1b1: {  	s20 =	smul.u32 $0x14000, s20;
	v12 =	vor.u32 s9, v29;
	v9 =	vld.idx.msk [tilespmem:v9+s30+$0x0], $0xffff;
	_ =	sdelay $0x1  }
0x1b2: {  	s4 =	sshrl.u32 s20, $0x2;
	s24 =	simm.s32 $0x0  }
0x1b3: {  	s25 =	simm.s32 $0x180;
	s23 =	sor.u32 $0x400, s4;
	v13 =	vmov s24;
	s21 =	sand.u32 $0x7800, s24;
	v11 =	vld.idx.msk [tilespmem:v11+s30+$0x0], $0xffff  }
0x1b4: {  	v14 =	vor.u32 s11, v29;
	s22 =	sand.u32 $0x380, s25;
	v15 =	vld.idx.msk [tilespmem:v10+s30+$0x0], $0xffff;
	v10 =	vor.u32 s26, v29;
	s26 =	simm.s32 $0x80;
	s13 =	sadd.s32 s21, s23  }
0x1b5: {  	v31 =	vld.idx.msk [tilespmem:v12+s16+$0x0], $0xffff;
	s20 =	sand.u32 $0x280, s26;
	s4 =	sadd.s32 s22, s13;
	v12 =	vshll.u32 v9, $0x8;
	v9 =	vshll.u32 v9, $0x7  }
0x1b6: {  	s22 =	sadd.s32 s20, s13;
	v16 =	vld [tilespmem:s4+$0x0];
	v12 =	vand.u32 $0xFFFFF800, v12;
	v9 =	vand.u32 $0x380, v9  }
0x1b7: {  	v19 =	vld [tilespmem:s22+$0x0];
	v34 =	vor.u32 v9, v12  }
0x1b8: {  	s9 =	simm.s32 $0x100;
	v13 =	vld.idx.msk [tilespmem:v13+s30+$0x0], $0xffff;
	v18 =	vshll.u32 v11, $0x8;
	v11 =	vshll.u32 v11, $0x7;
	v17 =	vor.u32 v2, v34  }
0x1b9: {  	s21 =	sand.u32 $0x300, s9;
	v18 =	vand.u32 $0xFFFFF800, v18;
	v9 =	vld.idx.msk [tilespmem:v14+s16+$0x0], $0xffff;
	v14 =	vshll.u32 v15, $0x8;
	v15 =	vshll.u32 v15, $0x7  }
0x1ba: {  	s21 =	sadd.s32 s21, s13;
	v10 =	vld.idx.msk [tilespmem:v10+s16+$0x0], $0xffff;
	v12 =	vor.u32 s24, v29;
	v14 =	vand.u32 $0xFFFFF800, v14;
	v15 =	vand.u32 $0x380, v15  }
0x1bb: {  	v11 =	vand.u32 $0x380, v11;
	v33 =	vor.u32 v15, v14;
	v14 =	vld [tilespmem:s21+$0x0];
	v15 =	vmul.f32 v16, v31  }
0x1bc: {  	v36 =	vor.u32 v11, v18;
	v16 =	vor.u32 v2, v33  }
0x1bd: {  	s11 =	simm.s32 $0x0;
	v18 =	vor.u32 v2, v36;
	[tilespmem:v17+s31+$0x0] =	vst.idx.add.f32.msk $0xffff, v15  }
0x1be: {  	s20 =	sand.u32 $0x200, s11;
	v11 =	vshll.u32 v13, $0x8;
	v19 =	vmul.f32 v19, v9;
	v17 =	vld [tilespmem:s4+$0x10]  }
0x1bf: {  	s20 =	sadd.s32 s20, s13;
	v15 =	vand.u32 $0xFFFFF800, v11;
	v11 =	vld.idx.msk [tilespmem:v12+s16+$0x0], $0xffff;
	v12 =	vshll.u32 v13, $0x7;
	v13 =	vor.u32 $0x10, v2  }
0x1c0: {  	v20 =	vld [tilespmem:s20+$0x0];
	v14 =	vmul.f32 v14, v10;
	v21 =	vor.u32 v13, v34  }
0x1c1: {  	v12 =	vand.u32 $0x380, v12;
	[tilespmem:v16+s31+$0x0] =	vst.idx.add.f32.msk $0xffff, v19  }
0x1c2: {  	v38 =	vor.u32 v12, v15;
	[tilespmem:v18+s31+$0x0] =	vst.idx.add.f32.msk $0xffff, v14  }
0x1c3: {  	v12 =	vor.u32 v2, v38;
	v15 =	vld [tilespmem:s22+$0x10];
	v14 =	vmul.f32 v17, v31  }
0x1c4: {  	v16 =	vld [tilespmem:s21+$0x10]  }
0x1c5: {  	v18 =	vor.u32 v13, v33;
	[tilespmem:v21+s31+$0x0] =	vst.idx.add.f32.msk $0xffff, v14  }
0x1c6: {  	v19 =	vor.u32 v13, v36;
	v17 =	vmul.f32 v20, v11;
	v20 =	vld [tilespmem:s4+$0x20]  }
0x1c7: {  	v14 =	vor.u32 $0x20, v2  }
0x1c8: {  	[tilespmem:v12+s31+$0x0] =	vst.idx.add.f32.msk $0xffff, v17;
	v15 =	vmul.f32 v15, v9;
	v17 =	vor.u32 v14, v34  }
0x1c9: {  	v12 =	vld [tilespmem:s20+$0x10];
	v16 =	vmul.f32 v16, v10  }
0x1ca: {  	[tilespmem:v18+s31+$0x0] =	vst.idx.add.f32.msk $0xffff, v15  }
0x1cb: {  	v21 =	vor.u32 v13, v38;
	[tilespmem:v19+s31+$0x0] =	vst.idx.add.f32.msk $0xffff, v16;
	v15 =	vmul.f32 v20, v31  }
0x1cc: {  	s26 =	simm.s32 $0x4;
	v16 =	vld [tilespmem:s22+$0x20]  }
0x1cd: {  	v18 =	vor.u32 s26, v29;
	[tilespmem:v17+s31+$0x0] =	vst.idx.add.f32.msk $0xffff, v15  }
0x1ce: {  	v12 =	vmul.f32 v12, v11;
	v17 =	vor.u32 v14, v33;
	v19 =	vld [tilespmem:s4+$0x30]  }
0x1cf: {  	v20 =	vld [tilespmem:s21+$0x20];
	v15 =	vor.u32 $0x30, v2  }
0x1d0: {  	[tilespmem:v21+s31+$0x0] =	vst.idx.add.f32.msk $0xffff, v12;
	v21 =	vor.u32 v15, v34  }
0x1d1: {  	v16 =	vmul.f32 v16, v9;
	v22 =	vld [tilespmem:s20+$0x20]  }
0x1d2: {  	v12 =	vld.idx.msk [tilespmem:v18+s16+$0x0], $0xffff;
	v18 =	vor.u32 v14, v36  }
0x1d3: {  	[tilespmem:v17+s31+$0x0] =	vst.idx.add.f32.msk $0xffff, v16;
	v16 =	vmul.f32 v19, v31  }
0x1d4: {  	v23 =	vor.u32 v14, v38;
	v17 =	vld [tilespmem:s22+$0x30]  }
0x1d5: {  	v19 =	vmul.f32 v20, v10;
	[tilespmem:v21+s31+$0x0] =	vst.idx.add.f32.msk $0xffff, v16  }
0x1d6: {  	v20 =	vor.u32 v15, v33;
	v21 =	vmul.f32 v22, v11;
	v22 =	vld [tilespmem:s4+$0x40]  }
0x1d7: {  	v16 =	vor.u32 $0x40, v2;
	[tilespmem:v18+s31+$0x0] =	vst.idx.add.f32.msk $0xffff, v19  }
0x1d8: {  	v18 =	vor.u32 v16, v34;
	v19 =	vld [tilespmem:s21+$0x30]  }
0x1d9: {  	[tilespmem:v23+s31+$0x0] =	vst.idx.add.f32.msk $0xffff, v21;
	v17 =	vmul.f32 v17, v9  }
0x1da: {  	v21 =	vmov s26;
	v23 =	vld [tilespmem:s20+$0x30]  }
0x1db: {  	v24 =	vor.u32 v15, v36;
	[tilespmem:v20+s31+$0x0] =	vst.idx.add.f32.msk $0xffff, v17;
	v17 =	vmul.f32 v22, v31  }
0x1dc: {  	v20 =	vor.u32 v15, v38;
	v22 =	vld [tilespmem:s22+$0x40]  }
0x1dd: {  	[tilespmem:v18+s31+$0x0] =	vst.idx.add.f32.msk $0xffff, v17  }
0x1de: {  	v17 =	vmul.f32 v19, v10;
	v19 =	vld [tilespmem:s4+$0x50]  }
0x1df: {  	v25 =	vor.u32 v16, v33;
	v32 =	vld.idx.msk [tilespmem:v21+s30+$0x0], $0xffff;
	v21 =	vmul.f32 v23, v11;
	v18 =	vor.u32 $0x50, v2  }
0x1e0: {  	[tilespmem:v24+s31+$0x0] =	vst.idx.add.f32.msk $0xffff, v17;
	v17 =	vor.u32 v18, v34  }
0x1e1: {  	[tilespmem:v20+s31+$0x0] =	vst.idx.add.f32.msk $0xffff, v21  }
0x1e2: {  	s9 =	simm.s32 $0x5;
	v20 =	vmul.f32 v22, v9;
	v21 =	vld [tilespmem:s21+$0x40]  }
0x1e3: {  	v22 =	vor.u32 s9, v29;
	v23 =	vld [tilespmem:s20+$0x40];
	v19 =	vmul.f32 v19, v31  }
0x1e4: {  	v24 =	vor.u32 v16, v36;
	[tilespmem:v25+s31+$0x0] =	vst.idx.add.f32.msk $0xffff, v20  }
0x1e5: {  	v20 =	vor.u32 v16, v38;
	[tilespmem:v17+s31+$0x0] =	vst.idx.add.f32.msk $0xffff, v19  }
0x1e6: {  	v19 =	vld [tilespmem:s4+$0x60]  }
0x1e7: {  	v25 =	vld [tilespmem:s22+$0x50];
	v17 =	vor.u32 $0x60, v2;
	v26 =	vmul.f32 v21, v10  }
0x1e8: {  	v21 =	vld.idx.msk [tilespmem:v22+s16+$0x0], $0xffff;
	v22 =	vmul.f32 v23, v11;
	v23 =	vor.u32 v17, v34  }
0x1e9: {  	[tilespmem:v24+s31+$0x0] =	vst.idx.add.f32.msk $0xffff, v26  }
0x1ea: {  	s11 =	simm.s32 $0x6;
	v24 =	vor.u32 v18, v33;
	[tilespmem:v20+s31+$0x0] =	vst.idx.add.f32.msk $0xffff, v22  }
0x1eb: {  	v22 =	vor.u32 s11, v29;
	v20 =	vld [tilespmem:s21+$0x50];
	v19 =	vmul.f32 v19, v31  }
0x1ec: {  	v26 =	vld [tilespmem:s20+$0x50]  }
0x1ed: {  	v27 =	vor.u32 v18, v36;
	v25 =	vmul.f32 v25, v9;
	[tilespmem:v23+s31+$0x0] =	vst.idx.add.f32.msk $0xffff, v19  }
0x1ee: {  	v23 =	vor.u32 v18, v38;
	v28 =	vld [tilespmem:s4+$0x70]  }
0x1ef: {  	[tilespmem:v24+s31+$0x0] =	vst.idx.add.f32.msk $0xffff, v25;
	v19 =	vor.u32 $0x70, v2  }
0x1f0: {  	v30 =	vld.idx.msk [tilespmem:v22+s16+$0x0], $0xffff;
	v20 =	vmul.f32 v20, v10;
	v25 =	vor.u32 v19, v34  }
0x1f1: {  	v24 =	vld [tilespmem:s22+$0x60];
	v22 =	vmul.f32 v26, v11  }
0x1f2: {  	[tilespmem:v27+s31+$0x0] =	vst.idx.add.f32.msk $0xffff, v20  }
0x1f3: {  	v26 =	vor.u32 v17, v33;
	[tilespmem:v23+s31+$0x0] =	vst.idx.add.f32.msk $0xffff, v22;
	v20 =	vmul.f32 v28, v31  }
0x1f4: {  	v22 =	vld [tilespmem:s21+$0x60]  }
0x1f5: {  	v23 =	vmov s9;
	[tilespmem:v25+s31+$0x0] =	vst.idx.add.f32.msk $0xffff, v20  }
0x1f6: {  	v24 =	vmul.f32 v24, v9;
	v25 =	vor.u32 v17, v36;
	v27 =	vld [tilespmem:s4+$0x400]  }
0x1f7: {  	v28 =	vld [tilespmem:s20+$0x60];
	v20 =	vor.u32 $0x400, v2  }
0x1f8: {  	[tilespmem:v26+s31+$0x0] =	vst.idx.add.f32.msk $0xffff, v24;
	v24 =	vor.u32 v20, v34  }
0x1f9: {  	v26 =	vld [tilespmem:s22+$0x70];
	v22 =	vmul.f32 v22, v10  }
0x1fa: {  	v35 =	vor.u32 v17, v38;
	v39 =	vld.idx.msk [tilespmem:v23+s30+$0x0], $0xffff  }
0x1fb: {  	[tilespmem:v25+s31+$0x0] =	vst.idx.add.f32.msk $0xffff, v22;
	v22 =	vmul.f32 v27, v31  }
0x1fc: {  	v23 =	vor.u32 v19, v33;
	v25 =	vld [tilespmem:s21+$0x70]  }
0x1fd: {  	v27 =	vmul.f32 v28, v11;
	[tilespmem:v24+s31+$0x0] =	vst.idx.add.f32.msk $0xffff, v22  }
0x1fe: {  	v24 =	vor.u32 v19, v36;
	v28 =	vld [tilespmem:s4+$0x410]  }
0x1ff: {  	v26 =	vmul.f32 v26, v9;
	[tilespmem:v35+s31+$0x0] =	vst.idx.add.f32.msk $0xffff, v27;
	v22 =	vor.u32 $0x410, v2  }
0x200: {  	v27 =	vld [tilespmem:s20+$0x70];
	v47 =	vor.u32 v22, v34  }
0x201: {  	[tilespmem:v23+s31+$0x0] =	vst.idx.add.f32.msk $0xffff, v26;
	v23 =	vmul.f32 v25, v10  }
0x202: {  	v26 =	vld [tilespmem:s22+$0x400];
	v25 =	vor.u32 v19, v38  }
0x203: {  	[tilespmem:v24+s31+$0x0] =	vst.idx.add.f32.msk $0xffff, v23;
	v23 =	vmul.f32 v28, v31  }
0x204: {  	v24 =	vor.u32 v20, v33;
	v28 =	vld [tilespmem:s21+$0x400]  }
0x205: {  	v27 =	vmul.f32 v27, v11;
	[tilespmem:v47+s31+$0x0] =	vst.idx.add.f32.msk $0xffff, v23  }
0x206: {  	v48 =	vor.u32 v20, v36;
	v37 =	vld [tilespmem:s4+$0x420]  }
0x207: {  	[tilespmem:v25+s31+$0x0] =	vst.idx.add.f32.msk $0xffff, v27;
	v23 =	vor.u32 $0x420, v2;
	v25 =	vmul.f32 v26, v9  }
0x208: {  	v26 =	vld [tilespmem:s20+$0x400];
	v27 =	vor.u32 v23, v34  }
0x209: {  	[tilespmem:v24+s31+$0x0] =	vst.idx.add.f32.msk $0xffff, v25;
	v24 =	vmul.f32 v28, v10  }
0x20a: {  	v25 =	vor.u32 v20, v38;
	v28 =	vld [tilespmem:s22+$0x410]  }
0x20b: {  	[tilespmem:v48+s31+$0x0] =	vst.idx.add.f32.msk $0xffff, v24;
	v24 =	vmul.f32 v37, v31  }
0x20c: {  	v49 =	vor.u32 v22, v33;
	v50 =	vld [tilespmem:s21+$0x410]  }
0x20d: {  	v26 =	vmul.f32 v26, v11;
	[tilespmem:v27+s31+$0x0] =	vst.idx.add.f32.msk $0xffff, v24  }
0x20e: {  	v27 =	vor.u32 v22, v36;
	v40 =	vld [tilespmem:s4+$0x430]  }
0x20f: {  	[tilespmem:v25+s31+$0x0] =	vst.idx.add.f32.msk $0xffff, v26;
	v24 =	vor.u32 $0x430, v2;
	v25 =	vmul.f32 v28, v9  }
0x210: {  	v26 =	vld [tilespmem:s20+$0x410];
	v28 =	vor.u32 v24, v34  }
0x211: {  	[tilespmem:v49+s31+$0x0] =	vst.idx.add.f32.msk $0xffff, v25;
	v25 =	vmul.f32 v50, v10  }
0x212: {  	v51 =	vor.u32 v22, v38;
	v52 =	vld [tilespmem:s22+$0x420]  }
0x213: {  	[tilespmem:v27+s31+$0x0] =	vst.idx.add.f32.msk $0xffff, v25;
	v25 =	vmul.f32 v40, v31  }
0x214: {  	v27 =	vor.u32 v23, v33;
	v53 =	vld [tilespmem:s21+$0x420]  }
0x215: {  	v26 =	vmul.f32 v26, v11;
	[tilespmem:v28+s31+$0x0] =	vst.idx.add.f32.msk $0xffff, v25  }
0x216: {  	v28 =	vor.u32 v23, v36;
	v41 =	vld [tilespmem:s4+$0x440]  }
0x217: {  	[tilespmem:v51+s31+$0x0] =	vst.idx.add.f32.msk $0xffff, v26;
	v25 =	vor.u32 $0x440, v2;
	v26 =	vmul.f32 v52, v9  }
0x218: {  	v35 =	vld [tilespmem:s20+$0x420];
	v54 =	vor.u32 v25, v34  }
0x219: {  	[tilespmem:v27+s31+$0x0] =	vst.idx.add.f32.msk $0xffff, v26;
	v26 =	vmul.f32 v53, v10  }
0x21a: {  	v27 =	vor.u32 v23, v38;
	v55 =	vld [tilespmem:s22+$0x430]  }
0x21b: {  	[tilespmem:v28+s31+$0x0] =	vst.idx.add.f32.msk $0xffff, v26;
	v26 =	vmul.f32 v41, v31  }
0x21c: {  	v28 =	vor.u32 v24, v33;
	v56 =	vld [tilespmem:s21+$0x430]  }
0x21d: {  	v35 =	vmul.f32 v35, v11;
	[tilespmem:v54+s31+$0x0] =	vst.idx.add.f32.msk $0xffff, v26  }
0x21e: {  	v57 =	vor.u32 v24, v36;
	v42 =	vld [tilespmem:s4+$0x450]  }
0x21f: {  	[tilespmem:v27+s31+$0x0] =	vst.idx.add.f32.msk $0xffff, v35;
	v26 =	vor.u32 $0x450, v2;
	v27 =	vmul.f32 v55, v9  }
0x220: {  	v35 =	vld [tilespmem:s20+$0x430];
	v58 =	vor.u32 v26, v34  }
0x221: {  	[tilespmem:v28+s31+$0x0] =	vst.idx.add.f32.msk $0xffff, v27;
	v27 =	vmul.f32 v56, v10  }
0x222: {  	v28 =	vor.u32 v24, v38;
	v59 =	vld [tilespmem:s22+$0x440]  }
0x223: {  	[tilespmem:v57+s31+$0x0] =	vst.idx.add.f32.msk $0xffff, v27;
	v27 =	vmul.f32 v42, v31  }
0x224: {  	v60 =	vor.u32 v25, v33;
	v61 =	vld [tilespmem:s21+$0x440]  }
0x225: {  	v35 =	vmul.f32 v35, v11;
	[tilespmem:v58+s31+$0x0] =	vst.idx.add.f32.msk $0xffff, v27  }
0x226: {  	v62 =	vor.u32 v25, v36;
	v43 =	vld [tilespmem:s4+$0x460]  }
0x227: {  	[tilespmem:v28+s31+$0x0] =	vst.idx.add.f32.msk $0xffff, v35;
	v27 =	vor.u32 $0x460, v2;
	v28 =	vmul.f32 v59, v9  }
0x228: {  	v35 =	vld [tilespmem:s20+$0x440];
	v63 =	vor.u32 v27, v34  }
0x229: {  	[tilespmem:v60+s31+$0x0] =	vst.idx.add.f32.msk $0xffff, v28;
	v28 =	vmul.f32 v61, v10  }
0x22a: {  	v47 =	vor.u32 v25, v38;
	v48 =	vld [tilespmem:s22+$0x450]  }
0x22b: {  	[tilespmem:v62+s31+$0x0] =	vst.idx.add.f32.msk $0xffff, v28;
	v28 =	vmul.f32 v43, v31  }
0x22c: {  	v49 =	vor.u32 v26, v33;
	v50 =	vld [tilespmem:s21+$0x450]  }
0x22d: {  	v45 =	vor.u32 v26, v36;
	v35 =	vmul.f32 v35, v11;
	[tilespmem:v63+s31+$0x0] =	vst.idx.add.f32.msk $0xffff, v28  }
0x22e: {  	v44 =	vor.u32 v27, v33;
	v42 =	vor.u32 v27, v36;
	v37 =	vor.u32 v27, v38;
	v46 =	vld [tilespmem:s4+$0x470]  }
0x22f: {  	v43 =	vor.u32 v26, v38;
	[tilespmem:v47+s31+$0x0] =	vst.idx.add.f32.msk $0xffff, v35;
	v28 =	vor.u32 $0x470, v2;
	v48 =	vmul.f32 v48, v9  }
0x230: {  	v47 =	vld [tilespmem:s20+$0x450];
	v35 =	vor.u32 v28, v33;
	v33 =	vor.u32 v28, v36;
	v40 =	vor.u32 v28, v34  }
0x231: {  	s26 =	simm.s32 $0x8;
	v41 =	vmov s11;
	s4 =	simm.s32 $0x7;
	v34 =	vor.u32 v28, v38;
	[tilespmem:v49+s31+$0x0] =	vst.idx.add.f32.msk $0xffff, v48;
	v38 =	vmul.f32 v50, v10  }
.LBB2_8:
0x232: {  	p1 =	slt.u32 s26, $0x4C;
	v36 =	vmov s4;
	v48 =	vld [tilespmem:s22+$0x460]  }
0x233: {  	[tilespmem:v45+s31+$0x0] =	vst.idx.add.f32.msk $0xffff, v38;
	v31 =	vmul.f32 v46, v31  }
0x234: {  	v38 =	vld [tilespmem:s21+$0x460]  }
0x235: {  	v45 =	vmul.f32 v47, v11;
	[tilespmem:v40+s31+$0x0] =	vst.idx.add.f32.msk $0xffff, v31  }
0x236: {  	v40 =	vld.idx.msk [tilespmem:v41+s30+$0x0], $0xffff  }
0x237: {  	v36 =	vld.idx.msk [tilespmem:v36+s30+$0x0], $0xffff;
	v31 =	vmul.f32 v48, v9  }
0x238: {  	v41 =	vor.u32 s4, v29;
	[tilespmem:v43+s31+$0x0] =	vst.idx.add.f32.msk $0xffff, v45  }
0x239: {  	v43 =	vld [tilespmem:s20+$0x460];
	v38 =	vmul.f32 v38, v10  }
0x23a: {  	s24 =	sadd.s32 $0x400, s24;
	v45 =	vshll.u32 v32, $0x8;
	[tilespmem:v44+s31+$0x0] =	vst.idx.add.f32.msk $0xffff, v31  }
0x23b: {  	s25 =	sadd.s32 $0x200, s25;
	s4 =	sand.u32 $0x7800, s24;
	v44 =	vand.u32 $0xFFFFF800, v45;
	v31 =	vshll.u32 v32, $0x7;
	[tilespmem:v42+s31+$0x0] =	vst.idx.add.f32.msk $0xffff, v38  }
0x23c: {  	s13 =	sadd.s32 $0xFFFFFE80, s25;
	s9 =	sadd.s32 s4, s23;
	s4 =	sand.u32 $0x380, s25;
	v32 =	vand.u32 $0x380, v31;
	v42 =	vshll.u32 v39, $0x8;
	v39 =	vshll.u32 v39, $0x7;
	v45 =	vld [tilespmem:s22+$0x470]  }
0x23d: {  	s11 =	sadd.s32 $0xFFFFFF80, s25;
	s4 =	sadd.s32 s4, s9;
	v46 =	vshll.u32 v40, $0x8;
	s22 =	sadd.s32 $0xFFFFFF00, s25;
	v38 =	vshll.u32 v36, $0x8;
	v36 =	vshll.u32 v36, $0x7;
	v31 =	vld.idx.msk [tilespmem:v41+s16+$0x0], $0xffff  }
0x23e: {  	s13 =	sand.u32 $0x200, s13;
	s11 =	sand.u32 $0x300, s11;
	s22 =	sand.u32 $0x280, s22;
	v38 =	vand.u32 $0xFFFFF800, v38;
	v41 =	vand.u32 $0x380, v36;
	v47 =	vld [tilespmem:s4+$0x0];
	v43 =	vmul.f32 v43, v11  }
0x23f: {  	s13 =	sadd.s32 s13, s9;
	v36 =	vor.u32 v32, v44;
	v32 =	vshll.u32 v40, $0x7;
	s22 =	sadd.s32 s22, s9;
	v38 =	vor.u32 v41, v38;
	v44 =	vld [tilespmem:s21+$0x470];
	s21 =	sadd.s32 s11, s9  }
0x240: {  	v39 =	vand.u32 $0x380, v39;
	v40 =	vand.u32 $0xFFFFF800, v42;
	v42 =	vor.u32 v2, v38;
	v48 =	vld [tilespmem:s13+$0x0]  }
0x241: {  	v41 =	vand.u32 $0xFFFFF800, v46;
	v32 =	vand.u32 $0x380, v32;
	v49 =	vld [tilespmem:s22+$0x0];
	v45 =	vmul.f32 v45, v9;
	v9 =	vmovc v21  }
0x242: {  	v40 =	vor.u32 v39, v40;
	v41 =	vor.u32 v32, v41;
	v21 =	vor.u32 v2, v36;
	v39 =	vld [tilespmem:s21+$0x0]  }
0x243: {  	v32 =	vor.u32 v2, v40;
	v46 =	vmul.f32 v47, v31;
	[tilespmem:v37+s31+$0x0] =	vst.idx.add.f32.msk $0xffff, v43  }
0x244: {  	v37 =	vor.u32 v2, v41;
	v43 =	vld [tilespmem:s20+$0x470];
	v44 =	vmul.f32 v44, v10;
	v10 =	vmov v30;
	s20 =	smov.u32 s13  }
0x245: {  	v30 =	vmul.f32 v48, v12;
	[tilespmem:v42+s31+$0x0] =	vst.idx.add.f32.msk $0xffff, v46  }
0x246: {  	v42 =	vmul.f32 v49, v9;
	v46 =	vld [tilespmem:s4+$0x10]  }
0x247: {  	[tilespmem:v21+s31+$0x0] =	vst.idx.add.f32.msk $0xffff, v30;
	v21 =	vmul.f32 v39, v10  }
0x248: {  	v30 =	vor.u32 v13, v40;
	[tilespmem:v32+s31+$0x0] =	vst.idx.add.f32.msk $0xffff, v42;
	v32 =	vor.u32 v13, v38  }
0x249: {  	v39 =	vor.u32 v13, v36;
	[tilespmem:v37+s31+$0x0] =	vst.idx.add.f32.msk $0xffff, v21;
	v21 =	vor.u32 v13, v41  }
0x24a: {  	v42 =	vmul.f32 v43, v11;
	v11 =	vmov v12;
	v37 =	vld [tilespmem:s22+$0x10]  }
0x24b: {  	v12 =	vor.u32 s26, v29;
	v43 =	vld [tilespmem:s21+$0x10];
	v46 =	vmul.f32 v46, v31  }
0x24c: {  	v47 =	vld [tilespmem:s20+$0x10]  }
0x24d: {  	[tilespmem:v32+s31+$0x0] =	vst.idx.add.f32.msk $0xffff, v46  }
0x24e: {  	v32 =	vld [tilespmem:s4+$0x20]  }
0x24f: {  	v37 =	vmul.f32 v37, v9;
	[tilespmem:v35+s31+$0x0] =	vst.idx.add.f32.msk $0xffff, v45  }
0x250: {  	v35 =	vor.u32 v14, v40;
	v45 =	vor.u32 v14, v38;
	v12 =	vld.idx.msk [tilespmem:v12+s16+$0x0], $0xffff;
	v43 =	vmul.f32 v43, v10  }
0x251: {  	v46 =	vmul.f32 v47, v11;
	[tilespmem:v30+s31+$0x0] =	vst.idx.add.f32.msk $0xffff, v37;
	v30 =	vor.u32 v14, v41  }
0x252: {  	v37 =	vor.u32 v14, v36;
	[tilespmem:v21+s31+$0x0] =	vst.idx.add.f32.msk $0xffff, v43  }
0x253: {  	[tilespmem:v39+s31+$0x0] =	vst.idx.add.f32.msk $0xffff, v46;
	v21 =	vmul.f32 v32, v31  }
0x254: {  	v32 =	vld [tilespmem:s22+$0x20]  }
0x255: {  	[tilespmem:v45+s31+$0x0] =	vst.idx.add.f32.msk $0xffff, v21  }
0x256: {  	v21 =	vld [tilespmem:s4+$0x30]  }
0x257: {  	v39 =	vld [tilespmem:s21+$0x20]  }
0x258: {  	v47 =	vor.u32 v15, v38;
	v46 =	vor.u32 v15, v41;
	v45 =	vor.u32 v15, v40;
	v43 =	vld [tilespmem:s20+$0x20]  }
0x259: {  	v48 =	vor.u32 v15, v36;
	v32 =	vmul.f32 v32, v9;
	[tilespmem:v33+s31+$0x0] =	vst.idx.add.f32.msk $0xffff, v44  }
0x25a: {  	[tilespmem:v34+s31+$0x0] =	vst.idx.add.f32.msk $0xffff, v42  }
0x25b: {  	[tilespmem:v35+s31+$0x0] =	vst.idx.add.f32.msk $0xffff, v32;
	v21 =	vmul.f32 v21, v31  }
0x25c: {  	v32 =	vld [tilespmem:s22+$0x30];
	v33 =	vmul.f32 v39, v10  }
0x25d: {  	v34 =	vmul.f32 v43, v11;
	[tilespmem:v47+s31+$0x0] =	vst.idx.add.f32.msk $0xffff, v21  }
0x25e: {  	v21 =	vld [tilespmem:s4+$0x40]  }
0x25f: {  	[tilespmem:v30+s31+$0x0] =	vst.idx.add.f32.msk $0xffff, v33  }
0x260: {  	v30 =	vor.u32 v16, v40;
	v33 =	vor.u32 v16, v38;
	[tilespmem:v37+s31+$0x0] =	vst.idx.add.f32.msk $0xffff, v34  }
0x261: {  	v34 =	vor.u32 v16, v36;
	v37 =	vor.u32 v16, v41;
	v32 =	vmul.f32 v32, v9;
	v35 =	vld [tilespmem:s21+$0x30]  }
0x262: {  	v39 =	vmov s26;
	v42 =	vld [tilespmem:s20+$0x30]  }
0x263: {  	[tilespmem:v45+s31+$0x0] =	vst.idx.add.f32.msk $0xffff, v32;
	v21 =	vmul.f32 v21, v31  }
0x264: {  	v43 =	vld [tilespmem:s22+$0x40]  }
0x265: {  	[tilespmem:v33+s31+$0x0] =	vst.idx.add.f32.msk $0xffff, v21  }
0x266: {  	v21 =	vmul.f32 v35, v10;
	v33 =	vld [tilespmem:s4+$0x50]  }
0x267: {  	v32 =	vld.idx.msk [tilespmem:v39+s30+$0x0], $0xffff;
	v35 =	vmul.f32 v42, v11  }
0x268: {  	v39 =	vor.u32 v18, v40;
	[tilespmem:v46+s31+$0x0] =	vst.idx.add.f32.msk $0xffff, v21;
	v21 =	vor.u32 v18, v38  }
0x269: {  	v42 =	vor.u32 v18, v41;
	[tilespmem:v48+s31+$0x0] =	vst.idx.add.f32.msk $0xffff, v35;
	v35 =	vmul.f32 v43, v9  }
0x26a: {  	s9 =	sadd.s32 $0x1, s26;
	v43 =	vor.u32 v18, v36;
	v44 =	vld [tilespmem:s21+$0x40]  }
0x26b: {  	v45 =	vor.u32 s9, v29;
	v46 =	vld [tilespmem:s20+$0x40];
	v33 =	vmul.f32 v33, v31  }
0x26c: {  	[tilespmem:v30+s31+$0x0] =	vst.idx.add.f32.msk $0xffff, v35  }
0x26d: {  	[tilespmem:v21+s31+$0x0] =	vst.idx.add.f32.msk $0xffff, v33  }
0x26e: {  	v30 =	vld [tilespmem:s4+$0x60]  }
0x26f: {  	v33 =	vld [tilespmem:s22+$0x50];
	v35 =	vmul.f32 v44, v10  }
0x270: {  	v21 =	vld.idx.msk [tilespmem:v45+s16+$0x0], $0xffff;
	v44 =	vmul.f32 v46, v11;
	v45 =	vor.u32 v17, v40;
	v46 =	vor.u32 v17, v38  }
0x271: {  	v47 =	vor.u32 v17, v36;
	[tilespmem:v37+s31+$0x0] =	vst.idx.add.f32.msk $0xffff, v35;
	v35 =	vor.u32 v17, v41  }
0x272: {  	[tilespmem:v34+s31+$0x0] =	vst.idx.add.f32.msk $0xffff, v44  }
0x273: {  	s13 =	sadd.s32 $0x2, s26;
	v34 =	vld [tilespmem:s21+$0x50];
	v30 =	vmul.f32 v30, v31  }
0x274: {  	v37 =	vor.u32 s13, v29;
	v44 =	vld [tilespmem:s20+$0x50];
	v33 =	vmul.f32 v33, v9  }
0x275: {  	[tilespmem:v46+s31+$0x0] =	vst.idx.add.f32.msk $0xffff, v30  }
0x276: {  	v46 =	vld [tilespmem:s4+$0x70]  }
0x277: {  	[tilespmem:v39+s31+$0x0] =	vst.idx.add.f32.msk $0xffff, v33  }
0x278: {  	v48 =	vor.u32 v19, v40;
	v39 =	vor.u32 v19, v38;
	v33 =	vld [tilespmem:s22+$0x60];
	v34 =	vmul.f32 v34, v10  }
0x279: {  	v49 =	vor.u32 v19, v41;
	v30 =	vld.idx.msk [tilespmem:v37+s16+$0x0], $0xffff;
	v37 =	vmul.f32 v44, v11;
	v44 =	vor.u32 v19, v36  }
0x27a: {  	[tilespmem:v42+s31+$0x0] =	vst.idx.add.f32.msk $0xffff, v34  }
0x27b: {  	[tilespmem:v43+s31+$0x0] =	vst.idx.add.f32.msk $0xffff, v37;
	v34 =	vmul.f32 v46, v31  }
0x27c: {  	v37 =	vld [tilespmem:s21+$0x60]  }
0x27d: {  	v42 =	vmov s9;
	v33 =	vmul.f32 v33, v9;
	[tilespmem:v39+s31+$0x0] =	vst.idx.add.f32.msk $0xffff, v34  }
0x27e: {  	v34 =	vld [tilespmem:s4+$0x400]  }
0x27f: {  	v43 =	vld [tilespmem:s20+$0x60]  }
0x280: {  	[tilespmem:v45+s31+$0x0] =	vst.idx.add.f32.msk $0xffff, v33;
	v33 =	vor.u32 v20, v40;
	v45 =	vor.u32 v20, v38  }
0x281: {  	v51 =	vor.u32 v20, v41;
	v46 =	vor.u32 v20, v36;
	v50 =	vld [tilespmem:s22+$0x70];
	v37 =	vmul.f32 v37, v10  }
0x282: {  	v39 =	vld.idx.msk [tilespmem:v42+s30+$0x0], $0xffff  }
0x283: {  	[tilespmem:v35+s31+$0x0] =	vst.idx.add.f32.msk $0xffff, v37;
	v34 =	vmul.f32 v34, v31  }
0x284: {  	v35 =	vmul.f32 v43, v11;
	v37 =	vld [tilespmem:s21+$0x70]  }
0x285: {  	[tilespmem:v45+s31+$0x0] =	vst.idx.add.f32.msk $0xffff, v34  }
0x286: {  	v34 =	vmul.f32 v50, v9;
	v42 =	vld [tilespmem:s4+$0x410]  }
0x287: {  	[tilespmem:v47+s31+$0x0] =	vst.idx.add.f32.msk $0xffff, v35  }
0x288: {  	v43 =	vor.u32 v22, v40;
	v45 =	vor.u32 v22, v41;
	v47 =	vor.u32 v22, v38;
	v35 =	vld [tilespmem:s20+$0x70]  }
0x289: {  	v50 =	vor.u32 v22, v36;
	[tilespmem:v48+s31+$0x0] =	vst.idx.add.f32.msk $0xffff, v34;
	v34 =	vmul.f32 v37, v10  }
0x28a: {  	v37 =	vld [tilespmem:s22+$0x400]  }
0x28b: {  	[tilespmem:v49+s31+$0x0] =	vst.idx.add.f32.msk $0xffff, v34;
	v34 =	vmul.f32 v42, v31  }
0x28c: {  	v42 =	vld [tilespmem:s21+$0x400]  }
0x28d: {  	v35 =	vmul.f32 v35, v11;
	[tilespmem:v47+s31+$0x0] =	vst.idx.add.f32.msk $0xffff, v34  }
0x28e: {  	v34 =	vld [tilespmem:s4+$0x420]  }
0x28f: {  	[tilespmem:v44+s31+$0x0] =	vst.idx.add.f32.msk $0xffff, v35;
	v35 =	vmul.f32 v37, v9  }
0x290: {  	v48 =	vor.u32 v23, v38;
	v47 =	vor.u32 v23, v41;
	v44 =	vor.u32 v23, v40;
	v37 =	vld [tilespmem:s20+$0x400]  }
0x291: {  	v49 =	vor.u32 v23, v36;
	[tilespmem:v33+s31+$0x0] =	vst.idx.add.f32.msk $0xffff, v35;
	v33 =	vmul.f32 v42, v10  }
0x292: {  	v35 =	vld [tilespmem:s22+$0x410]  }
0x293: {  	[tilespmem:v51+s31+$0x0] =	vst.idx.add.f32.msk $0xffff, v33;
	v33 =	vmul.f32 v34, v31  }
0x294: {  	v34 =	vld [tilespmem:s21+$0x410]  }
0x295: {  	v37 =	vmul.f32 v37, v11;
	[tilespmem:v48+s31+$0x0] =	vst.idx.add.f32.msk $0xffff, v33  }
0x296: {  	v33 =	vld [tilespmem:s4+$0x430]  }
0x297: {  	[tilespmem:v46+s31+$0x0] =	vst.idx.add.f32.msk $0xffff, v37;
	v35 =	vmul.f32 v35, v9  }
0x298: {  	v42 =	vor.u32 v24, v40;
	v48 =	vor.u32 v24, v38;
	v46 =	vor.u32 v24, v41;
	v37 =	vld [tilespmem:s20+$0x410]  }
0x299: {  	v51 =	vor.u32 v24, v36;
	[tilespmem:v43+s31+$0x0] =	vst.idx.add.f32.msk $0xffff, v35;
	v34 =	vmul.f32 v34, v10  }
0x29a: {  	v35 =	vld [tilespmem:s22+$0x420]  }
0x29b: {  	[tilespmem:v45+s31+$0x0] =	vst.idx.add.f32.msk $0xffff, v34;
	v33 =	vmul.f32 v33, v31  }
0x29c: {  	v34 =	vld [tilespmem:s21+$0x420]  }
0x29d: {  	v37 =	vmul.f32 v37, v11;
	[tilespmem:v48+s31+$0x0] =	vst.idx.add.f32.msk $0xffff, v33  }
0x29e: {  	v33 =	vld [tilespmem:s4+$0x440]  }
0x29f: {  	[tilespmem:v50+s31+$0x0] =	vst.idx.add.f32.msk $0xffff, v37;
	v35 =	vmul.f32 v35, v9  }
0x2a0: {  	v43 =	vor.u32 v25, v38;
	v48 =	vor.u32 v25, v40;
	v50 =	vor.u32 v25, v41;
	v37 =	vld [tilespmem:s20+$0x420]  }
0x2a1: {  	v52 =	vor.u32 v25, v36;
	[tilespmem:v44+s31+$0x0] =	vst.idx.add.f32.msk $0xffff, v35;
	v34 =	vmul.f32 v34, v10  }
0x2a2: {  	v35 =	vld [tilespmem:s22+$0x430]  }
0x2a3: {  	[tilespmem:v47+s31+$0x0] =	vst.idx.add.f32.msk $0xffff, v34;
	v33 =	vmul.f32 v33, v31  }
0x2a4: {  	v34 =	vld [tilespmem:s21+$0x430]  }
0x2a5: {  	v37 =	vmul.f32 v37, v11;
	[tilespmem:v43+s31+$0x0] =	vst.idx.add.f32.msk $0xffff, v33  }
0x2a6: {  	v33 =	vld [tilespmem:s4+$0x450]  }
0x2a7: {  	[tilespmem:v49+s31+$0x0] =	vst.idx.add.f32.msk $0xffff, v37;
	v35 =	vmul.f32 v35, v9  }
0x2a8: {  	v45 =	vor.u32 v26, v41;
	v44 =	vor.u32 v26, v38;
	v49 =	vor.u32 v26, v40;
	v37 =	vld [tilespmem:s20+$0x430]  }
0x2a9: {  	v43 =	vor.u32 v26, v36;
	[tilespmem:v42+s31+$0x0] =	vst.idx.add.f32.msk $0xffff, v35;
	v34 =	vmul.f32 v34, v10  }
0x2aa: {  	v35 =	vld [tilespmem:s22+$0x440]  }
0x2ab: {  	[tilespmem:v46+s31+$0x0] =	vst.idx.add.f32.msk $0xffff, v34;
	v33 =	vmul.f32 v33, v31  }
0x2ac: {  	v34 =	vld [tilespmem:s21+$0x440]  }
0x2ad: {  	v37 =	vmul.f32 v37, v11;
	[tilespmem:v44+s31+$0x0] =	vst.idx.add.f32.msk $0xffff, v33  }
0x2ae: {  	v33 =	vld [tilespmem:s4+$0x460]  }
0x2af: {  	[tilespmem:v51+s31+$0x0] =	vst.idx.add.f32.msk $0xffff, v37;
	v35 =	vmul.f32 v35, v9  }
0x2b0: {  	v47 =	vor.u32 v27, v38;
	v42 =	vor.u32 v27, v41;
	v44 =	vor.u32 v27, v40;
	v46 =	vld [tilespmem:s20+$0x440]  }
0x2b1: {  	v37 =	vor.u32 v27, v36;
	[tilespmem:v48+s31+$0x0] =	vst.idx.add.f32.msk $0xffff, v35;
	v34 =	vmul.f32 v34, v10  }
0x2b2: {  	v35 =	vld [tilespmem:s22+$0x450]  }
0x2b3: {  	[tilespmem:v50+s31+$0x0] =	vst.idx.add.f32.msk $0xffff, v34;
	v33 =	vmul.f32 v33, v31  }
0x2b4: {  	v48 =	vld [tilespmem:s21+$0x450]  }
.Ltmp3:
0x2b5: {  	v34 =	vmul.f32 v46, v11;
	[tilespmem:v47+s31+$0x0] =	vst.idx.add.f32.msk $0xffff, v33;
	(pc) =	sbr.rel @p1 .LBB2_8-.Ltmp3, $4  }
0x2b6: {  	v46 =	vld [tilespmem:s4+$0x470]  }
0x2b7: {  	[tilespmem:v52+s31+$0x0] =	vst.idx.add.f32.msk $0xffff, v34;
	v50 =	vmul.f32 v35, v9  }
0x2b8: {  	v33 =	vor.u32 v28, v41;
	v35 =	vor.u32 v28, v40;
	v40 =	vor.u32 v28, v38;
	v47 =	vld [tilespmem:s20+$0x450]  }
0x2b9: {  	v41 =	vmov s13;
	s4 =	sadd.s32 $0x3, s26;
	s26 =	sadd.s32 $0x4, s26;
	v34 =	vor.u32 v28, v36;
	[tilespmem:v49+s31+$0x0] =	vst.idx.add.f32.msk $0xffff, v50;
	v38 =	vmul.f32 v48, v10  }
0x2ba: {  	v36 =	vmov s4;
	_ =	sdelay $0x4  }
0x2bb: {  	v36 =	vld.idx.msk [tilespmem:v36+s30+$0x0], $0xffff  }
0x2bc: {  	v29 =	vor.u32 s4, v29;
	s24 =	sadd.s32 $0x400, s24  }
0x2bd: {  	s9 =	sadd.s32 $0x200, s25;
	s4 =	sand.u32 $0x7800, s24  }
0x2be: {  	s25 =	sand.u32 $0x380, s9;
	s11 =	sadd.s32 s4, s23  }
0x2bf: {  	s4 =	sadd.s32 s25, s11  }
0x2c0: {  	v49 =	vld [tilespmem:s4+$0x0];
	v48 =	vshll.u32 v36, $0x8;
	v36 =	vshll.u32 v36, $0x7  }
0x2c1: {  	v29 =	vld.idx.msk [tilespmem:v29+s16+$0x0], $0xffff;
	v48 =	vand.u32 $0xFFFFF800, v48;
	v36 =	vand.u32 $0x380, v36  }
0x2c2: {  	v60 =	vld [tilespmem:s22+$0x460];
	v36 =	vor.u32 v36, v48  }
0x2c3: {  	v41 =	vld.idx.msk [tilespmem:v41+s30+$0x0], $0xffff;
	v48 =	vor.u32 v2, v36  }
0x2c4: {  	[tilespmem:v45+s31+$0x0] =	vst.idx.add.f32.msk $0xffff, v38;
	v31 =	vmul.f32 v46, v31;
	s13 =	sadd.s32 $0xFFFFFF00, s9  }
0x2c5: {  	v45 =	vld [tilespmem:s21+$0x460];
	s13 =	sand.u32 $0x280, s13  }
0x2c6: {  	v53 =	vshll.u32 v39, $0x8;
	v54 =	vshll.u32 v39, $0x7;
	[tilespmem:v40+s31+$0x0] =	vst.idx.add.f32.msk $0xffff, v31;
	s23 =	sadd.s32 s13, s11;
	v49 =	vmul.f32 v49, v29  }
0x2c7: {  	v38 =	vand.u32 $0xFFFFF800, v53;
	v39 =	vand.u32 $0x380, v54;
	v56 =	vld [tilespmem:s23+$0x0]  }
0x2c8: {  	s26 =	sadd.s32 $0xFFFFFF80, s9;
	v61 =	vmul.f32 v47, v11;
	v31 =	vor.u32 v39, v38;
	[tilespmem:v48+s31+$0x0] =	vst.idx.add.f32.msk $0xffff, v49  }
0x2c9: {  	s25 =	sand.u32 $0x300, s26;
	v52 =	vmul.f32 v60, v9;
	v60 =	vor.u32 v2, v31;
	v62 =	vld [tilespmem:s4+$0x10]  }
0x2ca: {  	s24 =	sadd.s32 s25, s11;
	[tilespmem:v43+s31+$0x0] =	vst.idx.add.f32.msk $0xffff, v61  }
0x2cb: {  	v59 =	vld [tilespmem:s24+$0x0];
	v63 =	vor.u32 v13, v36  }
0x2cc: {  	v55 =	vshll.u32 v41, $0x8;
	v41 =	vshll.u32 v41, $0x7;
	v40 =	vld [tilespmem:s20+$0x460];
	v48 =	vmul.f32 v56, v21  }
0x2cd: {  	v58 =	vand.u32 $0xFFFFF800, v55;
	v41 =	vand.u32 $0x380, v41;
	[tilespmem:v44+s31+$0x0] =	vst.idx.add.f32.msk $0xffff, v52  }
0x2ce: {  	s9 =	sadd.s32 $0xFFFFFE80, s9;
	v38 =	vor.u32 v41, v58;
	[tilespmem:v60+s31+$0x0] =	vst.idx.add.f32.msk $0xffff, v48;
	v57 =	vmul.f32 v62, v29  }
0x2cf: {  	s9 =	sand.u32 $0x200, s9;
	v61 =	vor.u32 v2, v38;
	v53 =	vld [tilespmem:s23+$0x10]  }
0x2d0: {  	s26 =	sadd.s32 s9, s11;
	v47 =	vshll.u32 v32, $0x7;
	v45 =	vmul.f32 v45, v10;
	[tilespmem:v63+s31+$0x0] =	vst.idx.add.f32.msk $0xffff, v57;
	v63 =	vshll.u32 v32, $0x8  }
0x2d1: {  	v55 =	vor.u32 v13, v31;
	v49 =	vld [tilespmem:s26+$0x0];
	v32 =	vand.u32 $0x380, v47;
	v43 =	vand.u32 $0xFFFFF800, v63  }
0x2d2: {  	[tilespmem:v42+s31+$0x0] =	vst.idx.add.f32.msk $0xffff, v45;
	v51 =	vmul.f32 v59, v30;
	v32 =	vor.u32 v32, v43  }
0x2d3: {  	v62 =	vld [tilespmem:s4+$0x20];
	v52 =	vor.u32 v2, v32  }
0x2d4: {  	[tilespmem:v61+s31+$0x0] =	vst.idx.add.f32.msk $0xffff, v51;
	v58 =	vmul.f32 v53, v21  }
0x2d5: {  	v50 =	vor.u32 v14, v36;
	v43 =	vld [tilespmem:s24+$0x10]  }
0x2d6: {  	v45 =	vmul.f32 v49, v12;
	[tilespmem:v55+s31+$0x0] =	vst.idx.add.f32.msk $0xffff, v58  }
0x2d7: {  	v56 =	vor.u32 v13, v38;
	v41 =	vld [tilespmem:s23+$0x20]  }
0x2d8: {  	v54 =	vmul.f32 v62, v29;
	[tilespmem:v52+s31+$0x0] =	vst.idx.add.f32.msk $0xffff, v45  }
0x2d9: {  	v63 =	vor.u32 v14, v31;
	v59 =	vld [tilespmem:s26+$0x10]  }
0x2da: {  	v43 =	vmul.f32 v43, v30;
	[tilespmem:v50+s31+$0x0] =	vst.idx.add.f32.msk $0xffff, v54  }
0x2db: {  	v61 =	vor.u32 v13, v32;
	v57 =	vld [tilespmem:s4+$0x30]  }
0x2dc: {  	v49 =	vmul.f32 v41, v21;
	[tilespmem:v56+s31+$0x0] =	vst.idx.add.f32.msk $0xffff, v43  }
0x2dd: {  	v60 =	vor.u32 v15, v36;
	v43 =	vld [tilespmem:s24+$0x20]  }
0x2de: {  	[tilespmem:v63+s31+$0x0] =	vst.idx.add.f32.msk $0xffff, v49;
	v44 =	vmul.f32 v59, v12  }
0x2df: {  	v48 =	vor.u32 v14, v38;
	v42 =	vld [tilespmem:s23+$0x30]  }
0x2e0: {  	v62 =	vmul.f32 v57, v29;
	[tilespmem:v61+s31+$0x0] =	vst.idx.add.f32.msk $0xffff, v44  }
0x2e1: {  	v55 =	vor.u32 v15, v31;
	v50 =	vld [tilespmem:s26+$0x20]  }
0x2e2: {  	v52 =	vmul.f32 v43, v30;
	[tilespmem:v60+s31+$0x0] =	vst.idx.add.f32.msk $0xffff, v62  }
0x2e3: {  	v53 =	vor.u32 v14, v32;
	v45 =	vld [tilespmem:s4+$0x40]  }
0x2e4: {  	v58 =	vmul.f32 v42, v21;
	[tilespmem:v48+s31+$0x0] =	vst.idx.add.f32.msk $0xffff, v52  }
0x2e5: {  	v51 =	vor.u32 v16, v36;
	v56 =	vld [tilespmem:s24+$0x30]  }
0x2e6: {  	[tilespmem:v55+s31+$0x0] =	vst.idx.add.f32.msk $0xffff, v58;
	v41 =	vmul.f32 v50, v12  }
0x2e7: {  	v57 =	vor.u32 v15, v38;
	v39 =	vld [tilespmem:s23+$0x40]  }
0x2e8: {  	v54 =	vmul.f32 v45, v29;
	[tilespmem:v53+s31+$0x0] =	vst.idx.add.f32.msk $0xffff, v41  }
0x2e9: {  	v63 =	vor.u32 v16, v31;
	v41 =	vld [tilespmem:s26+$0x30]  }
0x2ea: {  	v60 =	vmul.f32 v56, v30;
	[tilespmem:v51+s31+$0x0] =	vst.idx.add.f32.msk $0xffff, v54  }
0x2eb: {  	v61 =	vor.u32 v15, v32;
	v44 =	vld [tilespmem:s4+$0x50]  }
0x2ec: {  	v47 =	vmul.f32 v39, v21;
	[tilespmem:v57+s31+$0x0] =	vst.idx.add.f32.msk $0xffff, v60  }
0x2ed: {  	v59 =	vor.u32 v18, v36;
	v45 =	vld [tilespmem:s24+$0x40]  }
0x2ee: {  	[tilespmem:v63+s31+$0x0] =	vst.idx.add.f32.msk $0xffff, v47;
	v41 =	vmul.f32 v41, v12  }
0x2ef: {  	v46 =	vor.u32 v16, v38;
	v52 =	vld [tilespmem:s23+$0x50]  }
0x2f0: {  	v62 =	vmul.f32 v44, v29;
	[tilespmem:v61+s31+$0x0] =	vst.idx.add.f32.msk $0xffff, v41  }
0x2f1: {  	v54 =	vor.u32 v18, v31;
	v48 =	vld [tilespmem:s26+$0x40]  }
0x2f2: {  	v50 =	vmul.f32 v45, v30;
	[tilespmem:v59+s31+$0x0] =	vst.idx.add.f32.msk $0xffff, v62  }
0x2f3: {  	v51 =	vor.u32 v16, v32;
	v42 =	vld [tilespmem:s4+$0x60]  }
0x2f4: {  	v57 =	vmul.f32 v52, v21;
	[tilespmem:v46+s31+$0x0] =	vst.idx.add.f32.msk $0xffff, v50  }
0x2f5: {  	v49 =	vor.u32 v17, v36;
	v55 =	vld [tilespmem:s24+$0x50]  }
0x2f6: {  	[tilespmem:v54+s31+$0x0] =	vst.idx.add.f32.msk $0xffff, v57;
	v39 =	vmul.f32 v48, v12  }
0x2f7: {  	v56 =	vor.u32 v18, v38;
	v62 =	vld [tilespmem:s23+$0x60]  }
0x2f8: {  	v53 =	vmul.f32 v42, v29;
	[tilespmem:v51+s31+$0x0] =	vst.idx.add.f32.msk $0xffff, v39  }
0x2f9: {  	v44 =	vor.u32 v17, v31;
	v58 =	vld [tilespmem:s26+$0x50]  }
0x2fa: {  	v60 =	vmul.f32 v55, v30;
	[tilespmem:v49+s31+$0x0] =	vst.idx.add.f32.msk $0xffff, v53  }
0x2fb: {  	v61 =	vor.u32 v18, v32;
	v41 =	vld [tilespmem:s4+$0x70]  }
0x2fc: {  	v47 =	vmul.f32 v62, v21;
	[tilespmem:v56+s31+$0x0] =	vst.idx.add.f32.msk $0xffff, v60  }
0x2fd: {  	v59 =	vor.u32 v19, v36;
	v45 =	vld [tilespmem:s24+$0x60]  }
0x2fe: {  	[tilespmem:v44+s31+$0x0] =	vst.idx.add.f32.msk $0xffff, v47;
	v16 =	vmul.f32 v58, v12  }
0x2ff: {  	v46 =	vor.u32 v17, v38;
	v51 =	vld [tilespmem:s23+$0x70]  }
0x300: {  	v63 =	vmul.f32 v41, v29;
	[tilespmem:v61+s31+$0x0] =	vst.idx.add.f32.msk $0xffff, v16  }
0x301: {  	v53 =	vor.u32 v19, v31;
	v16 =	vld [tilespmem:s26+$0x60]  }
0x302: {  	v49 =	vmul.f32 v45, v30;
	[tilespmem:v59+s31+$0x0] =	vst.idx.add.f32.msk $0xffff, v63  }
0x303: {  	v50 =	vor.u32 v17, v32;
	v39 =	vld [tilespmem:s4+$0x400]  }
0x304: {  	v17 =	vmul.f32 v51, v21;
	[tilespmem:v46+s31+$0x0] =	vst.idx.add.f32.msk $0xffff, v49  }
0x305: {  	v48 =	vor.u32 v20, v36;
	v54 =	vld [tilespmem:s24+$0x70]  }
0x306: {  	[tilespmem:v53+s31+$0x0] =	vst.idx.add.f32.msk $0xffff, v17;
	v16 =	vmul.f32 v16, v12  }
0x307: {  	v59 =	vld [tilespmem:s23+$0x400]  }
0x308: {  	v55 =	vor.u32 v19, v38;
	v52 =	vmul.f32 v39, v29;
	[tilespmem:v50+s31+$0x0] =	vst.idx.add.f32.msk $0xffff, v16  }
0x309: {  	v56 =	vor.u32 v22, v36;
	v47 =	vor.u32 v22, v38;
	v15 =	vld [tilespmem:s26+$0x70]  }
0x30a: {  	v58 =	vor.u32 v19, v32;
	v61 =	vor.u32 v20, v31;
	[tilespmem:v48+s31+$0x0] =	vst.idx.add.f32.msk $0xffff, v52  }
0x30b: {  	v46 =	vor.u32 v22, v31;
	v57 =	vmul.f32 v54, v30;
	v50 =	vor.u32 v22, v32;
	v22 =	vld [tilespmem:s21+$0x470]  }
0x30c: {  	v18 =	vld [tilespmem:s4+$0x410]  }
0x30d: {  	v39 =	vmul.f32 v59, v21;
	[tilespmem:v55+s31+$0x0] =	vst.idx.add.f32.msk $0xffff, v57  }
0x30e: {  	v62 =	vld [tilespmem:s24+$0x400];
	v15 =	vmul.f32 v15, v12  }
0x30f: {  	[tilespmem:v61+s31+$0x0] =	vst.idx.add.f32.msk $0xffff, v39  }
0x310: {  	[tilespmem:v58+s31+$0x0] =	vst.idx.add.f32.msk $0xffff, v15  }
0x311: {  	v63 =	vor.u32 v20, v38;
	v39 =	vmul.f32 v40, v11;
	v17 =	vld [tilespmem:s26+$0x400]  }
0x312: {  	v44 =	vld [tilespmem:s23+$0x410];
	v60 =	vmul.f32 v18, v29  }
0x313: {  	v43 =	vor.u32 v20, v32;
	[tilespmem:v37+s31+$0x0] =	vst.idx.add.f32.msk $0xffff, v39  }
0x314: {  	v42 =	vmul.f32 v62, v30;
	[tilespmem:v56+s31+$0x0] =	vst.idx.add.f32.msk $0xffff, v60  }
0x315: {  	v16 =	vld [tilespmem:s4+$0x420]  }
0x316: {  	[tilespmem:v63+s31+$0x0] =	vst.idx.add.f32.msk $0xffff, v42;
	v17 =	vmul.f32 v17, v12  }
0x317: {  	v14 =	vld [tilespmem:s24+$0x410]  }
0x318: {  	v41 =	vor.u32 v23, v36;
	[tilespmem:v43+s31+$0x0] =	vst.idx.add.f32.msk $0xffff, v17  }
0x319: {  	v48 =	vmul.f32 v44, v21;
	v17 =	vld [tilespmem:s26+$0x410]  }
0x31a: {  	v18 =	vld [tilespmem:s22+$0x470]  }
0x31b: {  	[tilespmem:v46+s31+$0x0] =	vst.idx.add.f32.msk $0xffff, v48;
	v45 =	vmul.f32 v16, v29  }
0x31c: {  	v15 =	vld [tilespmem:s23+$0x420];
	v14 =	vmul.f32 v14, v30  }
0x31d: {  	[tilespmem:v41+s31+$0x0] =	vst.idx.add.f32.msk $0xffff, v45  }
0x31e: {  	v51 =	vor.u32 v23, v31;
	[tilespmem:v47+s31+$0x0] =	vst.idx.add.f32.msk $0xffff, v14;
	v17 =	vmul.f32 v17, v12  }
0x31f: {  	v52 =	vld [tilespmem:s24+$0x420]  }
0x320: {  	[tilespmem:v50+s31+$0x0] =	vst.idx.add.f32.msk $0xffff, v17  }
0x321: {  	v53 =	vor.u32 v23, v38;
	v15 =	vmul.f32 v15, v21;
	v17 =	vld [tilespmem:s26+$0x420]  }
0x322: {  	v13 =	vld [tilespmem:s4+$0x430]  }
0x323: {  	v55 =	vor.u32 v23, v32;
	[tilespmem:v51+s31+$0x0] =	vst.idx.add.f32.msk $0xffff, v15  }
0x324: {  	v15 =	vld [tilespmem:s23+$0x430];
	v56 =	vmul.f32 v52, v30  }
0x325: {  	v49 =	vor.u32 v24, v36;
	v52 =	vld [tilespmem:s20+$0x470]  }
0x326: {  	[tilespmem:v53+s31+$0x0] =	vst.idx.add.f32.msk $0xffff, v56;
	v17 =	vmul.f32 v17, v12  }
0x327: {  	v58 =	vor.u32 v24, v31;
	v14 =	vld [tilespmem:s24+$0x430]  }
0x328: {  	v13 =	vmul.f32 v13, v29;
	[tilespmem:v55+s31+$0x0] =	vst.idx.add.f32.msk $0xffff, v17  }
0x329: {  	v59 =	vor.u32 v24, v38;
	v17 =	vld [tilespmem:s26+$0x430]  }
0x32a: {  	[tilespmem:v49+s31+$0x0] =	vst.idx.add.f32.msk $0xffff, v13;
	v15 =	vmul.f32 v15, v21  }
0x32b: {  	v60 =	vor.u32 v24, v32;
	v54 =	vld [tilespmem:s4+$0x440]  }
0x32c: {  	[tilespmem:v58+s31+$0x0] =	vst.idx.add.f32.msk $0xffff, v15;
	v61 =	vmul.f32 v14, v30  }
0x32d: {  	v57 =	vor.u32 v25, v36;
	v62 =	vld [tilespmem:s23+$0x440]  }
0x32e: {  	[tilespmem:v59+s31+$0x0] =	vst.idx.add.f32.msk $0xffff, v61;
	v17 =	vmul.f32 v17, v12  }
0x32f: {  	v63 =	vor.u32 v25, v31;
	v24 =	vld [tilespmem:s24+$0x440]  }
0x330: {  	v19 =	vmul.f32 v54, v29;
	[tilespmem:v60+s31+$0x0] =	vst.idx.add.f32.msk $0xffff, v17  }
0x331: {  	v40 =	vor.u32 v25, v38;
	v16 =	vld [tilespmem:s26+$0x440]  }
0x332: {  	[tilespmem:v57+s31+$0x0] =	vst.idx.add.f32.msk $0xffff, v19;
	v14 =	vmul.f32 v62, v21  }
0x333: {  	v42 =	vor.u32 v25, v32;
	v19 =	vld [tilespmem:s4+$0x450]  }
0x334: {  	[tilespmem:v63+s31+$0x0] =	vst.idx.add.f32.msk $0xffff, v14;
	v43 =	vmul.f32 v24, v30  }
0x335: {  	v41 =	vor.u32 v26, v36;
	v14 =	vld [tilespmem:s23+$0x450]  }
0x336: {  	[tilespmem:v40+s31+$0x0] =	vst.idx.add.f32.msk $0xffff, v43;
	v16 =	vmul.f32 v16, v12  }
0x337: {  	v45 =	vor.u32 v26, v31;
	v46 =	vld [tilespmem:s24+$0x450]  }
0x338: {  	v44 =	vmul.f32 v19, v29;
	[tilespmem:v42+s31+$0x0] =	vst.idx.add.f32.msk $0xffff, v16  }
0x339: {  	v47 =	vor.u32 v26, v38;
	v16 =	vld [tilespmem:s26+$0x450]  }
0x33a: {  	[tilespmem:v41+s31+$0x0] =	vst.idx.add.f32.msk $0xffff, v44;
	v14 =	vmul.f32 v14, v21  }
0x33b: {  	v48 =	vor.u32 v26, v32;
	v17 =	vld [tilespmem:s4+$0x460]  }
0x33c: {  	[tilespmem:v45+s31+$0x0] =	vst.idx.add.f32.msk $0xffff, v14;
	v49 =	vmul.f32 v46, v30  }
0x33d: {  	v50 =	vor.u32 v27, v36;
	v14 =	vld [tilespmem:s23+$0x460]  }
0x33e: {  	[tilespmem:v47+s31+$0x0] =	vst.idx.add.f32.msk $0xffff, v49;
	v51 =	vmul.f32 v16, v12  }
0x33f: {  	v53 =	vor.u32 v27, v31;
	v13 =	vld [tilespmem:s24+$0x460]  }
0x340: {  	v17 =	vmul.f32 v17, v29;
	[tilespmem:v48+s31+$0x0] =	vst.idx.add.f32.msk $0xffff, v51  }
0x341: {  	v54 =	vor.u32 v27, v38;
	v15 =	vld [tilespmem:s26+$0x460]  }
0x342: {  	[tilespmem:v50+s31+$0x0] =	vst.idx.add.f32.msk $0xffff, v17;
	v14 =	vmul.f32 v14, v21  }
0x343: {  	v55 =	vor.u32 v27, v32;
	v19 =	vld [tilespmem:s4+$0x470]  }
0x344: {  	[tilespmem:v53+s31+$0x0] =	vst.idx.add.f32.msk $0xffff, v14;
	v13 =	vmul.f32 v13, v30  }
0x345: {  	v56 =	vld [tilespmem:s23+$0x470]  }
0x346: {  	[tilespmem:v54+s31+$0x0] =	vst.idx.add.f32.msk $0xffff, v13;
	v57 =	vmul.f32 v15, v12  }
0x347: {  	v58 =	vld [tilespmem:s24+$0x470]  }
0x348: {  	v9 =	vmul.f32 v18, v9;
	v59 =	vor.u32 v28, v36;
	[tilespmem:v55+s31+$0x0] =	vst.idx.add.f32.msk $0xffff, v57  }
0x349: {  	v10 =	vmul.f32 v22, v10;
	v60 =	vor.u32 v28, v31;
	v17 =	vld [tilespmem:s26+$0x470]  }
0x34a: {  	[tilespmem:v35+s31+$0x0] =	vst.idx.add.f32.msk $0xffff, v9;
	v9 =	vor.u32 v28, v38;
	v11 =	vmul.f32 v52, v11  }
0x34b: {  	[tilespmem:v33+s31+$0x0] =	vst.idx.add.f32.msk $0xffff, v10;
	v10 =	vor.u32 v28, v32;
	v61 =	vmul.f32 v19, v29  }
0x34c: {  	[tilespmem:v34+s31+$0x0] =	vst.idx.add.f32.msk $0xffff, v11;
	v11 =	vmul.f32 v56, v21  }
0x34d: {  	[tilespmem:v59+s31+$0x0] =	vst.idx.add.f32.msk $0xffff, v61;
	v62 =	vmul.f32 v58, v30  }
0x34e: {  	p1 =	sne.s32 s19, s17;
	[tilespmem:v60+s31+$0x0] =	vst.idx.add.f32.msk $0xffff, v11;
	v63 =	vmul.f32 v17, v12  }
.Ltmp4:
0x34f: {  	[tilespmem:v9+s31+$0x0] =	vst.idx.add.f32.msk $0xffff, v62;
	(pc) =	sbr.rel @p1 .LBB2_5-.Ltmp4, $4  }
0x350: {  	s4 =	simm.s32 @!p0 $0x4;
	[tilespmem:v10+s31+$0x0] =	vst.idx.add.f32.msk $0xffff, v63  }
0x351: {  	_ =	swait.ge @!p0 [sflag:s4], $0x50  }
0x352: {  	[sflag:s4] =	ssyncset.done @!p0 $0x0  }
0x353: {  	s21 =	smov.u32 s19;
	[sflag:s4] =	ssyncadd.s32 @!p0 $0xFFFFFFB0  }
.LBB2_10:
0x354: {  	s1 =	simm.s32 $0x0;
	p0 =	sgt.s32 s10, $0x0;
	s4 =	smov.u32 s10  }
0x355: {  	s4 =	smov.u32 @p0 s1  }
0x356: {  	s1 =	sshll.u32 s4, $0x8;
	s4 =	sadd.s32 s7, s4  }
0x357: {  	s1 =	sand.u32 $0x3FFFFF00, s1;
	s4 =	sshll.u32 s4, $0x5  }
0x358: {  	s9 =	simm.s32 $0x10;
	s1 =	sadd.s32 $0xA500, s1;
	s4 =	sadd.s32 s5, s4  }
0x359: {  	[hbm4b:s4+s6] =	stream.linear.scatter [tilespmem:s1], [sflag:$0x5], $0x1000, $0x38;
	[tilespmem:$0x1E500] =	vst v63  }
0x35a: {  	p0 =	sgt.s32 s10, $0x10;
	s4 =	smov.u32 s10;
	_ =	swait.ge [sflag:s12], $0x1000  }
0x35b: {  	s1 =	simm.s32 $0x20;
	s4 =	smov.u32 @p0 s9;
	[sflag:s12] =	ssyncset.done $0x0  }
.LBB2_11:
0x35c: {  	s9 =	sshll.u32 s4, $0x8;
	s4 =	sadd.s32 s7, s4  }
0x35d: {  	[sflag:s12] =	ssyncadd.s32 $0xFFFFF000;
	s11 =	smov.u32 s1;
	p1 =	sne.s32 s1, $0x130  }
.Ltmp5:
0x35e: {  	s9 =	sand.u32 $0x3FFFFF00, s9;
	s4 =	sshll.u32 s4, $0x5;
	(pc) =	sbr.rel @p1 .LBB2_11-.Ltmp5, $4  }
0x35f: {  	s13 =	sadd.s32 $0x10, s1;
	s9 =	sadd.s32 $0xA500, s9;
	s4 =	sadd.s32 s5, s4  }
0x360: {  	[hbm4b:s4+s6] =	stream.linear.scatter [tilespmem:s9], [sflag:$0x5], $0x1000, $0x38;
	[tilespmem:$0x1E500] =	vst v63  }
0x361: {  	p0 =	slt.s32 s11, s10;
	s4 =	smov.u32 s10;
	_ =	swait.ge [sflag:s12], $0x1000  }
0x362: {  	s1 =	smov.u32 s13;
	s4 =	smov.u32 @p0 s11;
	[sflag:s12] =	ssyncset.done $0x0  }
0x363: {  	s1 =	sshll.u32 s4, $0x8;
	s25 =	sadd.s32 s7, s4  }
0x364: {  	s1 =	sand.u32 $0x3FFFFF00, s1;
	s4 =	sshll.u32 s25, $0x5  }
0x365: {  	[sflag:s12] =	ssyncadd.s32 $0xFFFFF000;
	s1 =	sadd.s32 $0xA500, s1;
	s4 =	sadd.s32 s5, s4  }
0x366: {  	[hbm4b:s4+s6] =	stream.linear.scatter [tilespmem:s1], [sflag:$0x5], $0x1000, $0x38;
	[tilespmem:$0x1E500] =	vst v63  }
0x367: {  	_ =	swait.ge [sflag:s12], $0x1000  }
0x368: {  	s3 =	sadd.s32 $0x1, s3;
	s26 =	rddreg [dreg:$0x7]  }
0x369: {  	p0 =	sne.s32 s3, s26  }
.Ltmp6:
0x36a: {  	_ = 	snop;
	(pc) =	sbr.rel @p0 .LBB2_1-.Ltmp6, $3  }
0x36b: {  	_ =	sdelay $0x1  }
0x36c: {  	[sflag:s12] =	ssyncset.done $0x0  }
0x36d: {  	[sflag:s12] =	ssyncadd.s32 $0xFFFFF000  }
0x36e: {  	_ =	sfence.sel $0x180000  }
0x36f: {  	[bflag:$0x0] =	sbarrier.arrive $0xFFFF  }
0x370: {  	_ =	strace $0x90000047  }
0x371: {  	s0 =	stileid.u32;
	[bflag:$0x2] =	sbarrier.arrive $0xFFFF  }
0x372: {  	p0 =	sne.s32 s0, $0x0;
	s0 =	rddreg [dreg:$0x5]  }
0x373: {  	s0 =	sadd.s32 @!p0 $0x100000, s0  }
0x374: {  	[sflag:s0] =	ssyncadd.tile.s32 @!p0 $0x1;
	_ =	shalt  }
.Lfunc_end2:
_tile_overlayer_lowered:
.L_overlay_start_2:
0x375: {  	(tag) =	ssettag $0x2  }
0x376: {  	s0 =	rddreg [dreg:$0x0];
	s2 =	stileid.u32  }
0x377: {  	s1 =	rddreg [dreg:$0x1];
	p0 =	sne.s32 s2, $0x0  }
0x378: {  	s3 =	rddreg [dreg:$0x2];
	[bflag:$0x3] =	sbarrier.arrive $0xFFFF;
	s2 =	simm.s32 @!p0 $0x1C05  }
0x379: {  	[timem:s3], [sflag:s2] =	dma.local @!p0 [hbm:s0], s1  }
0x37a: {  	s0 =	simm.s32 @!p0 $0x5  }
0x37b: {  	_ =	swait.ge @!p0 [sflag:s0], s1  }
0x37c: {  	s1 =	ssub.s32 @!p0 $0x0, s1;
	[sflag:s0] =	ssyncset.done @!p0 $0x0  }
0x37d: {  	[sflag:s0] =	ssyncadd.s32 @!p0 s1  }
0x37e: {  	[bflag:$0x3] =	sbarrier.arrive $0xFFFF  }
0x37f: {  	_ =	shalt  }

</sc_bundles>
